<compile_context>
chip_gen: v7x
topology: tpu7x:2x2x1
jax: 0.10.2.dev20260603
libtpu: 0.0.44.dev20260713+nightly
codegen_flags: <defaults>
</compile_context>

<pallas_src>
import functools

import jax
import jax.numpy as jnp
from jax import lax
from jax.experimental import pallas as pl
from jax.experimental.pallas import tpu as pltpu
from jax.experimental.pallas import tpu_sc as plsc

N = 10000
E = 320000
D = 128
H = 128
C = 16
G = 64

NC = 2
NS = 16
NW = NC * NS
EPW = E // NW
K = 40
NCH = EPW // K
NBUF = 5
SLK = 1
CCH = 2000
RPT = 624
RLAST = N - (NS - 1) * RPT


def _make_agg_body(with_counts):
    def _agg_body(x_hbm, src_hbm, dst_hbm, zrow_hbm, out_hbm, outc_hbm,
                  acc, cnt, sidx, didx, rows, ones, cntv, gsems, ssems,
                  csem):
        c = lax.axis_index("c")
        s = lax.axis_index("s")
        wid = s * NC + c

        pltpu.sync_copy(src_hbm.at[wid], sidx)
        pltpu.sync_copy(dst_hbm.at[wid], didx)

        def sl(ref, g):
            return ref.at[pl.ds(g * K, K)]

        if with_counts:
            for j in range(-(-K // 16)):
                ones[pl.ds(j * 16, 16)] = jnp.ones((16,), jnp.float32)

        @pl.when(s < NS - 1)
        def _():
            pltpu.sync_copy(zrow_hbm.at[pl.ds(s * RPT, RPT)],
                            acc.at[pl.ds(s * RPT, RPT)])

        @pl.when(s == NS - 1)
        def _():
            pltpu.sync_copy(zrow_hbm.at[pl.ds((NS - 1) * RPT, RLAST)],
                            acc.at[pl.ds((NS - 1) * RPT, RLAST)])

        if with_counts:
            @pl.when(s == 0)
            def _():
                def zb(j, _):
                    cntv[pl.ds(j * 16, 16)] = jnp.zeros((16,), jnp.float32)
                    return 0
                lax.fori_loop(0, CCH // 16, zb, 0)
                def zc(j, _):
                    pltpu.sync_copy(cntv, cnt.at[pl.ds(j * CCH, CCH)])
                    return 0
                lax.fori_loop(0, N // CCH, zc, 0)

        plsc.subcore_barrier()

        def gather(g, b):
            pltpu.async_copy(x_hbm.at[sl(sidx, g)], rows.at[b], gsems.at[b])

        def gather_wait(g, b):
            pltpu.make_async_copy(x_hbm.at[sl(sidx, g)], rows.at[b],
                                  gsems.at[b]).wait()

        def scatter(g, b):
            pltpu.async_copy(rows.at[b], acc.at[sl(didx, g)], ssems.at[b],
                             add=True)

        def scatter_wait(g, b):
            pltpu.make_async_copy(rows.at[b], acc.at[sl(didx, g)],
                                  ssems.at[b]).wait()

        for b in range(NBUF - SLK):
            gather(b, b)

        def body(i, _):
            for b in range(NBUF):
                g = i * NBUF + b
                gather_wait(g, b)
                scatter(g, b)
                if with_counts:
                    @pl.when(g >= SLK)
                    def _():
                        pltpu.make_async_copy(
                            ones.at[pl.ds(0, K)], cnt.at[sl(didx, g)],
                            csem.at[(b - SLK) % NBUF]).wait()
                    pltpu.async_copy(ones.at[pl.ds(0, K)], cnt.at[sl(didx, g)],
                                     csem.at[b], add=True)
                @pl.when(g >= SLK)
                def _():
                    scatter_wait(g - SLK, (b - SLK) % NBUF)

                @pl.when(g + NBUF - SLK < NCH)
                def _():
                    gather(g + NBUF - SLK, (b + NBUF - SLK) % NBUF)
            return 0

        lax.fori_loop(0, NCH // NBUF, body, 0)

        for q in range(SLK):
            g = NCH - SLK + q
            scatter_wait(g, g % NBUF)
        if with_counts:
            for q in range(SLK):
                g = NCH - SLK + q
                pltpu.make_async_copy(ones.at[pl.ds(0, K)],
                                      cnt.at[sl(didx, 0)],
                                      csem.at[g % NBUF]).wait()

        plsc.subcore_barrier()

        @pl.when(s < NS - 1)
        def _():
            pltpu.sync_copy(acc.at[pl.ds(s * RPT, RPT)],
                            out_hbm.at[c, pl.ds(s * RPT, RPT)])

        @pl.when(s == NS - 1)
        def _():
            pltpu.sync_copy(acc.at[pl.ds((NS - 1) * RPT, RLAST)],
                            out_hbm.at[c, pl.ds((NS - 1) * RPT, RLAST)])

        if with_counts:
            @pl.when(s == 0)
            def _():
                def cc(j, _):
                    pltpu.sync_copy(cnt.at[pl.ds(j * CCH, CCH)], cntv)
                    pltpu.sync_copy(
                        cntv, outc_hbm.at[pl.ds(c * N + j * CCH, CCH)])
                    return 0
                lax.fori_loop(0, N // CCH, cc, 0)

    return _agg_body


def _make_agg_call(with_counts):
    return functools.partial(
        pl.kernel,
        out_type=(jax.ShapeDtypeStruct((NC, N, D), jnp.float32),
                  jax.ShapeDtypeStruct((NC * N,), jnp.float32)),
        mesh=plsc.VectorSubcoreMesh(core_axis_name="c",
                                    subcore_axis_name="s"),
        scratch_types=[
            pltpu.VMEM_SHARED((N, D), jnp.float32),
            pltpu.VMEM_SHARED((N,), jnp.float32),
            pltpu.VMEM((EPW,), jnp.int32),
            pltpu.VMEM((EPW,), jnp.int32),
            pltpu.VMEM((NBUF, K, D), jnp.float32),
            pltpu.VMEM((16 * -(-K // 16),), jnp.float32),
            pltpu.VMEM((CCH,), jnp.float32),
            pltpu.SemaphoreType.DMA((NBUF,)),
            pltpu.SemaphoreType.DMA((NBUF,)),
            pltpu.SemaphoreType.DMA((NBUF,)),
        ],
    )(_make_agg_body(with_counts))


_agg_counts = _make_agg_call(True)
_agg_plain = _make_agg_call(False)


R = 1000
NB = N // R


def _dense1_body(pp, cp, x, wl, wr, b, out):
    inv = 1.0 / jnp.maximum(cp[0] + cp[1], 1.0)
    agg = (pp[0] + pp[1]) * inv
    h = (jnp.dot(agg, wl[...], preferred_element_type=jnp.float32)
         + jnp.dot(x[...], wr[...], preferred_element_type=jnp.float32)
         + b[...])
    out[...] = jnp.maximum(h, 0.0)


def _dense1(Pp, Cp, x, wl_t, wr_t, b):
    return pl.pallas_call(
        _dense1_body,
        grid=(NB,),
        in_specs=[
            pl.BlockSpec((NC, R, D), lambda i: (0, i, 0)),
            pl.BlockSpec((NC, R, 1), lambda i: (0, i, 0)),
            pl.BlockSpec((R, D), lambda i: (i, 0)),
            pl.BlockSpec((D, H), lambda i: (0, 0)),
            pl.BlockSpec((D, H), lambda i: (0, 0)),
            pl.BlockSpec((1, H), lambda i: (0, 0)),
        ],
        out_specs=pl.BlockSpec((R, H), lambda i: (i, 0)),
        out_shape=jax.ShapeDtypeStruct((N, H), jnp.float32),
    )(Pp, Cp, x, wl_t, wr_t, b)


def _dense2_body(pp, cp, h1, bidx, wl, wr, b, wfc, bfc, out,
                 pooled, gcnt):
    i = pl.program_id(0)

    inv = 1.0 / jnp.maximum(cp[0] + cp[1], 1.0)
    agg = (pp[0] + pp[1]) * inv
    h2 = (jnp.dot(agg, wl[...], preferred_element_type=jnp.float32)
          + jnp.dot(h1[...], wr[...], preferred_element_type=jnp.float32)
          + b[...])
    h2 = jnp.maximum(h2, 0.0)

    bids = bidx[0]
    gids = lax.broadcasted_iota(jnp.int32, (G, R), 0)
    oh = jnp.where(gids == jnp.broadcast_to(bids, (G, R)), 1.0, 0.0)

    @pl.when(i == 0)
    def _():
        pooled[...] = jnp.zeros_like(pooled)
        gcnt[...] = jnp.zeros_like(gcnt)

    pooled[...] += jnp.dot(oh, h2, preferred_element_type=jnp.float32)
    gcnt[...] += jnp.sum(oh, axis=1, keepdims=True)

    @pl.when(i == NB - 1)
    def _():
        mean = pooled[...] / jnp.maximum(gcnt[...], 1.0)
        logits = (jnp.dot(mean, wfc[...], preferred_element_type=jnp.float32)
                  + bfc[...])
        z = logits - jnp.max(logits, axis=-1, keepdims=True)
        e = jnp.exp(z)
        out[...] = e / jnp.sum(e, axis=-1, keepdims=True)


def _dense2(Pp, Cp, h1, batch3, wl_t, wr_t, b, wfc_t, bfc):
    return pl.pallas_call(
        _dense2_body,
        grid=(NB,),
        in_specs=[
            pl.BlockSpec((NC, R, D), lambda i: (0, i, 0)),
            pl.BlockSpec((NC, R, 1), lambda i: (0, i, 0)),
            pl.BlockSpec((R, D), lambda i: (i, 0)),
            pl.BlockSpec((1, 1, R), lambda i: (i, 0, 0)),
            pl.BlockSpec((D, H), lambda i: (0, 0)),
            pl.BlockSpec((D, H), lambda i: (0, 0)),
            pl.BlockSpec((1, H), lambda i: (0, 0)),
            pl.BlockSpec((H, C), lambda i: (0, 0)),
            pl.BlockSpec((1, C), lambda i: (0, 0)),
        ],
        out_specs=pl.BlockSpec((G, C), lambda i: (0, 0)),
        out_shape=jax.ShapeDtypeStruct((G, C), jnp.float32),
        scratch_shapes=[
            pltpu.VMEM((G, H), jnp.float32),
            pltpu.VMEM((G, 1), jnp.float32),
        ],
    )(Pp, Cp, h1, batch3, wl_t, wr_t, b, wfc_t, bfc)


def kernel(x, edge_index, batch, W1l, b1, W1r, W2l, b2, W2r, Wfc, bfc):
    src = edge_index[0].reshape(NW, EPW)
    dst = edge_index[1].reshape(NW, EPW)
    zrow = jnp.zeros((N, D), jnp.float32)

    P1, C1 = _agg_counts(x, src, dst, zrow)
    h1 = _dense1(P1, C1.reshape(NC, N, 1), x,
                 W1l.T, W1r.T, b1.reshape(1, H))

    P2, _ = _agg_plain(h1, src, dst, zrow)
    out = _dense2(P2, C1.reshape(NC, N, 1), h1, batch.reshape(NB, 1, R),
                  W2l.T, W2r.T, b2.reshape(1, H),
                  Wfc.T, bfc.reshape(1, C))
    return out

# --- scband reference (transcript-rebuilt; emitter-appended) ---
"""Pipeline reference for scband-bgnnclassifier-42563125904012 (READ-ONLY COPY).

The authoritative reference and input builder live on the scoring server;
editing this copy changes nothing except your own understanding.
"""

import jax, jax.numpy as jnp
import numpy as np

N = 10000
E = 320000
D = 128
H = 128
C = 16
G = 64


def setup_inputs(seed: int = 0) -> dict:
    key = jax.random.key(seed)
    ks = jax.random.split(key, 12)
    x = jax.random.normal(ks[0], (N, D), dtype=jnp.float32)
    edge_index = jax.random.randint(ks[1], (2, E), 0, N, dtype=jnp.int32)
    batch = jnp.sort(jax.random.randint(ks[2], (N,), 0, G, dtype=jnp.int32))
    s1 = 1.0 / np.sqrt(D)
    s2 = 1.0 / np.sqrt(H)
    W1l = jax.random.uniform(ks[3], (H, D), jnp.float32, -s1, s1)
    b1 = jax.random.uniform(ks[4], (H,), jnp.float32, -s1, s1)
    W1r = jax.random.uniform(ks[5], (H, D), jnp.float32, -s1, s1)
    W2l = jax.random.uniform(ks[6], (H, H), jnp.float32, -s2, s2)
    b2 = jax.random.uniform(ks[7], (H,), jnp.float32, -s2, s2)
    W2r = jax.random.uniform(ks[8], (H, H), jnp.float32, -s2, s2)
    Wfc = jax.random.uniform(ks[9], (C, H), jnp.float32, -s2, s2)
    bfc = jax.random.uniform(ks[10], (C,), jnp.float32, -s2, s2)
    return {"x": x, "edge_index": edge_index, "batch": batch,
            "W1l": W1l, "b1": b1, "W1r": W1r,
            "W2l": W2l, "b2": b2, "W2r": W2r,
            "Wfc": Wfc, "bfc": bfc}


def _sage_conv(x, edge_index, Wl, bl, Wr):
    # torch_geometric SAGEConv (mean aggr): out = lin_l(mean_{j->i} x_j) + lin_r(x_i)
    src = edge_index[0]
    dst = edge_index[1]
    msg = x[src]
    agg_sum = jax.ops.segment_sum(msg, dst, num_segments=N)
    cnt = jax.ops.segment_sum(jnp.ones((E,), jnp.float32), dst, num_segments=N)
    agg = agg_sum / jnp.maximum(cnt, 1.0)[:, None]
    return agg @ Wl.T + bl + x @ Wr.T


def reference(x, edge_index, batch, W1l, b1, W1r, W2l, b2, W2r, Wfc, bfc):
    h = jax.nn.relu(_sage_conv(x, edge_index, W1l, b1, W1r))
    h = jax.nn.relu(_sage_conv(h, edge_index, W2l, b2, W2r))
    # global_mean_pool over batch assignment
    pooled_sum = jax.ops.segment_sum(h, batch, num_segments=G)
    pooled_cnt = jax.ops.segment_sum(jnp.ones((N,), jnp.float32), batch, num_segments=G)
    pooled = pooled_sum / jnp.maximum(pooled_cnt, 1.0)[:, None]
    logits = pooled @ Wfc.T + bfc
    return jax.nn.softmax(logits, axis=-1)

if __name__ == "__main__":
    import jax
    _d = setup_inputs()
    print(jax.jit(kernel)(*tuple(_d.values())))

</pallas_src>

<mosaic_0001>
#map = affine_map<(d0, d1) -> (0, 0)>
#map1 = affine_map<(d0, d1) -> (0, 0, 0)>
#map2 = affine_map<(d0, d1) -> (0)>
module attributes {stable_mosaic.version = 14 : i64} {
  func.func @_agg_body(%arg0: i32, %arg1: i32, %arg2: memref<10000x128xf32, #tpu.memory_space<hbm>>, %arg3: memref<32x10000xi32, #tpu.memory_space<hbm>>, %arg4: memref<32x10000xi32, #tpu.memory_space<hbm>>, %arg5: memref<10000x128xf32, #tpu.memory_space<hbm>>, %arg6: memref<2x10000x128xf32, #tpu.memory_space<hbm>>, %arg7: memref<20000xf32, #tpu.memory_space<hbm>>, %arg8: memref<10000x128xf32, #tpu.memory_space<vmem_shared>>, %arg9: memref<10000xf32, #tpu.memory_space<vmem_shared>>, %arg10: memref<10000xi32, #tpu.memory_space<vmem>>, %arg11: memref<10000xi32, #tpu.memory_space<vmem>>, %arg12: memref<5x40x128xf32, #tpu.memory_space<vmem>>, %arg13: memref<48xf32, #tpu.memory_space<vmem>>, %arg14: memref<2000xf32, #tpu.memory_space<vmem>>, %arg15: memref<5x!tpu.dma_semaphore, #tpu.memory_space<semaphore_mem>>, %arg16: memref<5x!tpu.dma_semaphore, #tpu.memory_space<semaphore_mem>>, %arg17: memref<5x!tpu.dma_semaphore, #tpu.memory_space<semaphore_mem>>) attributes {dimension_semantics = [#tpu.dimension_semantics<core_parallel>, #tpu.dimension_semantics<subcore_parallel>], iteration_bounds = array<i64: 2, 16>, scalar_prefetch = 0 : i64, scratch_operands = 10 : i64, tpu.core_type = #tpu.core_type<sc_vector_subcore>, window_params = [{transform_indices = #map}, {transform_indices = #map}, {transform_indices = #map}, {transform_indices = #map}, {transform_indices = #map1}, {transform_indices = #map2}]} {
    %mul3A = arith.constant 2 : i32
    %mul3A_0 = arith.muli %arg1, %mul3A : i32
    %add3A = arith.addi %mul3A_0, %arg0 : i32
    "tpu.region"() ({
      %run_scoped3A = tpu.sem_alloc : memref<!tpu.dma_semaphore, #tpu.memory_space<semaphore_mem>>
      %dma_start3A_87 = arith.constant 0 : i32
      %dma_start3A_88 = tpu.memref_slice %arg3[%add3A, %dma_start3A_87] : memref<32x10000xi32, #tpu.memory_space<hbm>> -> memref<1x10000xi32, #tpu.memory_space<hbm>>
      %dma_start3A_89 = tpu.memref_squeeze %dma_start3A_88 : memref<1x10000xi32, #tpu.memory_space<hbm>> -> memref<10000xi32, #tpu.memory_space<hbm>>
      %dma_start3A_90 = arith.constant 0 : i32
      %dma_start3A_91 = tpu.memref_slice %arg3[%add3A, %dma_start3A_90] : memref<32x10000xi32, #tpu.memory_space<hbm>> -> memref<1x10000xi32, #tpu.memory_space<hbm>>
      %dma_start3A_92 = tpu.memref_squeeze %dma_start3A_91 : memref<1x10000xi32, #tpu.memory_space<hbm>> -> memref<10000xi32, #tpu.memory_space<hbm>>
      tpu.enqueue_dma source(%dma_start3A_92 : memref<10000xi32, #tpu.memory_space<hbm>>) target(%arg10 : memref<10000xi32, #tpu.memory_space<vmem>>) target_semaphore(%run_scoped3A : memref<!tpu.dma_semaphore, #tpu.memory_space<semaphore_mem>>)
      %dma_wait3A_93 = arith.constant 0 : i32
      %dma_wait3A_94 = tpu.memref_slice %arg3[%add3A, %dma_wait3A_93] : memref<32x10000xi32, #tpu.memory_space<hbm>> -> memref<1x10000xi32, #tpu.memory_space<hbm>>
      %dma_wait3A_95 = tpu.memref_squeeze %dma_wait3A_94 : memref<1x10000xi32, #tpu.memory_space<hbm>> -> memref<10000xi32, #tpu.memory_space<hbm>>
      %dma_wait3A_96 = arith.constant 0 : i32
      %dma_wait3A_97 = tpu.memref_slice %arg3[%add3A, %dma_wait3A_96] : memref<32x10000xi32, #tpu.memory_space<hbm>> -> memref<1x10000xi32, #tpu.memory_space<hbm>>
      %dma_wait3A_98 = tpu.memref_squeeze %dma_wait3A_97 : memref<1x10000xi32, #tpu.memory_space<hbm>> -> memref<10000xi32, #tpu.memory_space<hbm>>
      tpu.wait_dma2 semaphore(%run_scoped3A : memref<!tpu.dma_semaphore, #tpu.memory_space<semaphore_mem>>) src(%dma_wait3A_98 : memref<10000xi32, #tpu.memory_space<hbm>>) dst(%arg10 : memref<10000xi32, #tpu.memory_space<vmem>>)
      tpu.yield
    }) : () -> ()
    "tpu.region"() ({
      %run_scoped3A = tpu.sem_alloc : memref<!tpu.dma_semaphore, #tpu.memory_space<semaphore_mem>>
      %dma_start3A_87 = arith.constant 0 : i32
      %dma_start3A_88 = tpu.memref_slice %arg4[%add3A, %dma_start3A_87] : memref<32x10000xi32, #tpu.memory_space<hbm>> -> memref<1x10000xi32, #tpu.memory_space<hbm>>
      %dma_start3A_89 = tpu.memref_squeeze %dma_start3A_88 : memref<1x10000xi32, #tpu.memory_space<hbm>> -> memref<10000xi32, #tpu.memory_space<hbm>>
      %dma_start3A_90 = arith.constant 0 : i32
      %dma_start3A_91 = tpu.memref_slice %arg4[%add3A, %dma_start3A_90] : memref<32x10000xi32, #tpu.memory_space<hbm>> -> memref<1x10000xi32, #tpu.memory_space<hbm>>
      %dma_start3A_92 = tpu.memref_squeeze %dma_start3A_91 : memref<1x10000xi32, #tpu.memory_space<hbm>> -> memref<10000xi32, #tpu.memory_space<hbm>>
      tpu.enqueue_dma source(%dma_start3A_92 : memref<10000xi32, #tpu.memory_space<hbm>>) target(%arg11 : memref<10000xi32, #tpu.memory_space<vmem>>) target_semaphore(%run_scoped3A : memref<!tpu.dma_semaphore, #tpu.memory_space<semaphore_mem>>)
      %dma_wait3A_93 = arith.constant 0 : i32
      %dma_wait3A_94 = tpu.memref_slice %arg4[%add3A, %dma_wait3A_93] : memref<32x10000xi32, #tpu.memory_space<hbm>> -> memref<1x10000xi32, #tpu.memory_space<hbm>>
      %dma_wait3A_95 = tpu.memref_squeeze %dma_wait3A_94 : memref<1x10000xi32, #tpu.memory_space<hbm>> -> memref<10000xi32, #tpu.memory_space<hbm>>
      %dma_wait3A_96 = arith.constant 0 : i32
      %dma_wait3A_97 = tpu.memref_slice %arg4[%add3A, %dma_wait3A_96] : memref<32x10000xi32, #tpu.memory_space<hbm>> -> memref<1x10000xi32, #tpu.memory_space<hbm>>
      %dma_wait3A_98 = tpu.memref_squeeze %dma_wait3A_97 : memref<1x10000xi32, #tpu.memory_space<hbm>> -> memref<10000xi32, #tpu.memory_space<hbm>>
      tpu.wait_dma2 semaphore(%run_scoped3A : memref<!tpu.dma_semaphore, #tpu.memory_space<semaphore_mem>>) src(%dma_wait3A_98 : memref<10000xi32, #tpu.memory_space<hbm>>) dst(%arg11 : memref<10000xi32, #tpu.memory_space<vmem>>)
      tpu.yield
    }) : () -> ()
    %lt3A = arith.constant 15 : i32
    %lt3A_1 = arith.cmpi slt, %arg1, %lt3A : i32
    %convert_element_type3A = arith.extui %lt3A_1 : i1 to i32
    %cond3A = arith.constant 0 : i32
    %cond3A_2 = arith.cmpi ne, %convert_element_type3A, %cond3A : i32
    scf.if %cond3A_2 {
      %mul3A_87 = arith.constant 624 : i32
      %mul3A_88 = arith.muli %arg1, %mul3A_87 : i32
      %mul3A_89 = arith.constant 624 : i32
      %mul3A_90 = arith.muli %arg1, %mul3A_89 : i32
      "tpu.region"() ({
        %run_scoped3A = tpu.sem_alloc : memref<!tpu.dma_semaphore, #tpu.memory_space<semaphore_mem>>
        %dma_start3A_91 = arith.constant 0 : i32
        %dma_start3A_92 = tpu.memref_slice %arg8[%mul3A_90, %dma_start3A_91] : memref<10000x128xf32, #tpu.memory_space<vmem_shared>> -> memref<624x128xf32, #tpu.memory_space<vmem_shared>>
        %dma_start3A_93 = arith.constant 0 : i32
        %dma_start3A_94 = tpu.memref_slice %arg5[%mul3A_88, %dma_start3A_93] : memref<10000x128xf32, #tpu.memory_space<hbm>> -> memref<624x128xf32, #tpu.memory_space<hbm>>
        tpu.enqueue_dma source(%dma_start3A_94 : memref<624x128xf32, #tpu.memory_space<hbm>>) target(%dma_start3A_92 : memref<624x128xf32, #tpu.memory_space<vmem_shared>>) target_semaphore(%run_scoped3A : memref<!tpu.dma_semaphore, #tpu.memory_space<semaphore_mem>>)
        %dma_wait3A_95 = arith.constant 0 : i32
        %dma_wait3A_96 = tpu.memref_slice %arg8[%mul3A_90, %dma_wait3A_95] : memref<10000x128xf32, #tpu.memory_space<vmem_shared>> -> memref<624x128xf32, #tpu.memory_space<vmem_shared>>
        %dma_wait3A_97 = arith.constant 0 : i32
        %dma_wait3A_98 = tpu.memref_slice %arg5[%mul3A_88, %dma_wait3A_97] : memref<10000x128xf32, #tpu.memory_space<hbm>> -> memref<624x128xf32, #tpu.memory_space<hbm>>
        tpu.wait_dma2 semaphore(%run_scoped3A : memref<!tpu.dma_semaphore, #tpu.memory_space<semaphore_mem>>) src(%dma_wait3A_98 : memref<624x128xf32, #tpu.memory_space<hbm>>) dst(%dma_wait3A_96 : memref<624x128xf32, #tpu.memory_space<vmem_shared>>)
        tpu.yield
      }) : () -> ()
    } else {
    }
    %eq3A = arith.constant 15 : i32
    %eq3A_3 = arith.cmpi eq, %arg1, %eq3A : i32
    %convert_element_type3A_4 = arith.extui %eq3A_3 : i1 to i32
    %cond3A_5 = arith.constant 0 : i32
    %cond3A_6 = arith.cmpi ne, %convert_element_type3A_4, %cond3A_5 : i32
    scf.if %cond3A_6 {
      "tpu.region"() ({
        %run_scoped3A = tpu.sem_alloc : memref<!tpu.dma_semaphore, #tpu.memory_space<semaphore_mem>>
        %dma_start3A_87 = arith.constant 9360 : i32
        %dma_start3A_88 = arith.constant 0 : i32
        %dma_start3A_89 = tpu.memref_slice %arg8[%dma_start3A_87, %dma_start3A_88] : memref<10000x128xf32, #tpu.memory_space<vmem_shared>> -> memref<640x128xf32, #tpu.memory_space<vmem_shared>>
        %dma_start3A_90 = arith.constant 9360 : i32
        %dma_start3A_91 = arith.constant 0 : i32
        %dma_start3A_92 = tpu.memref_slice %arg5[%dma_start3A_90, %dma_start3A_91] : memref<10000x128xf32, #tpu.memory_space<hbm>> -> memref<640x128xf32, #tpu.memory_space<hbm>>
        tpu.enqueue_dma source(%dma_start3A_92 : memref<640x128xf32, #tpu.memory_space<hbm>>) target(%dma_start3A_89 : memref<640x128xf32, #tpu.memory_space<vmem_shared>>) target_semaphore(%run_scoped3A : memref<!tpu.dma_semaphore, #tpu.memory_space<semaphore_mem>>)
        %dma_wait3A_93 = arith.constant 9360 : i32
        %dma_wait3A_94 = arith.constant 0 : i32
        %dma_wait3A_95 = tpu.memref_slice %arg8[%dma_wait3A_93, %dma_wait3A_94] : memref<10000x128xf32, #tpu.memory_space<vmem_shared>> -> memref<640x128xf32, #tpu.memory_space<vmem_shared>>
        %dma_wait3A_96 = arith.constant 9360 : i32
        %dma_wait3A_97 = arith.constant 0 : i32
        %dma_wait3A_98 = tpu.memref_slice %arg5[%dma_wait3A_96, %dma_wait3A_97] : memref<10000x128xf32, #tpu.memory_space<hbm>> -> memref<640x128xf32, #tpu.memory_space<hbm>>
        tpu.wait_dma2 semaphore(%run_scoped3A : memref<!tpu.dma_semaphore, #tpu.memory_space<semaphore_mem>>) src(%dma_wait3A_98 : memref<640x128xf32, #tpu.memory_space<hbm>>) dst(%dma_wait3A_95 : memref<640x128xf32, #tpu.memory_space<vmem_shared>>)
        tpu.yield
      }) : () -> ()
    } else {
    }
    %barrier3A = arith.constant 0 : index
    tpu.barrier barrier_id(%barrier3A)
    %dma_start3A = arith.constant 0 : i32
    %dma_start3A_7 = arith.constant 0 : i32
    %dma_start3A_8 = arith.constant 0 : i32
    %dma_start3A_9 = arith.constant 0 : i32
    %dma_start3A_10 = tpu.memref_slice %arg12[%dma_start3A, %dma_start3A_8, %dma_start3A_9] : memref<5x40x128xf32, #tpu.memory_space<vmem>> -> memref<1x40x128xf32, #tpu.memory_space<vmem>>
    %dma_start3A_11 = tpu.memref_squeeze %dma_start3A_10 : memref<1x40x128xf32, #tpu.memory_space<vmem>> -> memref<40x128xf32, #tpu.memory_space<vmem>>
    %dma_start3A_12 = arith.constant 0 : i32
    %dma_start3A_13 = tpu.memref_slice %arg10[%dma_start3A_12] : memref<10000xi32, #tpu.memory_space<vmem>> -> memref<40xi32, #tpu.memory_space<vmem>>
    %dma_start3A_14 = arith.constant 0 : i32
    %dma_start3A_15 = arith.constant 0 : i32
    %dma_start3A_16 = tpu.memref_slice %arg2[%dma_start3A_14, %dma_start3A_15] : memref<10000x128xf32, #tpu.memory_space<hbm>> -> memref<10000x128xf32, #tpu.memory_space<hbm>>
    %dma_start3A_17 = tpu.memref_slice %arg15[%dma_start3A_7] : memref<5x!tpu.dma_semaphore, #tpu.memory_space<semaphore_mem>> -> memref<1x!tpu.dma_semaphore, #tpu.memory_space<semaphore_mem>>
    %dma_start3A_18 = tpu.memref_squeeze %dma_start3A_17 : memref<1x!tpu.dma_semaphore, #tpu.memory_space<semaphore_mem>> -> memref<!tpu.dma_semaphore, #tpu.memory_space<semaphore_mem>>
    tpu.enqueue_indirect_dma source(%dma_start3A_16 : memref<10000x128xf32, #tpu.memory_space<hbm>>) target(%dma_start3A_11 : memref<40x128xf32, #tpu.memory_space<vmem>>) offsets(%dma_start3A_13 : memref<40xi32, #tpu.memory_space<vmem>>) semaphore(%dma_start3A_18 : memref<!tpu.dma_semaphore, #tpu.memory_space<semaphore_mem>>)
    %dma_start3A_19 = arith.constant 1 : i32
    %dma_start3A_20 = arith.constant 1 : i32
    %dma_start3A_21 = arith.constant 0 : i32
    %dma_start3A_22 = arith.constant 0 : i32
    %dma_start3A_23 = tpu.memref_slice %arg12[%dma_start3A_19, %dma_start3A_21, %dma_start3A_22] : memref<5x40x128xf32, #tpu.memory_space<vmem>> -> memref<1x40x128xf32, #tpu.memory_space<vmem>>
    %dma_start3A_24 = tpu.memref_squeeze %dma_start3A_23 : memref<1x40x128xf32, #tpu.memory_space<vmem>> -> memref<40x128xf32, #tpu.memory_space<vmem>>
    %dma_start3A_25 = arith.constant 40 : i32
    %dma_start3A_26 = tpu.memref_slice %arg10[%dma_start3A_25] : memref<10000xi32, #tpu.memory_space<vmem>> -> memref<40xi32, #tpu.memory_space<vmem>>
    %dma_start3A_27 = arith.constant 0 : i32
    %dma_start3A_28 = arith.constant 0 : i32
    %dma_start3A_29 = tpu.memref_slice %arg2[%dma_start3A_27, %dma_start3A_28] : memref<10000x128xf32, #tpu.memory_space<hbm>> -> memref<10000x128xf32, #tpu.memory_space<hbm>>
    %dma_start3A_30 = tpu.memref_slice %arg15[%dma_start3A_20] : memref<5x!tpu.dma_semaphore, #tpu.memory_space<semaphore_mem>> -> memref<1x!tpu.dma_semaphore, #tpu.memory_space<semaphore_mem>>
    %dma_start3A_31 = tpu.memref_squeeze %dma_start3A_30 : memref<1x!tpu.dma_semaphore, #tpu.memory_space<semaphore_mem>> -> memref<!tpu.dma_semaphore, #tpu.memory_space<semaphore_mem>>
    tpu.enqueue_indirect_dma source(%dma_start3A_29 : memref<10000x128xf32, #tpu.memory_space<hbm>>) target(%dma_start3A_24 : memref<40x128xf32, #tpu.memory_space<vmem>>) offsets(%dma_start3A_26 : memref<40xi32, #tpu.memory_space<vmem>>) semaphore(%dma_start3A_31 : memref<!tpu.dma_semaphore, #tpu.memory_space<semaphore_mem>>)
    %dma_start3A_32 = arith.constant 2 : i32
    %dma_start3A_33 = arith.constant 2 : i32
    %dma_start3A_34 = arith.constant 0 : i32
    %dma_start3A_35 = arith.constant 0 : i32
    %dma_start3A_36 = tpu.memref_slice %arg12[%dma_start3A_32, %dma_start3A_34, %dma_start3A_35] : memref<5x40x128xf32, #tpu.memory_space<vmem>> -> memref<1x40x128xf32, #tpu.memory_space<vmem>>
    %dma_start3A_37 = tpu.memref_squeeze %dma_start3A_36 : memref<1x40x128xf32, #tpu.memory_space<vmem>> -> memref<40x128xf32, #tpu.memory_space<vmem>>
    %dma_start3A_38 = arith.constant 80 : i32
    %dma_start3A_39 = tpu.memref_slice %arg10[%dma_start3A_38] : memref<10000xi32, #tpu.memory_space<vmem>> -> memref<40xi32, #tpu.memory_space<vmem>>
    %dma_start3A_40 = arith.constant 0 : i32
    %dma_start3A_41 = arith.constant 0 : i32
    %dma_start3A_42 = tpu.memref_slice %arg2[%dma_start3A_40, %dma_start3A_41] : memref<10000x128xf32, #tpu.memory_space<hbm>> -> memref<10000x128xf32, #tpu.memory_space<hbm>>
    %dma_start3A_43 = tpu.memref_slice %arg15[%dma_start3A_33] : memref<5x!tpu.dma_semaphore, #tpu.memory_space<semaphore_mem>> -> memref<1x!tpu.dma_semaphore, #tpu.memory_space<semaphore_mem>>
    %dma_start3A_44 = tpu.memref_squeeze %dma_start3A_43 : memref<1x!tpu.dma_semaphore, #tpu.memory_space<semaphore_mem>> -> memref<!tpu.dma_semaphore, #tpu.memory_space<semaphore_mem>>
    tpu.enqueue_indirect_dma source(%dma_start3A_42 : memref<10000x128xf32, #tpu.memory_space<hbm>>) target(%dma_start3A_37 : memref<40x128xf32, #tpu.memory_space<vmem>>) offsets(%dma_start3A_39 : memref<40xi32, #tpu.memory_space<vmem>>) semaphore(%dma_start3A_44 : memref<!tpu.dma_semaphore, #tpu.memory_space<semaphore_mem>>)
    %dma_start3A_45 = arith.constant 3 : i32
    %dma_start3A_46 = arith.constant 3 : i32
    %dma_start3A_47 = arith.constant 0 : i32
    %dma_start3A_48 = arith.constant 0 : i32
    %dma_start3A_49 = tpu.memref_slice %arg12[%dma_start3A_45, %dma_start3A_47, %dma_start3A_48] : memref<5x40x128xf32, #tpu.memory_space<vmem>> -> memref<1x40x128xf32, #tpu.memory_space<vmem>>
    %dma_start3A_50 = tpu.memref_squeeze %dma_start3A_49 : memref<1x40x128xf32, #tpu.memory_space<vmem>> -> memref<40x128xf32, #tpu.memory_space<vmem>>
    %dma_start3A_51 = arith.constant 120 : i32
    %dma_start3A_52 = tpu.memref_slice %arg10[%dma_start3A_51] : memref<10000xi32, #tpu.memory_space<vmem>> -> memref<40xi32, #tpu.memory_space<vmem>>
    %dma_start3A_53 = arith.constant 0 : i32
    %dma_start3A_54 = arith.constant 0 : i32
    %dma_start3A_55 = tpu.memref_slice %arg2[%dma_start3A_53, %dma_start3A_54] : memref<10000x128xf32, #tpu.memory_space<hbm>> -> memref<10000x128xf32, #tpu.memory_space<hbm>>
    %dma_start3A_56 = tpu.memref_slice %arg15[%dma_start3A_46] : memref<5x!tpu.dma_semaphore, #tpu.memory_space<semaphore_mem>> -> memref<1x!tpu.dma_semaphore, #tpu.memory_space<semaphore_mem>>
    %dma_start3A_57 = tpu.memref_squeeze %dma_start3A_56 : memref<1x!tpu.dma_semaphore, #tpu.memory_space<semaphore_mem>> -> memref<!tpu.dma_semaphore, #tpu.memory_space<semaphore_mem>>
    tpu.enqueue_indirect_dma source(%dma_start3A_55 : memref<10000x128xf32, #tpu.memory_space<hbm>>) target(%dma_start3A_50 : memref<40x128xf32, #tpu.memory_space<vmem>>) offsets(%dma_start3A_52 : memref<40xi32, #tpu.memory_space<vmem>>) semaphore(%dma_start3A_57 : memref<!tpu.dma_semaphore, #tpu.memory_space<semaphore_mem>>)
    %scan3A = arith.constant 0 : i32
    %scan3A_58 = arith.constant 0 : i32
    %scan3A_59 = arith.constant 50 : i32
    %scan3A_60 = arith.addi %scan3A_58, %scan3A_59 : i32
    %scan3A_61 = arith.constant 1 : i32
    %scan3A_62 = scf.for %scan3A_87 = %scan3A_58 to %scan3A_60 step %scan3A_61 iter_args(%scan3A_88 = %scan3A) -> (i32)  : i32 {
      %mul3A_89 = arith.constant 5 : i32
      %mul3A_90 = arith.muli %scan3A_87, %mul3A_89 : i32
      %add3A_91 = arith.constant 0 : i32
      %add3A_92 = arith.addi %mul3A_90, %add3A_91 : i32
      %mul3A_93 = arith.constant 40 : i32
      %mul3A_94 = arith.muli %add3A_92, %mul3A_93 : i32
      %dma_wait3A_95 = arith.constant 0 : i32
      %dma_wait3A_96 = arith.constant 0 : i32
      %dma_wait3A_97 = arith.constant 0 : i32
      %dma_wait3A_98 = arith.constant 0 : i32
      %dma_wait3A_99 = tpu.memref_slice %arg12[%dma_wait3A_95, %dma_wait3A_97, %dma_wait3A_98] : memref<5x40x128xf32, #tpu.memory_space<vmem>> -> memref<1x40x128xf32, #tpu.memory_space<vmem>>
      %dma_wait3A_100 = tpu.memref_squeeze %dma_wait3A_99 : memref<1x40x128xf32, #tpu.memory_space<vmem>> -> memref<40x128xf32, #tpu.memory_space<vmem>>
      %dma_wait3A_101 = tpu.memref_slice %arg10[%mul3A_94] : memref<10000xi32, #tpu.memory_space<vmem>> -> memref<40xi32, #tpu.memory_space<vmem>>
      %dma_wait3A_102 = arith.constant 0 : i32
      %dma_wait3A_103 = arith.constant 0 : i32
      %dma_wait3A_104 = tpu.memref_slice %arg2[%dma_wait3A_102, %dma_wait3A_103] : memref<10000x128xf32, #tpu.memory_space<hbm>> -> memref<10000x128xf32, #tpu.memory_space<hbm>>
      %dma_wait3A_105 = tpu.memref_slice %arg15[%dma_wait3A_96] : memref<5x!tpu.dma_semaphore, #tpu.memory_space<semaphore_mem>> -> memref<1x!tpu.dma_semaphore, #tpu.memory_space<semaphore_mem>>
      %dma_wait3A_106 = tpu.memref_squeeze %dma_wait3A_105 : memref<1x!tpu.dma_semaphore, #tpu.memory_space<semaphore_mem>> -> memref<!tpu.dma_semaphore, #tpu.memory_space<semaphore_mem>>
      tpu.wait_indirect_dma semaphore(%dma_wait3A_106 : memref<!tpu.dma_semaphore, #tpu.memory_space<semaphore_mem>>) src(%dma_wait3A_104 : memref<10000x128xf32, #tpu.memory_space<hbm>>) dst(%dma_wait3A_100 : memref<40x128xf32, #tpu.memory_space<vmem>>)
      %mul3A_107 = arith.constant 40 : i32
      %mul3A_108 = arith.muli %add3A_92, %mul3A_107 : i32
      %dma_start3A_109 = arith.constant 0 : i32
      %dma_start3A_110 = arith.constant 0 : i32
      %dma_start3A_111 = arith.constant 0 : i32
      %dma_start3A_112 = arith.constant 0 : i32
      %dma_start3A_113 = tpu.memref_slice %arg12[%dma_start3A_109, %dma_start3A_111, %dma_start3A_112] : memref<5x40x128xf32, #tpu.memory_space<vmem>> -> memref<1x40x128xf32, #tpu.memory_space<vmem>>
      %dma_start3A_114 = tpu.memref_squeeze %dma_start3A_113 : memref<1x40x128xf32, #tpu.memory_space<vmem>> -> memref<40x128xf32, #tpu.memory_space<vmem>>
      %dma_start3A_115 = tpu.memref_slice %arg11[%mul3A_108] : memref<10000xi32, #tpu.memory_space<vmem>> -> memref<40xi32, #tpu.memory_space<vmem>>
      %dma_start3A_116 = arith.constant 0 : i32
      %dma_start3A_117 = arith.constant 0 : i32
      %dma_start3A_118 = tpu.memref_slice %arg8[%dma_start3A_116, %dma_start3A_117] : memref<10000x128xf32, #tpu.memory_space<vmem_shared>> -> memref<10000x128xf32, #tpu.memory_space<vmem_shared>>
      %dma_start3A_119 = tpu.memref_slice %arg16[%dma_start3A_110] : memref<5x!tpu.dma_semaphore, #tpu.memory_space<semaphore_mem>> -> memref<1x!tpu.dma_semaphore, #tpu.memory_space<semaphore_mem>>
      %dma_start3A_120 = tpu.memref_squeeze %dma_start3A_119 : memref<1x!tpu.dma_semaphore, #tpu.memory_space<semaphore_mem>> -> memref<!tpu.dma_semaphore, #tpu.memory_space<semaphore_mem>>
      tpu.enqueue_indirect_dma source(%dma_start3A_114 : memref<40x128xf32, #tpu.memory_space<vmem>>) target(%dma_start3A_118 : memref<10000x128xf32, #tpu.memory_space<vmem_shared>>) offsets(%dma_start3A_115 : memref<40xi32, #tpu.memory_space<vmem>>) semaphore(%dma_start3A_120 : memref<!tpu.dma_semaphore, #tpu.memory_space<semaphore_mem>>) {add = true}
      %ge3A = arith.constant 1 : i32
      %ge3A_121 = arith.cmpi sge, %add3A_92, %ge3A : i32
      %convert_element_type3A_122 = arith.extui %ge3A_121 : i1 to i32
      %cond3A_123 = arith.constant 0 : i32
      %cond3A_124 = arith.cmpi ne, %convert_element_type3A_122, %cond3A_123 : i32
      scf.if %cond3A_124 {
        %sub3A_318 = arith.constant 1 : i32
        %sub3A_319 = arith.subi %add3A_92, %sub3A_318 : i32
        %mul3A_320 = arith.constant 40 : i32
        %mul3A_321 = arith.muli %sub3A_319, %mul3A_320 : i32
        %dma_wait3A_322 = arith.constant 4 : i32
        %dma_wait3A_323 = arith.constant 4 : i32
        %dma_wait3A_324 = arith.constant 0 : i32
        %dma_wait3A_325 = arith.constant 0 : i32
        %dma_wait3A_326 = tpu.memref_slice %arg12[%dma_wait3A_322, %dma_wait3A_324, %dma_wait3A_325] : memref<5x40x128xf32, #tpu.memory_space<vmem>> -> memref<1x40x128xf32, #tpu.memory_space<vmem>>
        %dma_wait3A_327 = tpu.memref_squeeze %dma_wait3A_326 : memref<1x40x128xf32, #tpu.memory_space<vmem>> -> memref<40x128xf32, #tpu.memory_space<vmem>>
        %dma_wait3A_328 = tpu.memref_slice %arg11[%mul3A_321] : memref<10000xi32, #tpu.memory_space<vmem>> -> memref<40xi32, #tpu.memory_space<vmem>>
        %dma_wait3A_329 = arith.constant 0 : i32
        %dma_wait3A_330 = arith.constant 0 : i32
        %dma_wait3A_331 = tpu.memref_slice %arg8[%dma_wait3A_329, %dma_wait3A_330] : memref<10000x128xf32, #tpu.memory_space<vmem_shared>> -> memref<10000x128xf32, #tpu.memory_space<vmem_shared>>
        %dma_wait3A_332 = tpu.memref_slice %arg16[%dma_wait3A_323] : memref<5x!tpu.dma_semaphore, #tpu.memory_space<semaphore_mem>> -> memref<1x!tpu.dma_semaphore, #tpu.memory_space<semaphore_mem>>
        %dma_wait3A_333 = tpu.memref_squeeze %dma_wait3A_332 : memref<1x!tpu.dma_semaphore, #tpu.memory_space<semaphore_mem>> -> memref<!tpu.dma_semaphore, #tpu.memory_space<semaphore_mem>>
        tpu.wait_indirect_dma semaphore(%dma_wait3A_333 : memref<!tpu.dma_semaphore, #tpu.memory_space<semaphore_mem>>) src(%dma_wait3A_327 : memref<40x128xf32, #tpu.memory_space<vmem>>) dst(%dma_wait3A_331 : memref<10000x128xf32, #tpu.memory_space<vmem_shared>>)
      } else {
      }
      %add3A_125 = arith.constant 5 : i32
      %add3A_126 = arith.addi %add3A_92, %add3A_125 : i32
      %sub3A = arith.constant 1 : i32
      %sub3A_127 = arith.subi %add3A_126, %sub3A : i32
      %lt3A_128 = arith.constant 250 : i32
      %lt3A_129 = arith.cmpi slt, %sub3A_127, %lt3A_128 : i32
      %convert_element_type3A_130 = arith.extui %lt3A_129 : i1 to i32
      %cond3A_131 = arith.constant 0 : i32
      %cond3A_132 = arith.cmpi ne, %convert_element_type3A_130, %cond3A_131 : i32
      scf.if %cond3A_132 {
        %add3A_318 = arith.constant 5 : i32
        %add3A_319 = arith.addi %add3A_92, %add3A_318 : i32
        %sub3A_320 = arith.constant 1 : i32
        %sub3A_321 = arith.subi %add3A_319, %sub3A_320 : i32
        %mul3A_322 = arith.constant 40 : i32
        %mul3A_323 = arith.muli %sub3A_321, %mul3A_322 : i32
        %dma_start3A_324 = arith.constant 4 : i32
        %dma_start3A_325 = arith.constant 4 : i32
        %dma_start3A_326 = arith.constant 0 : i32
        %dma_start3A_327 = arith.constant 0 : i32
        %dma_start3A_328 = tpu.memref_slice %arg12[%dma_start3A_324, %dma_start3A_326, %dma_start3A_327] : memref<5x40x128xf32, #tpu.memory_space<vmem>> -> memref<1x40x128xf32, #tpu.memory_space<vmem>>
        %dma_start3A_329 = tpu.memref_squeeze %dma_start3A_328 : memref<1x40x128xf32, #tpu.memory_space<vmem>> -> memref<40x128xf32, #tpu.memory_space<vmem>>
        %dma_start3A_330 = tpu.memref_slice %arg10[%mul3A_323] : memref<10000xi32, #tpu.memory_space<vmem>> -> memref<40xi32, #tpu.memory_space<vmem>>
        %dma_start3A_331 = arith.constant 0 : i32
        %dma_start3A_332 = arith.constant 0 : i32
        %dma_start3A_333 = tpu.memref_slice %arg2[%dma_start3A_331, %dma_start3A_332] : memref<10000x128xf32, #tpu.memory_space<hbm>> -> memref<10000x128xf32, #tpu.memory_space<hbm>>
        %dma_start3A_334 = tpu.memref_slice %arg15[%dma_start3A_325] : memref<5x!tpu.dma_semaphore, #tpu.memory_space<semaphore_mem>> -> memref<1x!tpu.dma_semaphore, #tpu.memory_space<semaphore_mem>>
        %dma_start3A_335 = tpu.memref_squeeze %dma_start3A_334 : memref<1x!tpu.dma_semaphore, #tpu.memory_space<semaphore_mem>> -> memref<!tpu.dma_semaphore, #tpu.memory_space<semaphore_mem>>
        tpu.enqueue_indirect_dma source(%dma_start3A_333 : memref<10000x128xf32, #tpu.memory_space<hbm>>) target(%dma_start3A_329 : memref<40x128xf32, #tpu.memory_space<vmem>>) offsets(%dma_start3A_330 : memref<40xi32, #tpu.memory_space<vmem>>) semaphore(%dma_start3A_335 : memref<!tpu.dma_semaphore, #tpu.memory_space<semaphore_mem>>)
      } else {
      }
      %mul3A_133 = arith.constant 5 : i32
      %mul3A_134 = arith.muli %scan3A_87, %mul3A_133 : i32
      %add3A_135 = arith.constant 1 : i32
      %add3A_136 = arith.addi %mul3A_134, %add3A_135 : i32
      %mul3A_137 = arith.constant 40 : i32
      %mul3A_138 = arith.muli %add3A_136, %mul3A_137 : i32
      %dma_wait3A_139 = arith.constant 1 : i32
      %dma_wait3A_140 = arith.constant 1 : i32
      %dma_wait3A_141 = arith.constant 0 : i32
      %dma_wait3A_142 = arith.constant 0 : i32
      %dma_wait3A_143 = tpu.memref_slice %arg12[%dma_wait3A_139, %dma_wait3A_141, %dma_wait3A_142] : memref<5x40x128xf32, #tpu.memory_space<vmem>> -> memref<1x40x128xf32, #tpu.memory_space<vmem>>
      %dma_wait3A_144 = tpu.memref_squeeze %dma_wait3A_143 : memref<1x40x128xf32, #tpu.memory_space<vmem>> -> memref<40x128xf32, #tpu.memory_space<vmem>>
      %dma_wait3A_145 = tpu.memref_slice %arg10[%mul3A_138] : memref<10000xi32, #tpu.memory_space<vmem>> -> memref<40xi32, #tpu.memory_space<vmem>>
      %dma_wait3A_146 = arith.constant 0 : i32
      %dma_wait3A_147 = arith.constant 0 : i32
      %dma_wait3A_148 = tpu.memref_slice %arg2[%dma_wait3A_146, %dma_wait3A_147] : memref<10000x128xf32, #tpu.memory_space<hbm>> -> memref<10000x128xf32, #tpu.memory_space<hbm>>
      %dma_wait3A_149 = tpu.memref_slice %arg15[%dma_wait3A_140] : memref<5x!tpu.dma_semaphore, #tpu.memory_space<semaphore_mem>> -> memref<1x!tpu.dma_semaphore, #tpu.memory_space<semaphore_mem>>
      %dma_wait3A_150 = tpu.memref_squeeze %dma_wait3A_149 : memref<1x!tpu.dma_semaphore, #tpu.memory_space<semaphore_mem>> -> memref<!tpu.dma_semaphore, #tpu.memory_space<semaphore_mem>>
      tpu.wait_indirect_dma semaphore(%dma_wait3A_150 : memref<!tpu.dma_semaphore, #tpu.memory_space<semaphore_mem>>) src(%dma_wait3A_148 : memref<10000x128xf32, #tpu.memory_space<hbm>>) dst(%dma_wait3A_144 : memref<40x128xf32, #tpu.memory_space<vmem>>)
      %mul3A_151 = arith.constant 40 : i32
      %mul3A_152 = arith.muli %add3A_136, %mul3A_151 : i32
      %dma_start3A_153 = arith.constant 1 : i32
      %dma_start3A_154 = arith.constant 1 : i32
      %dma_start3A_155 = arith.constant 0 : i32
      %dma_start3A_156 = arith.constant 0 : i32
      %dma_start3A_157 = tpu.memref_slice %arg12[%dma_start3A_153, %dma_start3A_155, %dma_start3A_156] : memref<5x40x128xf32, #tpu.memory_space<vmem>> -> memref<1x40x128xf32, #tpu.memory_space<vmem>>
      %dma_start3A_158 = tpu.memref_squeeze %dma_start3A_157 : memref<1x40x128xf32, #tpu.memory_space<vmem>> -> memref<40x128xf32, #tpu.memory_space<vmem>>
      %dma_start3A_159 = tpu.memref_slice %arg11[%mul3A_152] : memref<10000xi32, #tpu.memory_space<vmem>> -> memref<40xi32, #tpu.memory_space<vmem>>
      %dma_start3A_160 = arith.constant 0 : i32
      %dma_start3A_161 = arith.constant 0 : i32
      %dma_start3A_162 = tpu.memref_slice %arg8[%dma_start3A_160, %dma_start3A_161] : memref<10000x128xf32, #tpu.memory_space<vmem_shared>> -> memref<10000x128xf32, #tpu.memory_space<vmem_shared>>
      %dma_start3A_163 = tpu.memref_slice %arg16[%dma_start3A_154] : memref<5x!tpu.dma_semaphore, #tpu.memory_space<semaphore_mem>> -> memref<1x!tpu.dma_semaphore, #tpu.memory_space<semaphore_mem>>
      %dma_start3A_164 = tpu.memref_squeeze %dma_start3A_163 : memref<1x!tpu.dma_semaphore, #tpu.memory_space<semaphore_mem>> -> memref<!tpu.dma_semaphore, #tpu.memory_space<semaphore_mem>>
      tpu.enqueue_indirect_dma source(%dma_start3A_158 : memref<40x128xf32, #tpu.memory_space<vmem>>) target(%dma_start3A_162 : memref<10000x128xf32, #tpu.memory_space<vmem_shared>>) offsets(%dma_start3A_159 : memref<40xi32, #tpu.memory_space<vmem>>) semaphore(%dma_start3A_164 : memref<!tpu.dma_semaphore, #tpu.memory_space<semaphore_mem>>) {add = true}
      %ge3A_165 = arith.constant 1 : i32
      %ge3A_166 = arith.cmpi sge, %add3A_136, %ge3A_165 : i32
      %convert_element_type3A_167 = arith.extui %ge3A_166 : i1 to i32
      %cond3A_168 = arith.constant 0 : i32
      %cond3A_169 = arith.cmpi ne, %convert_element_type3A_167, %cond3A_168 : i32
      scf.if %cond3A_169 {
        %sub3A_318 = arith.constant 1 : i32
        %sub3A_319 = arith.subi %add3A_136, %sub3A_318 : i32
        %mul3A_320 = arith.constant 40 : i32
        %mul3A_321 = arith.muli %sub3A_319, %mul3A_320 : i32
        %dma_wait3A_322 = arith.constant 0 : i32
        %dma_wait3A_323 = arith.constant 0 : i32
        %dma_wait3A_324 = arith.constant 0 : i32
        %dma_wait3A_325 = arith.constant 0 : i32
        %dma_wait3A_326 = tpu.memref_slice %arg12[%dma_wait3A_322, %dma_wait3A_324, %dma_wait3A_325] : memref<5x40x128xf32, #tpu.memory_space<vmem>> -> memref<1x40x128xf32, #tpu.memory_space<vmem>>
        %dma_wait3A_327 = tpu.memref_squeeze %dma_wait3A_326 : memref<1x40x128xf32, #tpu.memory_space<vmem>> -> memref<40x128xf32, #tpu.memory_space<vmem>>
        %dma_wait3A_328 = tpu.memref_slice %arg11[%mul3A_321] : memref<10000xi32, #tpu.memory_space<vmem>> -> memref<40xi32, #tpu.memory_space<vmem>>
        %dma_wait3A_329 = arith.constant 0 : i32
        %dma_wait3A_330 = arith.constant 0 : i32
        %dma_wait3A_331 = tpu.memref_slice %arg8[%dma_wait3A_329, %dma_wait3A_330] : memref<10000x128xf32, #tpu.memory_space<vmem_shared>> -> memref<10000x128xf32, #tpu.memory_space<vmem_shared>>
        %dma_wait3A_332 = tpu.memref_slice %arg16[%dma_wait3A_323] : memref<5x!tpu.dma_semaphore, #tpu.memory_space<semaphore_mem>> -> memref<1x!tpu.dma_semaphore, #tpu.memory_space<semaphore_mem>>
        %dma_wait3A_333 = tpu.memref_squeeze %dma_wait3A_332 : memref<1x!tpu.dma_semaphore, #tpu.memory_space<semaphore_mem>> -> memref<!tpu.dma_semaphore, #tpu.memory_space<semaphore_mem>>
        tpu.wait_indirect_dma semaphore(%dma_wait3A_333 : memref<!tpu.dma_semaphore, #tpu.memory_space<semaphore_mem>>) src(%dma_wait3A_327 : memref<40x128xf32, #tpu.memory_space<vmem>>) dst(%dma_wait3A_331 : memref<10000x128xf32, #tpu.memory_space<vmem_shared>>)
      } else {
      }
      %add3A_170 = arith.constant 5 : i32
      %add3A_171 = arith.addi %add3A_136, %add3A_170 : i32
      %sub3A_172 = arith.constant 1 : i32
      %sub3A_173 = arith.subi %add3A_171, %sub3A_172 : i32
      %lt3A_174 = arith.constant 250 : i32
      %lt3A_175 = arith.cmpi slt, %sub3A_173, %lt3A_174 : i32
      %convert_element_type3A_176 = arith.extui %lt3A_175 : i1 to i32
      %cond3A_177 = arith.constant 0 : i32
      %cond3A_178 = arith.cmpi ne, %convert_element_type3A_176, %cond3A_177 : i32
      scf.if %cond3A_178 {
        %add3A_318 = arith.constant 5 : i32
        %add3A_319 = arith.addi %add3A_136, %add3A_318 : i32
        %sub3A_320 = arith.constant 1 : i32
        %sub3A_321 = arith.subi %add3A_319, %sub3A_320 : i32
        %mul3A_322 = arith.constant 40 : i32
        %mul3A_323 = arith.muli %sub3A_321, %mul3A_322 : i32
        %dma_start3A_324 = arith.constant 0 : i32
        %dma_start3A_325 = arith.constant 0 : i32
        %dma_start3A_326 = arith.constant 0 : i32
        %dma_start3A_327 = arith.constant 0 : i32
        %dma_start3A_328 = tpu.memref_slice %arg12[%dma_start3A_324, %dma_start3A_326, %dma_start3A_327] : memref<5x40x128xf32, #tpu.memory_space<vmem>> -> memref<1x40x128xf32, #tpu.memory_space<vmem>>
        %dma_start3A_329 = tpu.memref_squeeze %dma_start3A_328 : memref<1x40x128xf32, #tpu.memory_space<vmem>> -> memref<40x128xf32, #tpu.memory_space<vmem>>
        %dma_start3A_330 = tpu.memref_slice %arg10[%mul3A_323] : memref<10000xi32, #tpu.memory_space<vmem>> -> memref<40xi32, #tpu.memory_space<vmem>>
        %dma_start3A_331 = arith.constant 0 : i32
        %dma_start3A_332 = arith.constant 0 : i32
        %dma_start3A_333 = tpu.memref_slice %arg2[%dma_start3A_331, %dma_start3A_332] : memref<10000x128xf32, #tpu.memory_space<hbm>> -> memref<10000x128xf32, #tpu.memory_space<hbm>>
        %dma_start3A_334 = tpu.memref_slice %arg15[%dma_start3A_325] : memref<5x!tpu.dma_semaphore, #tpu.memory_space<semaphore_mem>> -> memref<1x!tpu.dma_semaphore, #tpu.memory_space<semaphore_mem>>
        %dma_start3A_335 = tpu.memref_squeeze %dma_start3A_334 : memref<1x!tpu.dma_semaphore, #tpu.memory_space<semaphore_mem>> -> memref<!tpu.dma_semaphore, #tpu.memory_space<semaphore_mem>>
        tpu.enqueue_indirect_dma source(%dma_start3A_333 : memref<10000x128xf32, #tpu.memory_space<hbm>>) target(%dma_start3A_329 : memref<40x128xf32, #tpu.memory_space<vmem>>) offsets(%dma_start3A_330 : memref<40xi32, #tpu.memory_space<vmem>>) semaphore(%dma_start3A_335 : memref<!tpu.dma_semaphore, #tpu.memory_space<semaphore_mem>>)
      } else {
      }
      %mul3A_179 = arith.constant 5 : i32
      %mul3A_180 = arith.muli %scan3A_87, %mul3A_179 : i32
      %add3A_181 = arith.constant 2 : i32
      %add3A_182 = arith.addi %mul3A_180, %add3A_181 : i32
      %mul3A_183 = arith.constant 40 : i32
      %mul3A_184 = arith.muli %add3A_182, %mul3A_183 : i32
      %dma_wait3A_185 = arith.constant 2 : i32
      %dma_wait3A_186 = arith.constant 2 : i32
      %dma_wait3A_187 = arith.constant 0 : i32
      %dma_wait3A_188 = arith.constant 0 : i32
      %dma_wait3A_189 = tpu.memref_slice %arg12[%dma_wait3A_185, %dma_wait3A_187, %dma_wait3A_188] : memref<5x40x128xf32, #tpu.memory_space<vmem>> -> memref<1x40x128xf32, #tpu.memory_space<vmem>>
      %dma_wait3A_190 = tpu.memref_squeeze %dma_wait3A_189 : memref<1x40x128xf32, #tpu.memory_space<vmem>> -> memref<40x128xf32, #tpu.memory_space<vmem>>
      %dma_wait3A_191 = tpu.memref_slice %arg10[%mul3A_184] : memref<10000xi32, #tpu.memory_space<vmem>> -> memref<40xi32, #tpu.memory_space<vmem>>
      %dma_wait3A_192 = arith.constant 0 : i32
      %dma_wait3A_193 = arith.constant 0 : i32
      %dma_wait3A_194 = tpu.memref_slice %arg2[%dma_wait3A_192, %dma_wait3A_193] : memref<10000x128xf32, #tpu.memory_space<hbm>> -> memref<10000x128xf32, #tpu.memory_space<hbm>>
      %dma_wait3A_195 = tpu.memref_slice %arg15[%dma_wait3A_186] : memref<5x!tpu.dma_semaphore, #tpu.memory_space<semaphore_mem>> -> memref<1x!tpu.dma_semaphore, #tpu.memory_space<semaphore_mem>>
      %dma_wait3A_196 = tpu.memref_squeeze %dma_wait3A_195 : memref<1x!tpu.dma_semaphore, #tpu.memory_space<semaphore_mem>> -> memref<!tpu.dma_semaphore, #tpu.memory_space<semaphore_mem>>
      tpu.wait_indirect_dma semaphore(%dma_wait3A_196 : memref<!tpu.dma_semaphore, #tpu.memory_space<semaphore_mem>>) src(%dma_wait3A_194 : memref<10000x128xf32, #tpu.memory_space<hbm>>) dst(%dma_wait3A_190 : memref<40x128xf32, #tpu.memory_space<vmem>>)
      %mul3A_197 = arith.constant 40 : i32
      %mul3A_198 = arith.muli %add3A_182, %mul3A_197 : i32
      %dma_start3A_199 = arith.constant 2 : i32
      %dma_start3A_200 = arith.constant 2 : i32
      %dma_start3A_201 = arith.constant 0 : i32
      %dma_start3A_202 = arith.constant 0 : i32
      %dma_start3A_203 = tpu.memref_slice %arg12[%dma_start3A_199, %dma_start3A_201, %dma_start3A_202] : memref<5x40x128xf32, #tpu.memory_space<vmem>> -> memref<1x40x128xf32, #tpu.memory_space<vmem>>
      %dma_start3A_204 = tpu.memref_squeeze %dma_start3A_203 : memref<1x40x128xf32, #tpu.memory_space<vmem>> -> memref<40x128xf32, #tpu.memory_space<vmem>>
      %dma_start3A_205 = tpu.memref_slice %arg11[%mul3A_198] : memref<10000xi32, #tpu.memory_space<vmem>> -> memref<40xi32, #tpu.memory_space<vmem>>
      %dma_start3A_206 = arith.constant 0 : i32
      %dma_start3A_207 = arith.constant 0 : i32
      %dma_start3A_208 = tpu.memref_slice %arg8[%dma_start3A_206, %dma_start3A_207] : memref<10000x128xf32, #tpu.memory_space<vmem_shared>> -> memref<10000x128xf32, #tpu.memory_space<vmem_shared>>
      %dma_start3A_209 = tpu.memref_slice %arg16[%dma_start3A_200] : memref<5x!tpu.dma_semaphore, #tpu.memory_space<semaphore_mem>> -> memref<1x!tpu.dma_semaphore, #tpu.memory_space<semaphore_mem>>
      %dma_start3A_210 = tpu.memref_squeeze %dma_start3A_209 : memref<1x!tpu.dma_semaphore, #tpu.memory_space<semaphore_mem>> -> memref<!tpu.dma_semaphore, #tpu.memory_space<semaphore_mem>>
      tpu.enqueue_indirect_dma source(%dma_start3A_204 : memref<40x128xf32, #tpu.memory_space<vmem>>) target(%dma_start3A_208 : memref<10000x128xf32, #tpu.memory_space<vmem_shared>>) offsets(%dma_start3A_205 : memref<40xi32, #tpu.memory_space<vmem>>) semaphore(%dma_start3A_210 : memref<!tpu.dma_semaphore, #tpu.memory_space<semaphore_mem>>) {add = true}
      %ge3A_211 = arith.constant 1 : i32
      %ge3A_212 = arith.cmpi sge, %add3A_182, %ge3A_211 : i32
      %convert_element_type3A_213 = arith.extui %ge3A_212 : i1 to i32
      %cond3A_214 = arith.constant 0 : i32
      %cond3A_215 = arith.cmpi ne, %convert_element_type3A_213, %cond3A_214 : i32
      scf.if %cond3A_215 {
        %sub3A_318 = arith.constant 1 : i32
        %sub3A_319 = arith.subi %add3A_182, %sub3A_318 : i32
        %mul3A_320 = arith.constant 40 : i32
        %mul3A_321 = arith.muli %sub3A_319, %mul3A_320 : i32
        %dma_wait3A_322 = arith.constant 1 : i32
        %dma_wait3A_323 = arith.constant 1 : i32
        %dma_wait3A_324 = arith.constant 0 : i32
        %dma_wait3A_325 = arith.constant 0 : i32
        %dma_wait3A_326 = tpu.memref_slice %arg12[%dma_wait3A_322, %dma_wait3A_324, %dma_wait3A_325] : memref<5x40x128xf32, #tpu.memory_space<vmem>> -> memref<1x40x128xf32, #tpu.memory_space<vmem>>
        %dma_wait3A_327 = tpu.memref_squeeze %dma_wait3A_326 : memref<1x40x128xf32, #tpu.memory_space<vmem>> -> memref<40x128xf32, #tpu.memory_space<vmem>>
        %dma_wait3A_328 = tpu.memref_slice %arg11[%mul3A_321] : memref<10000xi32, #tpu.memory_space<vmem>> -> memref<40xi32, #tpu.memory_space<vmem>>
        %dma_wait3A_329 = arith.constant 0 : i32
        %dma_wait3A_330 = arith.constant 0 : i32
        %dma_wait3A_331 = tpu.memref_slice %arg8[%dma_wait3A_329, %dma_wait3A_330] : memref<10000x128xf32, #tpu.memory_space<vmem_shared>> -> memref<10000x128xf32, #tpu.memory_space<vmem_shared>>
        %dma_wait3A_332 = tpu.memref_slice %arg16[%dma_wait3A_323] : memref<5x!tpu.dma_semaphore, #tpu.memory_space<semaphore_mem>> -> memref<1x!tpu.dma_semaphore, #tpu.memory_space<semaphore_mem>>
        %dma_wait3A_333 = tpu.memref_squeeze %dma_wait3A_332 : memref<1x!tpu.dma_semaphore, #tpu.memory_space<semaphore_mem>> -> memref<!tpu.dma_semaphore, #tpu.memory_space<semaphore_mem>>
        tpu.wait_indirect_dma semaphore(%dma_wait3A_333 : memref<!tpu.dma_semaphore, #tpu.memory_space<semaphore_mem>>) src(%dma_wait3A_327 : memref<40x128xf32, #tpu.memory_space<vmem>>) dst(%dma_wait3A_331 : memref<10000x128xf32, #tpu.memory_space<vmem_shared>>)
      } else {
      }
      %add3A_216 = arith.constant 5 : i32
      %add3A_217 = arith.addi %add3A_182, %add3A_216 : i32
      %sub3A_218 = arith.constant 1 : i32
      %sub3A_219 = arith.subi %add3A_217, %sub3A_218 : i32
      %lt3A_220 = arith.constant 250 : i32
      %lt3A_221 = arith.cmpi slt, %sub3A_219, %lt3A_220 : i32
      %convert_element_type3A_222 = arith.extui %lt3A_221 : i1 to i32
      %cond3A_223 = arith.constant 0 : i32
      %cond3A_224 = arith.cmpi ne, %convert_element_type3A_222, %cond3A_223 : i32
      scf.if %cond3A_224 {
        %add3A_318 = arith.constant 5 : i32
        %add3A_319 = arith.addi %add3A_182, %add3A_318 : i32
        %sub3A_320 = arith.constant 1 : i32
        %sub3A_321 = arith.subi %add3A_319, %sub3A_320 : i32
        %mul3A_322 = arith.constant 40 : i32
        %mul3A_323 = arith.muli %sub3A_321, %mul3A_322 : i32
        %dma_start3A_324 = arith.constant 1 : i32
        %dma_start3A_325 = arith.constant 1 : i32
        %dma_start3A_326 = arith.constant 0 : i32
        %dma_start3A_327 = arith.constant 0 : i32
        %dma_start3A_328 = tpu.memref_slice %arg12[%dma_start3A_324, %dma_start3A_326, %dma_start3A_327] : memref<5x40x128xf32, #tpu.memory_space<vmem>> -> memref<1x40x128xf32, #tpu.memory_space<vmem>>
        %dma_start3A_329 = tpu.memref_squeeze %dma_start3A_328 : memref<1x40x128xf32, #tpu.memory_space<vmem>> -> memref<40x128xf32, #tpu.memory_space<vmem>>
        %dma_start3A_330 = tpu.memref_slice %arg10[%mul3A_323] : memref<10000xi32, #tpu.memory_space<vmem>> -> memref<40xi32, #tpu.memory_space<vmem>>
        %dma_start3A_331 = arith.constant 0 : i32
        %dma_start3A_332 = arith.constant 0 : i32
        %dma_start3A_333 = tpu.memref_slice %arg2[%dma_start3A_331, %dma_start3A_332] : memref<10000x128xf32, #tpu.memory_space<hbm>> -> memref<10000x128xf32, #tpu.memory_space<hbm>>
        %dma_start3A_334 = tpu.memref_slice %arg15[%dma_start3A_325] : memref<5x!tpu.dma_semaphore, #tpu.memory_space<semaphore_mem>> -> memref<1x!tpu.dma_semaphore, #tpu.memory_space<semaphore_mem>>
        %dma_start3A_335 = tpu.memref_squeeze %dma_start3A_334 : memref<1x!tpu.dma_semaphore, #tpu.memory_space<semaphore_mem>> -> memref<!tpu.dma_semaphore, #tpu.memory_space<semaphore_mem>>
        tpu.enqueue_indirect_dma source(%dma_start3A_333 : memref<10000x128xf32, #tpu.memory_space<hbm>>) target(%dma_start3A_329 : memref<40x128xf32, #tpu.memory_space<vmem>>) offsets(%dma_start3A_330 : memref<40xi32, #tpu.memory_space<vmem>>) semaphore(%dma_start3A_335 : memref<!tpu.dma_semaphore, #tpu.memory_space<semaphore_mem>>)
      } else {
      }
      %mul3A_225 = arith.constant 5 : i32
      %mul3A_226 = arith.muli %scan3A_87, %mul3A_225 : i32
      %add3A_227 = arith.constant 3 : i32
      %add3A_228 = arith.addi %mul3A_226, %add3A_227 : i32
      %mul3A_229 = arith.constant 40 : i32
      %mul3A_230 = arith.muli %add3A_228, %mul3A_229 : i32
      %dma_wait3A_231 = arith.constant 3 : i32
      %dma_wait3A_232 = arith.constant 3 : i32
      %dma_wait3A_233 = arith.constant 0 : i32
      %dma_wait3A_234 = arith.constant 0 : i32
      %dma_wait3A_235 = tpu.memref_slice %arg12[%dma_wait3A_231, %dma_wait3A_233, %dma_wait3A_234] : memref<5x40x128xf32, #tpu.memory_space<vmem>> -> memref<1x40x128xf32, #tpu.memory_space<vmem>>
      %dma_wait3A_236 = tpu.memref_squeeze %dma_wait3A_235 : memref<1x40x128xf32, #tpu.memory_space<vmem>> -> memref<40x128xf32, #tpu.memory_space<vmem>>
      %dma_wait3A_237 = tpu.memref_slice %arg10[%mul3A_230] : memref<10000xi32, #tpu.memory_space<vmem>> -> memref<40xi32, #tpu.memory_space<vmem>>
      %dma_wait3A_238 = arith.constant 0 : i32
      %dma_wait3A_239 = arith.constant 0 : i32
      %dma_wait3A_240 = tpu.memref_slice %arg2[%dma_wait3A_238, %dma_wait3A_239] : memref<10000x128xf32, #tpu.memory_space<hbm>> -> memref<10000x128xf32, #tpu.memory_space<hbm>>
      %dma_wait3A_241 = tpu.memref_slice %arg15[%dma_wait3A_232] : memref<5x!tpu.dma_semaphore, #tpu.memory_space<semaphore_mem>> -> memref<1x!tpu.dma_semaphore, #tpu.memory_space<semaphore_mem>>
      %dma_wait3A_242 = tpu.memref_squeeze %dma_wait3A_241 : memref<1x!tpu.dma_semaphore, #tpu.memory_space<semaphore_mem>> -> memref<!tpu.dma_semaphore, #tpu.memory_space<semaphore_mem>>
      tpu.wait_indirect_dma semaphore(%dma_wait3A_242 : memref<!tpu.dma_semaphore, #tpu.memory_space<semaphore_mem>>) src(%dma_wait3A_240 : memref<10000x128xf32, #tpu.memory_space<hbm>>) dst(%dma_wait3A_236 : memref<40x128xf32, #tpu.memory_space<vmem>>)
      %mul3A_243 = arith.constant 40 : i32
      %mul3A_244 = arith.muli %add3A_228, %mul3A_243 : i32
      %dma_start3A_245 = arith.constant 3 : i32
      %dma_start3A_246 = arith.constant 3 : i32
      %dma_start3A_247 = arith.constant 0 : i32
      %dma_start3A_248 = arith.constant 0 : i32
      %dma_start3A_249 = tpu.memref_slice %arg12[%dma_start3A_245, %dma_start3A_247, %dma_start3A_248] : memref<5x40x128xf32, #tpu.memory_space<vmem>> -> memref<1x40x128xf32, #tpu.memory_space<vmem>>
      %dma_start3A_250 = tpu.memref_squeeze %dma_start3A_249 : memref<1x40x128xf32, #tpu.memory_space<vmem>> -> memref<40x128xf32, #tpu.memory_space<vmem>>
      %dma_start3A_251 = tpu.memref_slice %arg11[%mul3A_244] : memref<10000xi32, #tpu.memory_space<vmem>> -> memref<40xi32, #tpu.memory_space<vmem>>
      %dma_start3A_252 = arith.constant 0 : i32
      %dma_start3A_253 = arith.constant 0 : i32
      %dma_start3A_254 = tpu.memref_slice %arg8[%dma_start3A_252, %dma_start3A_253] : memref<10000x128xf32, #tpu.memory_space<vmem_shared>> -> memref<10000x128xf32, #tpu.memory_space<vmem_shared>>
      %dma_start3A_255 = tpu.memref_slice %arg16[%dma_start3A_246] : memref<5x!tpu.dma_semaphore, #tpu.memory_space<semaphore_mem>> -> memref<1x!tpu.dma_semaphore, #tpu.memory_space<semaphore_mem>>
      %dma_start3A_256 = tpu.memref_squeeze %dma_start3A_255 : memref<1x!tpu.dma_semaphore, #tpu.memory_space<semaphore_mem>> -> memref<!tpu.dma_semaphore, #tpu.memory_space<semaphore_mem>>
      tpu.enqueue_indirect_dma source(%dma_start3A_250 : memref<40x128xf32, #tpu.memory_space<vmem>>) target(%dma_start3A_254 : memref<10000x128xf32, #tpu.memory_space<vmem_shared>>) offsets(%dma_start3A_251 : memref<40xi32, #tpu.memory_space<vmem>>) semaphore(%dma_start3A_256 : memref<!tpu.dma_semaphore, #tpu.memory_space<semaphore_mem>>) {add = true}
      %ge3A_257 = arith.constant 1 : i32
      %ge3A_258 = arith.cmpi sge, %add3A_228, %ge3A_257 : i32
      %convert_element_type3A_259 = arith.extui %ge3A_258 : i1 to i32
      %cond3A_260 = arith.constant 0 : i32
      %cond3A_261 = arith.cmpi ne, %convert_element_type3A_259, %cond3A_260 : i32
      scf.if %cond3A_261 {
        %sub3A_318 = arith.constant 1 : i32
        %sub3A_319 = arith.subi %add3A_228, %sub3A_318 : i32
        %mul3A_320 = arith.constant 40 : i32
        %mul3A_321 = arith.muli %sub3A_319, %mul3A_320 : i32
        %dma_wait3A_322 = arith.constant 2 : i32
        %dma_wait3A_323 = arith.constant 2 : i32
        %dma_wait3A_324 = arith.constant 0 : i32
        %dma_wait3A_325 = arith.constant 0 : i32
        %dma_wait3A_326 = tpu.memref_slice %arg12[%dma_wait3A_322, %dma_wait3A_324, %dma_wait3A_325] : memref<5x40x128xf32, #tpu.memory_space<vmem>> -> memref<1x40x128xf32, #tpu.memory_space<vmem>>
        %dma_wait3A_327 = tpu.memref_squeeze %dma_wait3A_326 : memref<1x40x128xf32, #tpu.memory_space<vmem>> -> memref<40x128xf32, #tpu.memory_space<vmem>>
        %dma_wait3A_328 = tpu.memref_slice %arg11[%mul3A_321] : memref<10000xi32, #tpu.memory_space<vmem>> -> memref<40xi32, #tpu.memory_space<vmem>>
        %dma_wait3A_329 = arith.constant 0 : i32
        %dma_wait3A_330 = arith.constant 0 : i32
        %dma_wait3A_331 = tpu.memref_slice %arg8[%dma_wait3A_329, %dma_wait3A_330] : memref<10000x128xf32, #tpu.memory_space<vmem_shared>> -> memref<10000x128xf32, #tpu.memory_space<vmem_shared>>
        %dma_wait3A_332 = tpu.memref_slice %arg16[%dma_wait3A_323] : memref<5x!tpu.dma_semaphore, #tpu.memory_space<semaphore_mem>> -> memref<1x!tpu.dma_semaphore, #tpu.memory_space<semaphore_mem>>
        %dma_wait3A_333 = tpu.memref_squeeze %dma_wait3A_332 : memref<1x!tpu.dma_semaphore, #tpu.memory_space<semaphore_mem>> -> memref<!tpu.dma_semaphore, #tpu.memory_space<semaphore_mem>>
        tpu.wait_indirect_dma semaphore(%dma_wait3A_333 : memref<!tpu.dma_semaphore, #tpu.memory_space<semaphore_mem>>) src(%dma_wait3A_327 : memref<40x128xf32, #tpu.memory_space<vmem>>) dst(%dma_wait3A_331 : memref<10000x128xf32, #tpu.memory_space<vmem_shared>>)
      } else {
      }
      %add3A_262 = arith.constant 5 : i32
      %add3A_263 = arith.addi %add3A_228, %add3A_262 : i32
      %sub3A_264 = arith.constant 1 : i32
      %sub3A_265 = arith.subi %add3A_263, %sub3A_264 : i32
      %lt3A_266 = arith.constant 250 : i32
      %lt3A_267 = arith.cmpi slt, %sub3A_265, %lt3A_266 : i32
      %convert_element_type3A_268 = arith.extui %lt3A_267 : i1 to i32
      %cond3A_269 = arith.constant 0 : i32
      %cond3A_270 = arith.cmpi ne, %convert_element_type3A_268, %cond3A_269 : i32
      scf.if %cond3A_270 {
        %add3A_318 = arith.constant 5 : i32
        %add3A_319 = arith.addi %add3A_228, %add3A_318 : i32
        %sub3A_320 = arith.constant 1 : i32
        %sub3A_321 = arith.subi %add3A_319, %sub3A_320 : i32
        %mul3A_322 = arith.constant 40 : i32
        %mul3A_323 = arith.muli %sub3A_321, %mul3A_322 : i32
        %dma_start3A_324 = arith.constant 2 : i32
        %dma_start3A_325 = arith.constant 2 : i32
        %dma_start3A_326 = arith.constant 0 : i32
        %dma_start3A_327 = arith.constant 0 : i32
        %dma_start3A_328 = tpu.memref_slice %arg12[%dma_start3A_324, %dma_start3A_326, %dma_start3A_327] : memref<5x40x128xf32, #tpu.memory_space<vmem>> -> memref<1x40x128xf32, #tpu.memory_space<vmem>>
        %dma_start3A_329 = tpu.memref_squeeze %dma_start3A_328 : memref<1x40x128xf32, #tpu.memory_space<vmem>> -> memref<40x128xf32, #tpu.memory_space<vmem>>
        %dma_start3A_330 = tpu.memref_slice %arg10[%mul3A_323] : memref<10000xi32, #tpu.memory_space<vmem>> -> memref<40xi32, #tpu.memory_space<vmem>>
        %dma_start3A_331 = arith.constant 0 : i32
        %dma_start3A_332 = arith.constant 0 : i32
        %dma_start3A_333 = tpu.memref_slice %arg2[%dma_start3A_331, %dma_start3A_332] : memref<10000x128xf32, #tpu.memory_space<hbm>> -> memref<10000x128xf32, #tpu.memory_space<hbm>>
        %dma_start3A_334 = tpu.memref_slice %arg15[%dma_start3A_325] : memref<5x!tpu.dma_semaphore, #tpu.memory_space<semaphore_mem>> -> memref<1x!tpu.dma_semaphore, #tpu.memory_space<semaphore_mem>>
        %dma_start3A_335 = tpu.memref_squeeze %dma_start3A_334 : memref<1x!tpu.dma_semaphore, #tpu.memory_space<semaphore_mem>> -> memref<!tpu.dma_semaphore, #tpu.memory_space<semaphore_mem>>
        tpu.enqueue_indirect_dma source(%dma_start3A_333 : memref<10000x128xf32, #tpu.memory_space<hbm>>) target(%dma_start3A_329 : memref<40x128xf32, #tpu.memory_space<vmem>>) offsets(%dma_start3A_330 : memref<40xi32, #tpu.memory_space<vmem>>) semaphore(%dma_start3A_335 : memref<!tpu.dma_semaphore, #tpu.memory_space<semaphore_mem>>)
      } else {
      }
      %mul3A_271 = arith.constant 5 : i32
      %mul3A_272 = arith.muli %scan3A_87, %mul3A_271 : i32
      %add3A_273 = arith.constant 4 : i32
      %add3A_274 = arith.addi %mul3A_272, %add3A_273 : i32
      %mul3A_275 = arith.constant 40 : i32
      %mul3A_276 = arith.muli %add3A_274, %mul3A_275 : i32
      %dma_wait3A_277 = arith.constant 4 : i32
      %dma_wait3A_278 = arith.constant 4 : i32
      %dma_wait3A_279 = arith.constant 0 : i32
      %dma_wait3A_280 = arith.constant 0 : i32
      %dma_wait3A_281 = tpu.memref_slice %arg12[%dma_wait3A_277, %dma_wait3A_279, %dma_wait3A_280] : memref<5x40x128xf32, #tpu.memory_space<vmem>> -> memref<1x40x128xf32, #tpu.memory_space<vmem>>
      %dma_wait3A_282 = tpu.memref_squeeze %dma_wait3A_281 : memref<1x40x128xf32, #tpu.memory_space<vmem>> -> memref<40x128xf32, #tpu.memory_space<vmem>>
      %dma_wait3A_283 = tpu.memref_slice %arg10[%mul3A_276] : memref<10000xi32, #tpu.memory_space<vmem>> -> memref<40xi32, #tpu.memory_space<vmem>>
      %dma_wait3A_284 = arith.constant 0 : i32
      %dma_wait3A_285 = arith.constant 0 : i32
      %dma_wait3A_286 = tpu.memref_slice %arg2[%dma_wait3A_284, %dma_wait3A_285] : memref<10000x128xf32, #tpu.memory_space<hbm>> -> memref<10000x128xf32, #tpu.memory_space<hbm>>
      %dma_wait3A_287 = tpu.memref_slice %arg15[%dma_wait3A_278] : memref<5x!tpu.dma_semaphore, #tpu.memory_space<semaphore_mem>> -> memref<1x!tpu.dma_semaphore, #tpu.memory_space<semaphore_mem>>
      %dma_wait3A_288 = tpu.memref_squeeze %dma_wait3A_287 : memref<1x!tpu.dma_semaphore, #tpu.memory_space<semaphore_mem>> -> memref<!tpu.dma_semaphore, #tpu.memory_space<semaphore_mem>>
      tpu.wait_indirect_dma semaphore(%dma_wait3A_288 : memref<!tpu.dma_semaphore, #tpu.memory_space<semaphore_mem>>) src(%dma_wait3A_286 : memref<10000x128xf32, #tpu.memory_space<hbm>>) dst(%dma_wait3A_282 : memref<40x128xf32, #tpu.memory_space<vmem>>)
      %mul3A_289 = arith.constant 40 : i32
      %mul3A_290 = arith.muli %add3A_274, %mul3A_289 : i32
      %dma_start3A_291 = arith.constant 4 : i32
      %dma_start3A_292 = arith.constant 4 : i32
      %dma_start3A_293 = arith.constant 0 : i32
      %dma_start3A_294 = arith.constant 0 : i32
      %dma_start3A_295 = tpu.memref_slice %arg12[%dma_start3A_291, %dma_start3A_293, %dma_start3A_294] : memref<5x40x128xf32, #tpu.memory_space<vmem>> -> memref<1x40x128xf32, #tpu.memory_space<vmem>>
      %dma_start3A_296 = tpu.memref_squeeze %dma_start3A_295 : memref<1x40x128xf32, #tpu.memory_space<vmem>> -> memref<40x128xf32, #tpu.memory_space<vmem>>
      %dma_start3A_297 = tpu.memref_slice %arg11[%mul3A_290] : memref<10000xi32, #tpu.memory_space<vmem>> -> memref<40xi32, #tpu.memory_space<vmem>>
      %dma_start3A_298 = arith.constant 0 : i32
      %dma_start3A_299 = arith.constant 0 : i32
      %dma_start3A_300 = tpu.memref_slice %arg8[%dma_start3A_298, %dma_start3A_299] : memref<10000x128xf32, #tpu.memory_space<vmem_shared>> -> memref<10000x128xf32, #tpu.memory_space<vmem_shared>>
      %dma_start3A_301 = tpu.memref_slice %arg16[%dma_start3A_292] : memref<5x!tpu.dma_semaphore, #tpu.memory_space<semaphore_mem>> -> memref<1x!tpu.dma_semaphore, #tpu.memory_space<semaphore_mem>>
      %dma_start3A_302 = tpu.memref_squeeze %dma_start3A_301 : memref<1x!tpu.dma_semaphore, #tpu.memory_space<semaphore_mem>> -> memref<!tpu.dma_semaphore, #tpu.memory_space<semaphore_mem>>
      tpu.enqueue_indirect_dma source(%dma_start3A_296 : memref<40x128xf32, #tpu.memory_space<vmem>>) target(%dma_start3A_300 : memref<10000x128xf32, #tpu.memory_space<vmem_shared>>) offsets(%dma_start3A_297 : memref<40xi32, #tpu.memory_space<vmem>>) semaphore(%dma_start3A_302 : memref<!tpu.dma_semaphore, #tpu.memory_space<semaphore_mem>>) {add = true}
      %ge3A_303 = arith.constant 1 : i32
      %ge3A_304 = arith.cmpi sge, %add3A_274, %ge3A_303 : i32
      %convert_element_type3A_305 = arith.extui %ge3A_304 : i1 to i32
      %cond3A_306 = arith.constant 0 : i32
      %cond3A_307 = arith.cmpi ne, %convert_element_type3A_305, %cond3A_306 : i32
      scf.if %cond3A_307 {
        %sub3A_318 = arith.constant 1 : i32
        %sub3A_319 = arith.subi %add3A_274, %sub3A_318 : i32
        %mul3A_320 = arith.constant 40 : i32
        %mul3A_321 = arith.muli %sub3A_319, %mul3A_320 : i32
        %dma_wait3A_322 = arith.constant 3 : i32
        %dma_wait3A_323 = arith.constant 3 : i32
        %dma_wait3A_324 = arith.constant 0 : i32
        %dma_wait3A_325 = arith.constant 0 : i32
        %dma_wait3A_326 = tpu.memref_slice %arg12[%dma_wait3A_322, %dma_wait3A_324, %dma_wait3A_325] : memref<5x40x128xf32, #tpu.memory_space<vmem>> -> memref<1x40x128xf32, #tpu.memory_space<vmem>>
        %dma_wait3A_327 = tpu.memref_squeeze %dma_wait3A_326 : memref<1x40x128xf32, #tpu.memory_space<vmem>> -> memref<40x128xf32, #tpu.memory_space<vmem>>
        %dma_wait3A_328 = tpu.memref_slice %arg11[%mul3A_321] : memref<10000xi32, #tpu.memory_space<vmem>> -> memref<40xi32, #tpu.memory_space<vmem>>
        %dma_wait3A_329 = arith.constant 0 : i32
        %dma_wait3A_330 = arith.constant 0 : i32
        %dma_wait3A_331 = tpu.memref_slice %arg8[%dma_wait3A_329, %dma_wait3A_330] : memref<10000x128xf32, #tpu.memory_space<vmem_shared>> -> memref<10000x128xf32, #tpu.memory_space<vmem_shared>>
        %dma_wait3A_332 = tpu.memref_slice %arg16[%dma_wait3A_323] : memref<5x!tpu.dma_semaphore, #tpu.memory_space<semaphore_mem>> -> memref<1x!tpu.dma_semaphore, #tpu.memory_space<semaphore_mem>>
        %dma_wait3A_333 = tpu.memref_squeeze %dma_wait3A_332 : memref<1x!tpu.dma_semaphore, #tpu.memory_space<semaphore_mem>> -> memref<!tpu.dma_semaphore, #tpu.memory_space<semaphore_mem>>
        tpu.wait_indirect_dma semaphore(%dma_wait3A_333 : memref<!tpu.dma_semaphore, #tpu.memory_space<semaphore_mem>>) src(%dma_wait3A_327 : memref<40x128xf32, #tpu.memory_space<vmem>>) dst(%dma_wait3A_331 : memref<10000x128xf32, #tpu.memory_space<vmem_shared>>)
      } else {
      }
      %add3A_308 = arith.constant 5 : i32
      %add3A_309 = arith.addi %add3A_274, %add3A_308 : i32
      %sub3A_310 = arith.constant 1 : i32
      %sub3A_311 = arith.subi %add3A_309, %sub3A_310 : i32
      %lt3A_312 = arith.constant 250 : i32
      %lt3A_313 = arith.cmpi slt, %sub3A_311, %lt3A_312 : i32
      %convert_element_type3A_314 = arith.extui %lt3A_313 : i1 to i32
      %cond3A_315 = arith.constant 0 : i32
      %cond3A_316 = arith.cmpi ne, %convert_element_type3A_314, %cond3A_315 : i32
      scf.if %cond3A_316 {
        %add3A_318 = arith.constant 5 : i32
        %add3A_319 = arith.addi %add3A_274, %add3A_318 : i32
        %sub3A_320 = arith.constant 1 : i32
        %sub3A_321 = arith.subi %add3A_319, %sub3A_320 : i32
        %mul3A_322 = arith.constant 40 : i32
        %mul3A_323 = arith.muli %sub3A_321, %mul3A_322 : i32
        %dma_start3A_324 = arith.constant 3 : i32
        %dma_start3A_325 = arith.constant 3 : i32
        %dma_start3A_326 = arith.constant 0 : i32
        %dma_start3A_327 = arith.constant 0 : i32
        %dma_start3A_328 = tpu.memref_slice %arg12[%dma_start3A_324, %dma_start3A_326, %dma_start3A_327] : memref<5x40x128xf32, #tpu.memory_space<vmem>> -> memref<1x40x128xf32, #tpu.memory_space<vmem>>
        %dma_start3A_329 = tpu.memref_squeeze %dma_start3A_328 : memref<1x40x128xf32, #tpu.memory_space<vmem>> -> memref<40x128xf32, #tpu.memory_space<vmem>>
        %dma_start3A_330 = tpu.memref_slice %arg10[%mul3A_323] : memref<10000xi32, #tpu.memory_space<vmem>> -> memref<40xi32, #tpu.memory_space<vmem>>
        %dma_start3A_331 = arith.constant 0 : i32
        %dma_start3A_332 = arith.constant 0 : i32
        %dma_start3A_333 = tpu.memref_slice %arg2[%dma_start3A_331, %dma_start3A_332] : memref<10000x128xf32, #tpu.memory_space<hbm>> -> memref<10000x128xf32, #tpu.memory_space<hbm>>
        %dma_start3A_334 = tpu.memref_slice %arg15[%dma_start3A_325] : memref<5x!tpu.dma_semaphore, #tpu.memory_space<semaphore_mem>> -> memref<1x!tpu.dma_semaphore, #tpu.memory_space<semaphore_mem>>
        %dma_start3A_335 = tpu.memref_squeeze %dma_start3A_334 : memref<1x!tpu.dma_semaphore, #tpu.memory_space<semaphore_mem>> -> memref<!tpu.dma_semaphore, #tpu.memory_space<semaphore_mem>>
        tpu.enqueue_indirect_dma source(%dma_start3A_333 : memref<10000x128xf32, #tpu.memory_space<hbm>>) target(%dma_start3A_329 : memref<40x128xf32, #tpu.memory_space<vmem>>) offsets(%dma_start3A_330 : memref<40xi32, #tpu.memory_space<vmem>>) semaphore(%dma_start3A_335 : memref<!tpu.dma_semaphore, #tpu.memory_space<semaphore_mem>>)
      } else {
      }
      %scan3A_317 = arith.constant 0 : i32
      scf.yield %scan3A_317 : i32
    }
    %scan3A_63 = arith.constant 50 : i32
    %dma_wait3A = arith.constant 4 : i32
    %dma_wait3A_64 = arith.constant 4 : i32
    %dma_wait3A_65 = arith.constant 0 : i32
    %dma_wait3A_66 = arith.constant 0 : i32
    %dma_wait3A_67 = tpu.memref_slice %arg12[%dma_wait3A, %dma_wait3A_65, %dma_wait3A_66] : memref<5x40x128xf32, #tpu.memory_space<vmem>> -> memref<1x40x128xf32, #tpu.memory_space<vmem>>
    %dma_wait3A_68 = tpu.memref_squeeze %dma_wait3A_67 : memref<1x40x128xf32, #tpu.memory_space<vmem>> -> memref<40x128xf32, #tpu.memory_space<vmem>>
    %dma_wait3A_69 = arith.constant 9960 : i32
    %dma_wait3A_70 = tpu.memref_slice %arg11[%dma_wait3A_69] : memref<10000xi32, #tpu.memory_space<vmem>> -> memref<40xi32, #tpu.memory_space<vmem>>
    %dma_wait3A_71 = arith.constant 0 : i32
    %dma_wait3A_72 = arith.constant 0 : i32
    %dma_wait3A_73 = tpu.memref_slice %arg8[%dma_wait3A_71, %dma_wait3A_72] : memref<10000x128xf32, #tpu.memory_space<vmem_shared>> -> memref<10000x128xf32, #tpu.memory_space<vmem_shared>>
    %dma_wait3A_74 = tpu.memref_slice %arg16[%dma_wait3A_64] : memref<5x!tpu.dma_semaphore, #tpu.memory_space<semaphore_mem>> -> memref<1x!tpu.dma_semaphore, #tpu.memory_space<semaphore_mem>>
    %dma_wait3A_75 = tpu.memref_squeeze %dma_wait3A_74 : memref<1x!tpu.dma_semaphore, #tpu.memory_space<semaphore_mem>> -> memref<!tpu.dma_semaphore, #tpu.memory_space<semaphore_mem>>
    tpu.wait_indirect_dma semaphore(%dma_wait3A_75 : memref<!tpu.dma_semaphore, #tpu.memory_space<semaphore_mem>>) src(%dma_wait3A_68 : memref<40x128xf32, #tpu.memory_space<vmem>>) dst(%dma_wait3A_73 : memref<10000x128xf32, #tpu.memory_space<vmem_shared>>)
    %barrier3A_76 = arith.constant 0 : index
    tpu.barrier barrier_id(%barrier3A_76)
    %lt3A_77 = arith.constant 15 : i32
    %lt3A_78 = arith.cmpi slt, %arg1, %lt3A_77 : i32
    %convert_element_type3A_79 = arith.extui %lt3A_78 : i1 to i32
    %cond3A_80 = arith.constant 0 : i32
    %cond3A_81 = arith.cmpi ne, %convert_element_type3A_79, %cond3A_80 : i32
    scf.if %cond3A_81 {
      %mul3A_87 = arith.constant 624 : i32
      %mul3A_88 = arith.muli %arg1, %mul3A_87 : i32
      %mul3A_89 = arith.constant 624 : i32
      %mul3A_90 = arith.muli %arg1, %mul3A_89 : i32
      "tpu.region"() ({
        %run_scoped3A = tpu.sem_alloc : memref<!tpu.dma_semaphore, #tpu.memory_space<semaphore_mem>>
        %dma_start3A_91 = arith.constant 0 : i32
        %dma_start3A_92 = tpu.memref_slice %arg6[%arg0, %mul3A_90, %dma_start3A_91] : memref<2x10000x128xf32, #tpu.memory_space<hbm>> -> memref<1x624x128xf32, #tpu.memory_space<hbm>>
        %dma_start3A_93 = tpu.memref_squeeze %dma_start3A_92 : memref<1x624x128xf32, #tpu.memory_space<hbm>> -> memref<624x128xf32, #tpu.memory_space<hbm>>
        %dma_start3A_94 = arith.constant 0 : i32
        %dma_start3A_95 = tpu.memref_slice %arg8[%mul3A_88, %dma_start3A_94] : memref<10000x128xf32, #tpu.memory_space<vmem_shared>> -> memref<624x128xf32, #tpu.memory_space<vmem_shared>>
        tpu.enqueue_dma source(%dma_start3A_95 : memref<624x128xf32, #tpu.memory_space<vmem_shared>>) target(%dma_start3A_93 : memref<624x128xf32, #tpu.memory_space<hbm>>) target_semaphore(%run_scoped3A : memref<!tpu.dma_semaphore, #tpu.memory_space<semaphore_mem>>)
        %dma_wait3A_96 = arith.constant 0 : i32
        %dma_wait3A_97 = tpu.memref_slice %arg6[%arg0, %mul3A_90, %dma_wait3A_96] : memref<2x10000x128xf32, #tpu.memory_space<hbm>> -> memref<1x624x128xf32, #tpu.memory_space<hbm>>
        %dma_wait3A_98 = tpu.memref_squeeze %dma_wait3A_97 : memref<1x624x128xf32, #tpu.memory_space<hbm>> -> memref<624x128xf32, #tpu.memory_space<hbm>>
        %dma_wait3A_99 = arith.constant 0 : i32
        %dma_wait3A_100 = tpu.memref_slice %arg8[%mul3A_88, %dma_wait3A_99] : memref<10000x128xf32, #tpu.memory_space<vmem_shared>> -> memref<624x128xf32, #tpu.memory_space<vmem_shared>>
        tpu.wait_dma2 semaphore(%run_scoped3A : memref<!tpu.dma_semaphore, #tpu.memory_space<semaphore_mem>>) src(%dma_wait3A_100 : memref<624x128xf32, #tpu.memory_space<vmem_shared>>) dst(%dma_wait3A_98 : memref<624x128xf32, #tpu.memory_space<hbm>>)
        tpu.yield
      }) : () -> ()
    } else {
    }
    %eq3A_82 = arith.constant 15 : i32
    %eq3A_83 = arith.cmpi eq, %arg1, %eq3A_82 : i32
    %convert_element_type3A_84 = arith.extui %eq3A_83 : i1 to i32
    %cond3A_85 = arith.constant 0 : i32
    %cond3A_86 = arith.cmpi ne, %convert_element_type3A_84, %cond3A_85 : i32
    scf.if %cond3A_86 {
      "tpu.region"() ({
        %run_scoped3A = tpu.sem_alloc : memref<!tpu.dma_semaphore, #tpu.memory_space<semaphore_mem>>
        %dma_start3A_87 = arith.constant 9360 : i32
        %dma_start3A_88 = arith.constant 0 : i32
        %dma_start3A_89 = tpu.memref_slice %arg6[%arg0, %dma_start3A_87, %dma_start3A_88] : memref<2x10000x128xf32, #tpu.memory_space<hbm>> -> memref<1x640x128xf32, #tpu.memory_space<hbm>>
        %dma_start3A_90 = tpu.memref_squeeze %dma_start3A_89 : memref<1x640x128xf32, #tpu.memory_space<hbm>> -> memref<640x128xf32, #tpu.memory_space<hbm>>
        %dma_start3A_91 = arith.constant 9360 : i32
        %dma_start3A_92 = arith.constant 0 : i32
        %dma_start3A_93 = tpu.memref_slice %arg8[%dma_start3A_91, %dma_start3A_92] : memref<10000x128xf32, #tpu.memory_space<vmem_shared>> -> memref<640x128xf32, #tpu.memory_space<vmem_shared>>
        tpu.enqueue_dma source(%dma_start3A_93 : memref<640x128xf32, #tpu.memory_space<vmem_shared>>) target(%dma_start3A_90 : memref<640x128xf32, #tpu.memory_space<hbm>>) target_semaphore(%run_scoped3A : memref<!tpu.dma_semaphore, #tpu.memory_space<semaphore_mem>>)
        %dma_wait3A_94 = arith.constant 9360 : i32
        %dma_wait3A_95 = arith.constant 0 : i32
        %dma_wait3A_96 = tpu.memref_slice %arg6[%arg0, %dma_wait3A_94, %dma_wait3A_95] : memref<2x10000x128xf32, #tpu.memory_space<hbm>> -> memref<1x640x128xf32, #tpu.memory_space<hbm>>
        %dma_wait3A_97 = tpu.memref_squeeze %dma_wait3A_96 : memref<1x640x128xf32, #tpu.memory_space<hbm>> -> memref<640x128xf32, #tpu.memory_space<hbm>>
        %dma_wait3A_98 = arith.constant 9360 : i32
        %dma_wait3A_99 = arith.constant 0 : i32
        %dma_wait3A_100 = tpu.memref_slice %arg8[%dma_wait3A_98, %dma_wait3A_99] : memref<10000x128xf32, #tpu.memory_space<vmem_shared>> -> memref<640x128xf32, #tpu.memory_space<vmem_shared>>
        tpu.wait_dma2 semaphore(%run_scoped3A : memref<!tpu.dma_semaphore, #tpu.memory_space<semaphore_mem>>) src(%dma_wait3A_100 : memref<640x128xf32, #tpu.memory_space<vmem_shared>>) dst(%dma_wait3A_97 : memref<640x128xf32, #tpu.memory_space<hbm>>)
        tpu.yield
      }) : () -> ()
    } else {
    }
    return
  }
}

#map = affine_map<(d0, d1) -> (0, 0)>
#map1 = affine_map<(d0, d1) -> (0, 0, 0)>
#map2 = affine_map<(d0, d1) -> (0)>
module attributes {stable_mosaic.version = 14 : i64} {
  func.func @_agg_body(%arg0: i32, %arg1: i32, %arg2: memref<10000x128xf32, #tpu.memory_space<hbm>>, %arg3: memref<32x10000xi32, #tpu.memory_space<hbm>>, %arg4: memref<32x10000xi32, #tpu.memory_space<hbm>>, %arg5: memref<10000x128xf32, #tpu.memory_space<hbm>>, %arg6: memref<2x10000x128xf32, #tpu.memory_space<hbm>>, %arg7: memref<20000xf32, #tpu.memory_space<hbm>>, %arg8: memref<10000x128xf32, #tpu.memory_space<vmem_shared>>, %arg9: memref<10000xf32, #tpu.memory_space<vmem_shared>>, %arg10: memref<10000xi32, #tpu.memory_space<vmem>>, %arg11: memref<10000xi32, #tpu.memory_space<vmem>>, %arg12: memref<5x40x128xf32, #tpu.memory_space<vmem>>, %arg13: memref<48xf32, #tpu.memory_space<vmem>>, %arg14: memref<2000xf32, #tpu.memory_space<vmem>>, %arg15: memref<5x!tpu.dma_semaphore, #tpu.memory_space<semaphore_mem>>, %arg16: memref<5x!tpu.dma_semaphore, #tpu.memory_space<semaphore_mem>>, %arg17: memref<5x!tpu.dma_semaphore, #tpu.memory_space<semaphore_mem>>) attributes {dimension_semantics = [#tpu.dimension_semantics<core_parallel>, #tpu.dimension_semantics<subcore_parallel>], iteration_bounds = array<i64: 2, 16>, scalar_prefetch = 0 : i64, scratch_operands = 10 : i64, tpu.core_type = #tpu.core_type<sc_vector_subcore>, window_params = [{transform_indices = #map}, {transform_indices = #map}, {transform_indices = #map}, {transform_indices = #map}, {transform_indices = #map1}, {transform_indices = #map2}]} {
    %mul3A = arith.constant 2 : i32
    %mul3A_0 = arith.muli %arg1, %mul3A : i32
    %add3A = arith.addi %mul3A_0, %arg0 : i32
    "tpu.region"() ({
      %run_scoped3A = tpu.sem_alloc : memref<!tpu.dma_semaphore, #tpu.memory_space<semaphore_mem>>
      %dma_start3A_122 = arith.constant 0 : i32
      %dma_start3A_123 = tpu.memref_slice %arg3[%add3A, %dma_start3A_122] : memref<32x10000xi32, #tpu.memory_space<hbm>> -> memref<1x10000xi32, #tpu.memory_space<hbm>>
      %dma_start3A_124 = tpu.memref_squeeze %dma_start3A_123 : memref<1x10000xi32, #tpu.memory_space<hbm>> -> memref<10000xi32, #tpu.memory_space<hbm>>
      %dma_start3A_125 = arith.constant 0 : i32
      %dma_start3A_126 = tpu.memref_slice %arg3[%add3A, %dma_start3A_125] : memref<32x10000xi32, #tpu.memory_space<hbm>> -> memref<1x10000xi32, #tpu.memory_space<hbm>>
      %dma_start3A_127 = tpu.memref_squeeze %dma_start3A_126 : memref<1x10000xi32, #tpu.memory_space<hbm>> -> memref<10000xi32, #tpu.memory_space<hbm>>
      tpu.enqueue_dma source(%dma_start3A_127 : memref<10000xi32, #tpu.memory_space<hbm>>) target(%arg10 : memref<10000xi32, #tpu.memory_space<vmem>>) target_semaphore(%run_scoped3A : memref<!tpu.dma_semaphore, #tpu.memory_space<semaphore_mem>>)
      %dma_wait3A_128 = arith.constant 0 : i32
      %dma_wait3A_129 = tpu.memref_slice %arg3[%add3A, %dma_wait3A_128] : memref<32x10000xi32, #tpu.memory_space<hbm>> -> memref<1x10000xi32, #tpu.memory_space<hbm>>
      %dma_wait3A_130 = tpu.memref_squeeze %dma_wait3A_129 : memref<1x10000xi32, #tpu.memory_space<hbm>> -> memref<10000xi32, #tpu.memory_space<hbm>>
      %dma_wait3A_131 = arith.constant 0 : i32
      %dma_wait3A_132 = tpu.memref_slice %arg3[%add3A, %dma_wait3A_131] : memref<32x10000xi32, #tpu.memory_space<hbm>> -> memref<1x10000xi32, #tpu.memory_space<hbm>>
      %dma_wait3A_133 = tpu.memref_squeeze %dma_wait3A_132 : memref<1x10000xi32, #tpu.memory_space<hbm>> -> memref<10000xi32, #tpu.memory_space<hbm>>
      tpu.wait_dma2 semaphore(%run_scoped3A : memref<!tpu.dma_semaphore, #tpu.memory_space<semaphore_mem>>) src(%dma_wait3A_133 : memref<10000xi32, #tpu.memory_space<hbm>>) dst(%arg10 : memref<10000xi32, #tpu.memory_space<vmem>>)
      tpu.yield
    }) : () -> ()
    "tpu.region"() ({
      %run_scoped3A = tpu.sem_alloc : memref<!tpu.dma_semaphore, #tpu.memory_space<semaphore_mem>>
      %dma_start3A_122 = arith.constant 0 : i32
      %dma_start3A_123 = tpu.memref_slice %arg4[%add3A, %dma_start3A_122] : memref<32x10000xi32, #tpu.memory_space<hbm>> -> memref<1x10000xi32, #tpu.memory_space<hbm>>
      %dma_start3A_124 = tpu.memref_squeeze %dma_start3A_123 : memref<1x10000xi32, #tpu.memory_space<hbm>> -> memref<10000xi32, #tpu.memory_space<hbm>>
      %dma_start3A_125 = arith.constant 0 : i32
      %dma_start3A_126 = tpu.memref_slice %arg4[%add3A, %dma_start3A_125] : memref<32x10000xi32, #tpu.memory_space<hbm>> -> memref<1x10000xi32, #tpu.memory_space<hbm>>
      %dma_start3A_127 = tpu.memref_squeeze %dma_start3A_126 : memref<1x10000xi32, #tpu.memory_space<hbm>> -> memref<10000xi32, #tpu.memory_space<hbm>>
      tpu.enqueue_dma source(%dma_start3A_127 : memref<10000xi32, #tpu.memory_space<hbm>>) target(%arg11 : memref<10000xi32, #tpu.memory_space<vmem>>) target_semaphore(%run_scoped3A : memref<!tpu.dma_semaphore, #tpu.memory_space<semaphore_mem>>)
      %dma_wait3A_128 = arith.constant 0 : i32
      %dma_wait3A_129 = tpu.memref_slice %arg4[%add3A, %dma_wait3A_128] : memref<32x10000xi32, #tpu.memory_space<hbm>> -> memref<1x10000xi32, #tpu.memory_space<hbm>>
      %dma_wait3A_130 = tpu.memref_squeeze %dma_wait3A_129 : memref<1x10000xi32, #tpu.memory_space<hbm>> -> memref<10000xi32, #tpu.memory_space<hbm>>
      %dma_wait3A_131 = arith.constant 0 : i32
      %dma_wait3A_132 = tpu.memref_slice %arg4[%add3A, %dma_wait3A_131] : memref<32x10000xi32, #tpu.memory_space<hbm>> -> memref<1x10000xi32, #tpu.memory_space<hbm>>
      %dma_wait3A_133 = tpu.memref_squeeze %dma_wait3A_132 : memref<1x10000xi32, #tpu.memory_space<hbm>> -> memref<10000xi32, #tpu.memory_space<hbm>>
      tpu.wait_dma2 semaphore(%run_scoped3A : memref<!tpu.dma_semaphore, #tpu.memory_space<semaphore_mem>>) src(%dma_wait3A_133 : memref<10000xi32, #tpu.memory_space<hbm>>) dst(%arg11 : memref<10000xi32, #tpu.memory_space<vmem>>)
      tpu.yield
    }) : () -> ()
    %broadcast_in_dim3A = arith.constant 1.000000e+00 : f32
    %broadcast_in_dim3A_1 = vector.broadcast %broadcast_in_dim3A : f32 to vector<16xf32>
    %swap3A = arith.constant 0 : index
    %swap3A_2 = tpu.vector_load %arg13[%swap3A] {strides = array<i32>} : memref<48xf32, #tpu.memory_space<vmem>>, vector<16xf32>,
    %swap3A_3 = vector.shape_cast %swap3A_2 : vector<16xf32> to vector<16xf32>
    %swap3A_4 = vector.shape_cast %broadcast_in_dim3A_1 : vector<16xf32> to vector<16xf32>
    tpu.vector_store %arg13[%swap3A], %swap3A_4 {strides = array<i32>} : memref<48xf32, #tpu.memory_space<vmem>>, vector<16xf32>,
    %broadcast_in_dim3A_5 = arith.constant 1.000000e+00 : f32
    %broadcast_in_dim3A_6 = vector.broadcast %broadcast_in_dim3A_5 : f32 to vector<16xf32>
    %swap3A_7 = arith.constant 16 : index
    %swap3A_8 = tpu.vector_load %arg13[%swap3A_7] {strides = array<i32>} : memref<48xf32, #tpu.memory_space<vmem>>, vector<16xf32>,
    %swap3A_9 = vector.shape_cast %swap3A_8 : vector<16xf32> to vector<16xf32>
    %swap3A_10 = vector.shape_cast %broadcast_in_dim3A_6 : vector<16xf32> to vector<16xf32>
    tpu.vector_store %arg13[%swap3A_7], %swap3A_10 {strides = array<i32>} : memref<48xf32, #tpu.memory_space<vmem>>, vector<16xf32>,
    %broadcast_in_dim3A_11 = arith.constant 1.000000e+00 : f32
    %broadcast_in_dim3A_12 = vector.broadcast %broadcast_in_dim3A_11 : f32 to vector<16xf32>
    %swap3A_13 = arith.constant 32 : index
    %swap3A_14 = tpu.vector_load %arg13[%swap3A_13] {strides = array<i32>} : memref<48xf32, #tpu.memory_space<vmem>>, vector<16xf32>,
    %swap3A_15 = vector.shape_cast %swap3A_14 : vector<16xf32> to vector<16xf32>
    %swap3A_16 = vector.shape_cast %broadcast_in_dim3A_12 : vector<16xf32> to vector<16xf32>
    tpu.vector_store %arg13[%swap3A_13], %swap3A_16 {strides = array<i32>} : memref<48xf32, #tpu.memory_space<vmem>>, vector<16xf32>,
    %lt3A = arith.constant 15 : i32
    %lt3A_17 = arith.cmpi slt, %arg1, %lt3A : i32
    %convert_element_type3A = arith.extui %lt3A_17 : i1 to i32
    %cond3A = arith.constant 0 : i32
    %cond3A_18 = arith.cmpi ne, %convert_element_type3A, %cond3A : i32
    scf.if %cond3A_18 {
      %mul3A_122 = arith.constant 624 : i32
      %mul3A_123 = arith.muli %arg1, %mul3A_122 : i32
      %mul3A_124 = arith.constant 624 : i32
      %mul3A_125 = arith.muli %arg1, %mul3A_124 : i32
      "tpu.region"() ({
        %run_scoped3A = tpu.sem_alloc : memref<!tpu.dma_semaphore, #tpu.memory_space<semaphore_mem>>
        %dma_start3A_126 = arith.constant 0 : i32
        %dma_start3A_127 = tpu.memref_slice %arg8[%mul3A_125, %dma_start3A_126] : memref<10000x128xf32, #tpu.memory_space<vmem_shared>> -> memref<624x128xf32, #tpu.memory_space<vmem_shared>>
        %dma_start3A_128 = arith.constant 0 : i32
        %dma_start3A_129 = tpu.memref_slice %arg5[%mul3A_123, %dma_start3A_128] : memref<10000x128xf32, #tpu.memory_space<hbm>> -> memref<624x128xf32, #tpu.memory_space<hbm>>
        tpu.enqueue_dma source(%dma_start3A_129 : memref<624x128xf32, #tpu.memory_space<hbm>>) target(%dma_start3A_127 : memref<624x128xf32, #tpu.memory_space<vmem_shared>>) target_semaphore(%run_scoped3A : memref<!tpu.dma_semaphore, #tpu.memory_space<semaphore_mem>>)
        %dma_wait3A_130 = arith.constant 0 : i32
        %dma_wait3A_131 = tpu.memref_slice %arg8[%mul3A_125, %dma_wait3A_130] : memref<10000x128xf32, #tpu.memory_space<vmem_shared>> -> memref<624x128xf32, #tpu.memory_space<vmem_shared>>
        %dma_wait3A_132 = arith.constant 0 : i32
        %dma_wait3A_133 = tpu.memref_slice %arg5[%mul3A_123, %dma_wait3A_132] : memref<10000x128xf32, #tpu.memory_space<hbm>> -> memref<624x128xf32, #tpu.memory_space<hbm>>
        tpu.wait_dma2 semaphore(%run_scoped3A : memref<!tpu.dma_semaphore, #tpu.memory_space<semaphore_mem>>) src(%dma_wait3A_133 : memref<624x128xf32, #tpu.memory_space<hbm>>) dst(%dma_wait3A_131 : memref<624x128xf32, #tpu.memory_space<vmem_shared>>)
        tpu.yield
      }) : () -> ()
    } else {
    }
    %eq3A = arith.constant 15 : i32
    %eq3A_19 = arith.cmpi eq, %arg1, %eq3A : i32
    %convert_element_type3A_20 = arith.extui %eq3A_19 : i1 to i32
    %cond3A_21 = arith.constant 0 : i32
    %cond3A_22 = arith.cmpi ne, %convert_element_type3A_20, %cond3A_21 : i32
    scf.if %cond3A_22 {
      "tpu.region"() ({
        %run_scoped3A = tpu.sem_alloc : memref<!tpu.dma_semaphore, #tpu.memory_space<semaphore_mem>>
        %dma_start3A_122 = arith.constant 9360 : i32
        %dma_start3A_123 = arith.constant 0 : i32
        %dma_start3A_124 = tpu.memref_slice %arg8[%dma_start3A_122, %dma_start3A_123] : memref<10000x128xf32, #tpu.memory_space<vmem_shared>> -> memref<640x128xf32, #tpu.memory_space<vmem_shared>>
        %dma_start3A_125 = arith.constant 9360 : i32
        %dma_start3A_126 = arith.constant 0 : i32
        %dma_start3A_127 = tpu.memref_slice %arg5[%dma_start3A_125, %dma_start3A_126] : memref<10000x128xf32, #tpu.memory_space<hbm>> -> memref<640x128xf32, #tpu.memory_space<hbm>>
        tpu.enqueue_dma source(%dma_start3A_127 : memref<640x128xf32, #tpu.memory_space<hbm>>) target(%dma_start3A_124 : memref<640x128xf32, #tpu.memory_space<vmem_shared>>) target_semaphore(%run_scoped3A : memref<!tpu.dma_semaphore, #tpu.memory_space<semaphore_mem>>)
        %dma_wait3A_128 = arith.constant 9360 : i32
        %dma_wait3A_129 = arith.constant 0 : i32
        %dma_wait3A_130 = tpu.memref_slice %arg8[%dma_wait3A_128, %dma_wait3A_129] : memref<10000x128xf32, #tpu.memory_space<vmem_shared>> -> memref<640x128xf32, #tpu.memory_space<vmem_shared>>
        %dma_wait3A_131 = arith.constant 9360 : i32
        %dma_wait3A_132 = arith.constant 0 : i32
        %dma_wait3A_133 = tpu.memref_slice %arg5[%dma_wait3A_131, %dma_wait3A_132] : memref<10000x128xf32, #tpu.memory_space<hbm>> -> memref<640x128xf32, #tpu.memory_space<hbm>>
        tpu.wait_dma2 semaphore(%run_scoped3A : memref<!tpu.dma_semaphore, #tpu.memory_space<semaphore_mem>>) src(%dma_wait3A_133 : memref<640x128xf32, #tpu.memory_space<hbm>>) dst(%dma_wait3A_130 : memref<640x128xf32, #tpu.memory_space<vmem_shared>>)
        tpu.yield
      }) : () -> ()
    } else {
    }
    %eq3A_23 = arith.constant 0 : i32
    %eq3A_24 = arith.cmpi eq, %arg1, %eq3A_23 : i32
    %convert_element_type3A_25 = arith.extui %eq3A_24 : i1 to i32
    %cond3A_26 = arith.constant 0 : i32
    %cond3A_27 = arith.cmpi ne, %convert_element_type3A_25, %cond3A_26 : i32
    scf.if %cond3A_27 {
      %scan3A_122 = arith.constant 0 : i32
      %scan3A_123 = arith.constant 0 : i32
      %scan3A_124 = arith.constant 125 : i32
      %scan3A_125 = arith.addi %scan3A_123, %scan3A_124 : i32
      %scan3A_126 = arith.constant 1 : i32
      %scan3A_127 = scf.for %scan3A_136 = %scan3A_123 to %scan3A_125 step %scan3A_126 iter_args(%scan3A_137 = %scan3A_122) -> (i32)  : i32 {
        %broadcast_in_dim3A_138 = arith.constant 0.000000e+00 : f32
        %broadcast_in_dim3A_139 = vector.broadcast %broadcast_in_dim3A_138 : f32 to vector<16xf32>
        %mul3A_140 = arith.constant 16 : i32
        %mul3A_141 = arith.muli %scan3A_136, %mul3A_140 : i32
        %swap3A_142 = arith.index_cast %mul3A_141 : i32 to index
        %swap3A_143 = tpu.vector_load %arg14[%swap3A_142] {strides = array<i32>} : memref<2000xf32, #tpu.memory_space<vmem>>, vector<16xf32>,
        %swap3A_144 = vector.shape_cast %swap3A_143 : vector<16xf32> to vector<16xf32>
        %swap3A_145 = vector.shape_cast %broadcast_in_dim3A_139 : vector<16xf32> to vector<16xf32>
        tpu.vector_store %arg14[%swap3A_142], %swap3A_145 {strides = array<i32>} : memref<2000xf32, #tpu.memory_space<vmem>>, vector<16xf32>,
        %scan3A_146 = arith.constant 0 : i32
        scf.yield %scan3A_146 : i32
      }
      %scan3A_128 = arith.constant 125 : i32
      %scan3A_129 = arith.constant 0 : i32
      %scan3A_130 = arith.constant 0 : i32
      %scan3A_131 = arith.constant 5 : i32
      %scan3A_132 = arith.addi %scan3A_130, %scan3A_131 : i32
      %scan3A_133 = arith.constant 1 : i32
      %scan3A_134 = scf.for %scan3A_136 = %scan3A_130 to %scan3A_132 step %scan3A_133 iter_args(%scan3A_137 = %scan3A_129) -> (i32)  : i32 {
        %mul3A_138 = arith.constant 2000 : i32
        %mul3A_139 = arith.muli %scan3A_136, %mul3A_138 : i32
        "tpu.region"() ({
          %run_scoped3A = tpu.sem_alloc : memref<!tpu.dma_semaphore, #tpu.memory_space<semaphore_mem>>
          %dma_start3A_141 = tpu.memref_slice %arg9[%mul3A_139] : memref<10000xf32, #tpu.memory_space<vmem_shared>> -> memref<2000xf32, #tpu.memory_space<vmem_shared>>
          %dma_start3A_142 = tpu.memref_slice %arg9[%mul3A_139] : memref<10000xf32, #tpu.memory_space<vmem_shared>> -> memref<2000xf32, #tpu.memory_space<vmem_shared>>
          tpu.enqueue_dma source(%arg14 : memref<2000xf32, #tpu.memory_space<vmem>>) target(%dma_start3A_142 : memref<2000xf32, #tpu.memory_space<vmem_shared>>) target_semaphore(%run_scoped3A : memref<!tpu.dma_semaphore, #tpu.memory_space<semaphore_mem>>)
          %dma_wait3A_143 = tpu.memref_slice %arg9[%mul3A_139] : memref<10000xf32, #tpu.memory_space<vmem_shared>> -> memref<2000xf32, #tpu.memory_space<vmem_shared>>
          %dma_wait3A_144 = tpu.memref_slice %arg9[%mul3A_139] : memref<10000xf32, #tpu.memory_space<vmem_shared>> -> memref<2000xf32, #tpu.memory_space<vmem_shared>>
          tpu.wait_dma2 semaphore(%run_scoped3A : memref<!tpu.dma_semaphore, #tpu.memory_space<semaphore_mem>>) src(%arg14 : memref<2000xf32, #tpu.memory_space<vmem>>) dst(%dma_wait3A_144 : memref<2000xf32, #tpu.memory_space<vmem_shared>>)
          tpu.yield
        }) : () -> ()
        %scan3A_140 = arith.constant 0 : i32
        scf.yield %scan3A_140 : i32
      }
      %scan3A_135 = arith.constant 5 : i32
    } else {
    }
    %barrier3A = arith.constant 0 : index
    tpu.barrier barrier_id(%barrier3A)
    %dma_start3A = arith.constant 0 : i32
    %dma_start3A_28 = arith.constant 0 : i32
    %dma_start3A_29 = arith.constant 0 : i32
    %dma_start3A_30 = arith.constant 0 : i32
    %dma_start3A_31 = tpu.memref_slice %arg12[%dma_start3A, %dma_start3A_29, %dma_start3A_30] : memref<5x40x128xf32, #tpu.memory_space<vmem>> -> memref<1x40x128xf32, #tpu.memory_space<vmem>>
    %dma_start3A_32 = tpu.memref_squeeze %dma_start3A_31 : memref<1x40x128xf32, #tpu.memory_space<vmem>> -> memref<40x128xf32, #tpu.memory_space<vmem>>
    %dma_start3A_33 = arith.constant 0 : i32
    %dma_start3A_34 = tpu.memref_slice %arg10[%dma_start3A_33] : memref<10000xi32, #tpu.memory_space<vmem>> -> memref<40xi32, #tpu.memory_space<vmem>>
    %dma_start3A_35 = arith.constant 0 : i32
    %dma_start3A_36 = arith.constant 0 : i32
    %dma_start3A_37 = tpu.memref_slice %arg2[%dma_start3A_35, %dma_start3A_36] : memref<10000x128xf32, #tpu.memory_space<hbm>> -> memref<10000x128xf32, #tpu.memory_space<hbm>>
    %dma_start3A_38 = tpu.memref_slice %arg15[%dma_start3A_28] : memref<5x!tpu.dma_semaphore, #tpu.memory_space<semaphore_mem>> -> memref<1x!tpu.dma_semaphore, #tpu.memory_space<semaphore_mem>>
    %dma_start3A_39 = tpu.memref_squeeze %dma_start3A_38 : memref<1x!tpu.dma_semaphore, #tpu.memory_space<semaphore_mem>> -> memref<!tpu.dma_semaphore, #tpu.memory_space<semaphore_mem>>
    tpu.enqueue_indirect_dma source(%dma_start3A_37 : memref<10000x128xf32, #tpu.memory_space<hbm>>) target(%dma_start3A_32 : memref<40x128xf32, #tpu.memory_space<vmem>>) offsets(%dma_start3A_34 : memref<40xi32, #tpu.memory_space<vmem>>) semaphore(%dma_start3A_39 : memref<!tpu.dma_semaphore, #tpu.memory_space<semaphore_mem>>)
    %dma_start3A_40 = arith.constant 1 : i32
    %dma_start3A_41 = arith.constant 1 : i32
    %dma_start3A_42 = arith.constant 0 : i32
    %dma_start3A_43 = arith.constant 0 : i32
    %dma_start3A_44 = tpu.memref_slice %arg12[%dma_start3A_40, %dma_start3A_42, %dma_start3A_43] : memref<5x40x128xf32, #tpu.memory_space<vmem>> -> memref<1x40x128xf32, #tpu.memory_space<vmem>>
    %dma_start3A_45 = tpu.memref_squeeze %dma_start3A_44 : memref<1x40x128xf32, #tpu.memory_space<vmem>> -> memref<40x128xf32, #tpu.memory_space<vmem>>
    %dma_start3A_46 = arith.constant 40 : i32
    %dma_start3A_47 = tpu.memref_slice %arg10[%dma_start3A_46] : memref<10000xi32, #tpu.memory_space<vmem>> -> memref<40xi32, #tpu.memory_space<vmem>>
    %dma_start3A_48 = arith.constant 0 : i32
    %dma_start3A_49 = arith.constant 0 : i32
    %dma_start3A_50 = tpu.memref_slice %arg2[%dma_start3A_48, %dma_start3A_49] : memref<10000x128xf32, #tpu.memory_space<hbm>> -> memref<10000x128xf32, #tpu.memory_space<hbm>>
    %dma_start3A_51 = tpu.memref_slice %arg15[%dma_start3A_41] : memref<5x!tpu.dma_semaphore, #tpu.memory_space<semaphore_mem>> -> memref<1x!tpu.dma_semaphore, #tpu.memory_space<semaphore_mem>>
    %dma_start3A_52 = tpu.memref_squeeze %dma_start3A_51 : memref<1x!tpu.dma_semaphore, #tpu.memory_space<semaphore_mem>> -> memref<!tpu.dma_semaphore, #tpu.memory_space<semaphore_mem>>
    tpu.enqueue_indirect_dma source(%dma_start3A_50 : memref<10000x128xf32, #tpu.memory_space<hbm>>) target(%dma_start3A_45 : memref<40x128xf32, #tpu.memory_space<vmem>>) offsets(%dma_start3A_47 : memref<40xi32, #tpu.memory_space<vmem>>) semaphore(%dma_start3A_52 : memref<!tpu.dma_semaphore, #tpu.memory_space<semaphore_mem>>)
    %dma_start3A_53 = arith.constant 2 : i32
    %dma_start3A_54 = arith.constant 2 : i32
    %dma_start3A_55 = arith.constant 0 : i32
    %dma_start3A_56 = arith.constant 0 : i32
    %dma_start3A_57 = tpu.memref_slice %arg12[%dma_start3A_53, %dma_start3A_55, %dma_start3A_56] : memref<5x40x128xf32, #tpu.memory_space<vmem>> -> memref<1x40x128xf32, #tpu.memory_space<vmem>>
    %dma_start3A_58 = tpu.memref_squeeze %dma_start3A_57 : memref<1x40x128xf32, #tpu.memory_space<vmem>> -> memref<40x128xf32, #tpu.memory_space<vmem>>
    %dma_start3A_59 = arith.constant 80 : i32
    %dma_start3A_60 = tpu.memref_slice %arg10[%dma_start3A_59] : memref<10000xi32, #tpu.memory_space<vmem>> -> memref<40xi32, #tpu.memory_space<vmem>>
    %dma_start3A_61 = arith.constant 0 : i32
    %dma_start3A_62 = arith.constant 0 : i32
    %dma_start3A_63 = tpu.memref_slice %arg2[%dma_start3A_61, %dma_start3A_62] : memref<10000x128xf32, #tpu.memory_space<hbm>> -> memref<10000x128xf32, #tpu.memory_space<hbm>>
    %dma_start3A_64 = tpu.memref_slice %arg15[%dma_start3A_54] : memref<5x!tpu.dma_semaphore, #tpu.memory_space<semaphore_mem>> -> memref<1x!tpu.dma_semaphore, #tpu.memory_space<semaphore_mem>>
    %dma_start3A_65 = tpu.memref_squeeze %dma_start3A_64 : memref<1x!tpu.dma_semaphore, #tpu.memory_space<semaphore_mem>> -> memref<!tpu.dma_semaphore, #tpu.memory_space<semaphore_mem>>
    tpu.enqueue_indirect_dma source(%dma_start3A_63 : memref<10000x128xf32, #tpu.memory_space<hbm>>) target(%dma_start3A_58 : memref<40x128xf32, #tpu.memory_space<vmem>>) offsets(%dma_start3A_60 : memref<40xi32, #tpu.memory_space<vmem>>) semaphore(%dma_start3A_65 : memref<!tpu.dma_semaphore, #tpu.memory_space<semaphore_mem>>)
    %dma_start3A_66 = arith.constant 3 : i32
    %dma_start3A_67 = arith.constant 3 : i32
    %dma_start3A_68 = arith.constant 0 : i32
    %dma_start3A_69 = arith.constant 0 : i32
    %dma_start3A_70 = tpu.memref_slice %arg12[%dma_start3A_66, %dma_start3A_68, %dma_start3A_69] : memref<5x40x128xf32, #tpu.memory_space<vmem>> -> memref<1x40x128xf32, #tpu.memory_space<vmem>>
    %dma_start3A_71 = tpu.memref_squeeze %dma_start3A_70 : memref<1x40x128xf32, #tpu.memory_space<vmem>> -> memref<40x128xf32, #tpu.memory_space<vmem>>
    %dma_start3A_72 = arith.constant 120 : i32
    %dma_start3A_73 = tpu.memref_slice %arg10[%dma_start3A_72] : memref<10000xi32, #tpu.memory_space<vmem>> -> memref<40xi32, #tpu.memory_space<vmem>>
    %dma_start3A_74 = arith.constant 0 : i32
    %dma_start3A_75 = arith.constant 0 : i32
    %dma_start3A_76 = tpu.memref_slice %arg2[%dma_start3A_74, %dma_start3A_75] : memref<10000x128xf32, #tpu.memory_space<hbm>> -> memref<10000x128xf32, #tpu.memory_space<hbm>>
    %dma_start3A_77 = tpu.memref_slice %arg15[%dma_start3A_67] : memref<5x!tpu.dma_semaphore, #tpu.memory_space<semaphore_mem>> -> memref<1x!tpu.dma_semaphore, #tpu.memory_space<semaphore_mem>>
    %dma_start3A_78 = tpu.memref_squeeze %dma_start3A_77 : memref<1x!tpu.dma_semaphore, #tpu.memory_space<semaphore_mem>> -> memref<!tpu.dma_semaphore, #tpu.memory_space<semaphore_mem>>
    tpu.enqueue_indirect_dma source(%dma_start3A_76 : memref<10000x128xf32, #tpu.memory_space<hbm>>) target(%dma_start3A_71 : memref<40x128xf32, #tpu.memory_space<vmem>>) offsets(%dma_start3A_73 : memref<40xi32, #tpu.memory_space<vmem>>) semaphore(%dma_start3A_78 : memref<!tpu.dma_semaphore, #tpu.memory_space<semaphore_mem>>)
    %scan3A = arith.constant 0 : i32
    %scan3A_79 = arith.constant 0 : i32
    %scan3A_80 = arith.constant 50 : i32
    %scan3A_81 = arith.addi %scan3A_79, %scan3A_80 : i32
    %scan3A_82 = arith.constant 1 : i32
    %scan3A_83 = scf.for %scan3A_122 = %scan3A_79 to %scan3A_81 step %scan3A_82 iter_args(%scan3A_123 = %scan3A) -> (i32)  : i32 {
      %mul3A_124 = arith.constant 5 : i32
      %mul3A_125 = arith.muli %scan3A_122, %mul3A_124 : i32
      %add3A_126 = arith.constant 0 : i32
      %add3A_127 = arith.addi %mul3A_125, %add3A_126 : i32
      %mul3A_128 = arith.constant 40 : i32
      %mul3A_129 = arith.muli %add3A_127, %mul3A_128 : i32
      %dma_wait3A_130 = arith.constant 0 : i32
      %dma_wait3A_131 = arith.constant 0 : i32
      %dma_wait3A_132 = arith.constant 0 : i32
      %dma_wait3A_133 = arith.constant 0 : i32
      %dma_wait3A_134 = tpu.memref_slice %arg12[%dma_wait3A_130, %dma_wait3A_132, %dma_wait3A_133] : memref<5x40x128xf32, #tpu.memory_space<vmem>> -> memref<1x40x128xf32, #tpu.memory_space<vmem>>
      %dma_wait3A_135 = tpu.memref_squeeze %dma_wait3A_134 : memref<1x40x128xf32, #tpu.memory_space<vmem>> -> memref<40x128xf32, #tpu.memory_space<vmem>>
      %dma_wait3A_136 = tpu.memref_slice %arg10[%mul3A_129] : memref<10000xi32, #tpu.memory_space<vmem>> -> memref<40xi32, #tpu.memory_space<vmem>>
      %dma_wait3A_137 = arith.constant 0 : i32
      %dma_wait3A_138 = arith.constant 0 : i32
      %dma_wait3A_139 = tpu.memref_slice %arg2[%dma_wait3A_137, %dma_wait3A_138] : memref<10000x128xf32, #tpu.memory_space<hbm>> -> memref<10000x128xf32, #tpu.memory_space<hbm>>
      %dma_wait3A_140 = tpu.memref_slice %arg15[%dma_wait3A_131] : memref<5x!tpu.dma_semaphore, #tpu.memory_space<semaphore_mem>> -> memref<1x!tpu.dma_semaphore, #tpu.memory_space<semaphore_mem>>
      %dma_wait3A_141 = tpu.memref_squeeze %dma_wait3A_140 : memref<1x!tpu.dma_semaphore, #tpu.memory_space<semaphore_mem>> -> memref<!tpu.dma_semaphore, #tpu.memory_space<semaphore_mem>>
      tpu.wait_indirect_dma semaphore(%dma_wait3A_141 : memref<!tpu.dma_semaphore, #tpu.memory_space<semaphore_mem>>) src(%dma_wait3A_139 : memref<10000x128xf32, #tpu.memory_space<hbm>>) dst(%dma_wait3A_135 : memref<40x128xf32, #tpu.memory_space<vmem>>)
      %mul3A_142 = arith.constant 40 : i32
      %mul3A_143 = arith.muli %add3A_127, %mul3A_142 : i32
      %dma_start3A_144 = arith.constant 0 : i32
      %dma_start3A_145 = arith.constant 0 : i32
      %dma_start3A_146 = arith.constant 0 : i32
      %dma_start3A_147 = arith.constant 0 : i32
      %dma_start3A_148 = tpu.memref_slice %arg12[%dma_start3A_144, %dma_start3A_146, %dma_start3A_147] : memref<5x40x128xf32, #tpu.memory_space<vmem>> -> memref<1x40x128xf32, #tpu.memory_space<vmem>>
      %dma_start3A_149 = tpu.memref_squeeze %dma_start3A_148 : memref<1x40x128xf32, #tpu.memory_space<vmem>> -> memref<40x128xf32, #tpu.memory_space<vmem>>
      %dma_start3A_150 = tpu.memref_slice %arg11[%mul3A_143] : memref<10000xi32, #tpu.memory_space<vmem>> -> memref<40xi32, #tpu.memory_space<vmem>>
      %dma_start3A_151 = arith.constant 0 : i32
      %dma_start3A_152 = arith.constant 0 : i32
      %dma_start3A_153 = tpu.memref_slice %arg8[%dma_start3A_151, %dma_start3A_152] : memref<10000x128xf32, #tpu.memory_space<vmem_shared>> -> memref<10000x128xf32, #tpu.memory_space<vmem_shared>>
      %dma_start3A_154 = tpu.memref_slice %arg16[%dma_start3A_145] : memref<5x!tpu.dma_semaphore, #tpu.memory_space<semaphore_mem>> -> memref<1x!tpu.dma_semaphore, #tpu.memory_space<semaphore_mem>>
      %dma_start3A_155 = tpu.memref_squeeze %dma_start3A_154 : memref<1x!tpu.dma_semaphore, #tpu.memory_space<semaphore_mem>> -> memref<!tpu.dma_semaphore, #tpu.memory_space<semaphore_mem>>
      tpu.enqueue_indirect_dma source(%dma_start3A_149 : memref<40x128xf32, #tpu.memory_space<vmem>>) target(%dma_start3A_153 : memref<10000x128xf32, #tpu.memory_space<vmem_shared>>) offsets(%dma_start3A_150 : memref<40xi32, #tpu.memory_space<vmem>>) semaphore(%dma_start3A_155 : memref<!tpu.dma_semaphore, #tpu.memory_space<semaphore_mem>>) {add = true}
      %ge3A = arith.constant 1 : i32
      %ge3A_156 = arith.cmpi sge, %add3A_127, %ge3A : i32
      %convert_element_type3A_157 = arith.extui %ge3A_156 : i1 to i32
      %cond3A_158 = arith.constant 0 : i32
      %cond3A_159 = arith.cmpi ne, %convert_element_type3A_157, %cond3A_158 : i32
      scf.if %cond3A_159 {
        %mul3A_428 = arith.constant 40 : i32
        %mul3A_429 = arith.muli %add3A_127, %mul3A_428 : i32
        %dma_wait3A_430 = arith.constant 4 : i32
        %dma_wait3A_431 = arith.constant 0 : i32
        %dma_wait3A_432 = tpu.memref_slice %arg13[%dma_wait3A_431] : memref<48xf32, #tpu.memory_space<vmem>> -> memref<40xf32, #tpu.memory_space<vmem>>
        %dma_wait3A_433 = tpu.memref_slice %arg11[%mul3A_429] : memref<10000xi32, #tpu.memory_space<vmem>> -> memref<40xi32, #tpu.memory_space<vmem>>
        %dma_wait3A_434 = arith.constant 0 : i32
        %dma_wait3A_435 = tpu.memref_slice %arg9[%dma_wait3A_434] : memref<10000xf32, #tpu.memory_space<vmem_shared>> -> memref<10000xf32, #tpu.memory_space<vmem_shared>>
        %dma_wait3A_436 = tpu.memref_slice %arg17[%dma_wait3A_430] : memref<5x!tpu.dma_semaphore, #tpu.memory_space<semaphore_mem>> -> memref<1x!tpu.dma_semaphore, #tpu.memory_space<semaphore_mem>>
        %dma_wait3A_437 = tpu.memref_squeeze %dma_wait3A_436 : memref<1x!tpu.dma_semaphore, #tpu.memory_space<semaphore_mem>> -> memref<!tpu.dma_semaphore, #tpu.memory_space<semaphore_mem>>
        tpu.wait_indirect_dma semaphore(%dma_wait3A_437 : memref<!tpu.dma_semaphore, #tpu.memory_space<semaphore_mem>>) src(%dma_wait3A_432 : memref<40xf32, #tpu.memory_space<vmem>>) dst(%dma_wait3A_435 : memref<10000xf32, #tpu.memory_space<vmem_shared>>)
      } else {
      }
      %mul3A_160 = arith.constant 40 : i32
      %mul3A_161 = arith.muli %add3A_127, %mul3A_160 : i32
      %dma_start3A_162 = arith.constant 0 : i32
      %dma_start3A_163 = arith.constant 0 : i32
      %dma_start3A_164 = tpu.memref_slice %arg13[%dma_start3A_163] : memref<48xf32, #tpu.memory_space<vmem>> -> memref<40xf32, #tpu.memory_space<vmem>>
      %dma_start3A_165 = tpu.memref_slice %arg11[%mul3A_161] : memref<10000xi32, #tpu.memory_space<vmem>> -> memref<40xi32, #tpu.memory_space<vmem>>
      %dma_start3A_166 = arith.constant 0 : i32
      %dma_start3A_167 = tpu.memref_slice %arg9[%dma_start3A_166] : memref<10000xf32, #tpu.memory_space<vmem_shared>> -> memref<10000xf32, #tpu.memory_space<vmem_shared>>
      %dma_start3A_168 = tpu.memref_slice %arg17[%dma_start3A_162] : memref<5x!tpu.dma_semaphore, #tpu.memory_space<semaphore_mem>> -> memref<1x!tpu.dma_semaphore, #tpu.memory_space<semaphore_mem>>
      %dma_start3A_169 = tpu.memref_squeeze %dma_start3A_168 : memref<1x!tpu.dma_semaphore, #tpu.memory_space<semaphore_mem>> -> memref<!tpu.dma_semaphore, #tpu.memory_space<semaphore_mem>>
      tpu.enqueue_indirect_dma source(%dma_start3A_164 : memref<40xf32, #tpu.memory_space<vmem>>) target(%dma_start3A_167 : memref<10000xf32, #tpu.memory_space<vmem_shared>>) offsets(%dma_start3A_165 : memref<40xi32, #tpu.memory_space<vmem>>) semaphore(%dma_start3A_169 : memref<!tpu.dma_semaphore, #tpu.memory_space<semaphore_mem>>) {add = true}
      %ge3A_170 = arith.constant 1 : i32
      %ge3A_171 = arith.cmpi sge, %add3A_127, %ge3A_170 : i32
      %convert_element_type3A_172 = arith.extui %ge3A_171 : i1 to i32
      %cond3A_173 = arith.constant 0 : i32
      %cond3A_174 = arith.cmpi ne, %convert_element_type3A_172, %cond3A_173 : i32
      scf.if %cond3A_174 {
        %sub3A_428 = arith.constant 1 : i32
        %sub3A_429 = arith.subi %add3A_127, %sub3A_428 : i32
        %mul3A_430 = arith.constant 40 : i32
        %mul3A_431 = arith.muli %sub3A_429, %mul3A_430 : i32
        %dma_wait3A_432 = arith.constant 4 : i32
        %dma_wait3A_433 = arith.constant 4 : i32
        %dma_wait3A_434 = arith.constant 0 : i32
        %dma_wait3A_435 = arith.constant 0 : i32
        %dma_wait3A_436 = tpu.memref_slice %arg12[%dma_wait3A_432, %dma_wait3A_434, %dma_wait3A_435] : memref<5x40x128xf32, #tpu.memory_space<vmem>> -> memref<1x40x128xf32, #tpu.memory_space<vmem>>
        %dma_wait3A_437 = tpu.memref_squeeze %dma_wait3A_436 : memref<1x40x128xf32, #tpu.memory_space<vmem>> -> memref<40x128xf32, #tpu.memory_space<vmem>>
        %dma_wait3A_438 = tpu.memref_slice %arg11[%mul3A_431] : memref<10000xi32, #tpu.memory_space<vmem>> -> memref<40xi32, #tpu.memory_space<vmem>>
        %dma_wait3A_439 = arith.constant 0 : i32
        %dma_wait3A_440 = arith.constant 0 : i32
        %dma_wait3A_441 = tpu.memref_slice %arg8[%dma_wait3A_439, %dma_wait3A_440] : memref<10000x128xf32, #tpu.memory_space<vmem_shared>> -> memref<10000x128xf32, #tpu.memory_space<vmem_shared>>
        %dma_wait3A_442 = tpu.memref_slice %arg16[%dma_wait3A_433] : memref<5x!tpu.dma_semaphore, #tpu.memory_space<semaphore_mem>> -> memref<1x!tpu.dma_semaphore, #tpu.memory_space<semaphore_mem>>
        %dma_wait3A_443 = tpu.memref_squeeze %dma_wait3A_442 : memref<1x!tpu.dma_semaphore, #tpu.memory_space<semaphore_mem>> -> memref<!tpu.dma_semaphore, #tpu.memory_space<semaphore_mem>>
        tpu.wait_indirect_dma semaphore(%dma_wait3A_443 : memref<!tpu.dma_semaphore, #tpu.memory_space<semaphore_mem>>) src(%dma_wait3A_437 : memref<40x128xf32, #tpu.memory_space<vmem>>) dst(%dma_wait3A_441 : memref<10000x128xf32, #tpu.memory_space<vmem_shared>>)
      } else {
      }
      %add3A_175 = arith.constant 5 : i32
      %add3A_176 = arith.addi %add3A_127, %add3A_175 : i32
      %sub3A = arith.constant 1 : i32
      %sub3A_177 = arith.subi %add3A_176, %sub3A : i32
      %lt3A_178 = arith.constant 250 : i32
      %lt3A_179 = arith.cmpi slt, %sub3A_177, %lt3A_178 : i32
      %convert_element_type3A_180 = arith.extui %lt3A_179 : i1 to i32
      %cond3A_181 = arith.constant 0 : i32
      %cond3A_182 = arith.cmpi ne, %convert_element_type3A_180, %cond3A_181 : i32
      scf.if %cond3A_182 {
        %add3A_428 = arith.constant 5 : i32
        %add3A_429 = arith.addi %add3A_127, %add3A_428 : i32
        %sub3A_430 = arith.constant 1 : i32
        %sub3A_431 = arith.subi %add3A_429, %sub3A_430 : i32
        %mul3A_432 = arith.constant 40 : i32
        %mul3A_433 = arith.muli %sub3A_431, %mul3A_432 : i32
        %dma_start3A_434 = arith.constant 4 : i32
        %dma_start3A_435 = arith.constant 4 : i32
        %dma_start3A_436 = arith.constant 0 : i32
        %dma_start3A_437 = arith.constant 0 : i32
        %dma_start3A_438 = tpu.memref_slice %arg12[%dma_start3A_434, %dma_start3A_436, %dma_start3A_437] : memref<5x40x128xf32, #tpu.memory_space<vmem>> -> memref<1x40x128xf32, #tpu.memory_space<vmem>>
        %dma_start3A_439 = tpu.memref_squeeze %dma_start3A_438 : memref<1x40x128xf32, #tpu.memory_space<vmem>> -> memref<40x128xf32, #tpu.memory_space<vmem>>
        %dma_start3A_440 = tpu.memref_slice %arg10[%mul3A_433] : memref<10000xi32, #tpu.memory_space<vmem>> -> memref<40xi32, #tpu.memory_space<vmem>>
        %dma_start3A_441 = arith.constant 0 : i32
        %dma_start3A_442 = arith.constant 0 : i32
        %dma_start3A_443 = tpu.memref_slice %arg2[%dma_start3A_441, %dma_start3A_442] : memref<10000x128xf32, #tpu.memory_space<hbm>> -> memref<10000x128xf32, #tpu.memory_space<hbm>>
        %dma_start3A_444 = tpu.memref_slice %arg15[%dma_start3A_435] : memref<5x!tpu.dma_semaphore, #tpu.memory_space<semaphore_mem>> -> memref<1x!tpu.dma_semaphore, #tpu.memory_space<semaphore_mem>>
        %dma_start3A_445 = tpu.memref_squeeze %dma_start3A_444 : memref<1x!tpu.dma_semaphore, #tpu.memory_space<semaphore_mem>> -> memref<!tpu.dma_semaphore, #tpu.memory_space<semaphore_mem>>
        tpu.enqueue_indirect_dma source(%dma_start3A_443 : memref<10000x128xf32, #tpu.memory_space<hbm>>) target(%dma_start3A_439 : memref<40x128xf32, #tpu.memory_space<vmem>>) offsets(%dma_start3A_440 : memref<40xi32, #tpu.memory_space<vmem>>) semaphore(%dma_start3A_445 : memref<!tpu.dma_semaphore, #tpu.memory_space<semaphore_mem>>)
      } else {
      }
      %mul3A_183 = arith.constant 5 : i32
      %mul3A_184 = arith.muli %scan3A_122, %mul3A_183 : i32
      %add3A_185 = arith.constant 1 : i32
      %add3A_186 = arith.addi %mul3A_184, %add3A_185 : i32
      %mul3A_187 = arith.constant 40 : i32
      %mul3A_188 = arith.muli %add3A_186, %mul3A_187 : i32
      %dma_wait3A_189 = arith.constant 1 : i32
      %dma_wait3A_190 = arith.constant 1 : i32
      %dma_wait3A_191 = arith.constant 0 : i32
      %dma_wait3A_192 = arith.constant 0 : i32
      %dma_wait3A_193 = tpu.memref_slice %arg12[%dma_wait3A_189, %dma_wait3A_191, %dma_wait3A_192] : memref<5x40x128xf32, #tpu.memory_space<vmem>> -> memref<1x40x128xf32, #tpu.memory_space<vmem>>
      %dma_wait3A_194 = tpu.memref_squeeze %dma_wait3A_193 : memref<1x40x128xf32, #tpu.memory_space<vmem>> -> memref<40x128xf32, #tpu.memory_space<vmem>>
      %dma_wait3A_195 = tpu.memref_slice %arg10[%mul3A_188] : memref<10000xi32, #tpu.memory_space<vmem>> -> memref<40xi32, #tpu.memory_space<vmem>>
      %dma_wait3A_196 = arith.constant 0 : i32
      %dma_wait3A_197 = arith.constant 0 : i32
      %dma_wait3A_198 = tpu.memref_slice %arg2[%dma_wait3A_196, %dma_wait3A_197] : memref<10000x128xf32, #tpu.memory_space<hbm>> -> memref<10000x128xf32, #tpu.memory_space<hbm>>
      %dma_wait3A_199 = tpu.memref_slice %arg15[%dma_wait3A_190] : memref<5x!tpu.dma_semaphore, #tpu.memory_space<semaphore_mem>> -> memref<1x!tpu.dma_semaphore, #tpu.memory_space<semaphore_mem>>
      %dma_wait3A_200 = tpu.memref_squeeze %dma_wait3A_199 : memref<1x!tpu.dma_semaphore, #tpu.memory_space<semaphore_mem>> -> memref<!tpu.dma_semaphore, #tpu.memory_space<semaphore_mem>>
      tpu.wait_indirect_dma semaphore(%dma_wait3A_200 : memref<!tpu.dma_semaphore, #tpu.memory_space<semaphore_mem>>) src(%dma_wait3A_198 : memref<10000x128xf32, #tpu.memory_space<hbm>>) dst(%dma_wait3A_194 : memref<40x128xf32, #tpu.memory_space<vmem>>)
      %mul3A_201 = arith.constant 40 : i32
      %mul3A_202 = arith.muli %add3A_186, %mul3A_201 : i32
      %dma_start3A_203 = arith.constant 1 : i32
      %dma_start3A_204 = arith.constant 1 : i32
      %dma_start3A_205 = arith.constant 0 : i32
      %dma_start3A_206 = arith.constant 0 : i32
      %dma_start3A_207 = tpu.memref_slice %arg12[%dma_start3A_203, %dma_start3A_205, %dma_start3A_206] : memref<5x40x128xf32, #tpu.memory_space<vmem>> -> memref<1x40x128xf32, #tpu.memory_space<vmem>>
      %dma_start3A_208 = tpu.memref_squeeze %dma_start3A_207 : memref<1x40x128xf32, #tpu.memory_space<vmem>> -> memref<40x128xf32, #tpu.memory_space<vmem>>
      %dma_start3A_209 = tpu.memref_slice %arg11[%mul3A_202] : memref<10000xi32, #tpu.memory_space<vmem>> -> memref<40xi32, #tpu.memory_space<vmem>>
      %dma_start3A_210 = arith.constant 0 : i32
      %dma_start3A_211 = arith.constant 0 : i32
      %dma_start3A_212 = tpu.memref_slice %arg8[%dma_start3A_210, %dma_start3A_211] : memref<10000x128xf32, #tpu.memory_space<vmem_shared>> -> memref<10000x128xf32, #tpu.memory_space<vmem_shared>>
      %dma_start3A_213 = tpu.memref_slice %arg16[%dma_start3A_204] : memref<5x!tpu.dma_semaphore, #tpu.memory_space<semaphore_mem>> -> memref<1x!tpu.dma_semaphore, #tpu.memory_space<semaphore_mem>>
      %dma_start3A_214 = tpu.memref_squeeze %dma_start3A_213 : memref<1x!tpu.dma_semaphore, #tpu.memory_space<semaphore_mem>> -> memref<!tpu.dma_semaphore, #tpu.memory_space<semaphore_mem>>
      tpu.enqueue_indirect_dma source(%dma_start3A_208 : memref<40x128xf32, #tpu.memory_space<vmem>>) target(%dma_start3A_212 : memref<10000x128xf32, #tpu.memory_space<vmem_shared>>) offsets(%dma_start3A_209 : memref<40xi32, #tpu.memory_space<vmem>>) semaphore(%dma_start3A_214 : memref<!tpu.dma_semaphore, #tpu.memory_space<semaphore_mem>>) {add = true}
      %ge3A_215 = arith.constant 1 : i32
      %ge3A_216 = arith.cmpi sge, %add3A_186, %ge3A_215 : i32
      %convert_element_type3A_217 = arith.extui %ge3A_216 : i1 to i32
      %cond3A_218 = arith.constant 0 : i32
      %cond3A_219 = arith.cmpi ne, %convert_element_type3A_217, %cond3A_218 : i32
      scf.if %cond3A_219 {
        %mul3A_428 = arith.constant 40 : i32
        %mul3A_429 = arith.muli %add3A_186, %mul3A_428 : i32
        %dma_wait3A_430 = arith.constant 0 : i32
        %dma_wait3A_431 = arith.constant 0 : i32
        %dma_wait3A_432 = tpu.memref_slice %arg13[%dma_wait3A_431] : memref<48xf32, #tpu.memory_space<vmem>> -> memref<40xf32, #tpu.memory_space<vmem>>
        %dma_wait3A_433 = tpu.memref_slice %arg11[%mul3A_429] : memref<10000xi32, #tpu.memory_space<vmem>> -> memref<40xi32, #tpu.memory_space<vmem>>
        %dma_wait3A_434 = arith.constant 0 : i32
        %dma_wait3A_435 = tpu.memref_slice %arg9[%dma_wait3A_434] : memref<10000xf32, #tpu.memory_space<vmem_shared>> -> memref<10000xf32, #tpu.memory_space<vmem_shared>>
        %dma_wait3A_436 = tpu.memref_slice %arg17[%dma_wait3A_430] : memref<5x!tpu.dma_semaphore, #tpu.memory_space<semaphore_mem>> -> memref<1x!tpu.dma_semaphore, #tpu.memory_space<semaphore_mem>>
        %dma_wait3A_437 = tpu.memref_squeeze %dma_wait3A_436 : memref<1x!tpu.dma_semaphore, #tpu.memory_space<semaphore_mem>> -> memref<!tpu.dma_semaphore, #tpu.memory_space<semaphore_mem>>
        tpu.wait_indirect_dma semaphore(%dma_wait3A_437 : memref<!tpu.dma_semaphore, #tpu.memory_space<semaphore_mem>>) src(%dma_wait3A_432 : memref<40xf32, #tpu.memory_space<vmem>>) dst(%dma_wait3A_435 : memref<10000xf32, #tpu.memory_space<vmem_shared>>)
      } else {
      }
      %mul3A_220 = arith.constant 40 : i32
      %mul3A_221 = arith.muli %add3A_186, %mul3A_220 : i32
      %dma_start3A_222 = arith.constant 1 : i32
      %dma_start3A_223 = arith.constant 0 : i32
      %dma_start3A_224 = tpu.memref_slice %arg13[%dma_start3A_223] : memref<48xf32, #tpu.memory_space<vmem>> -> memref<40xf32, #tpu.memory_space<vmem>>
      %dma_start3A_225 = tpu.memref_slice %arg11[%mul3A_221] : memref<10000xi32, #tpu.memory_space<vmem>> -> memref<40xi32, #tpu.memory_space<vmem>>
      %dma_start3A_226 = arith.constant 0 : i32
      %dma_start3A_227 = tpu.memref_slice %arg9[%dma_start3A_226] : memref<10000xf32, #tpu.memory_space<vmem_shared>> -> memref<10000xf32, #tpu.memory_space<vmem_shared>>
      %dma_start3A_228 = tpu.memref_slice %arg17[%dma_start3A_222] : memref<5x!tpu.dma_semaphore, #tpu.memory_space<semaphore_mem>> -> memref<1x!tpu.dma_semaphore, #tpu.memory_space<semaphore_mem>>
      %dma_start3A_229 = tpu.memref_squeeze %dma_start3A_228 : memref<1x!tpu.dma_semaphore, #tpu.memory_space<semaphore_mem>> -> memref<!tpu.dma_semaphore, #tpu.memory_space<semaphore_mem>>
      tpu.enqueue_indirect_dma source(%dma_start3A_224 : memref<40xf32, #tpu.memory_space<vmem>>) target(%dma_start3A_227 : memref<10000xf32, #tpu.memory_space<vmem_shared>>) offsets(%dma_start3A_225 : memref<40xi32, #tpu.memory_space<vmem>>) semaphore(%dma_start3A_229 : memref<!tpu.dma_semaphore, #tpu.memory_space<semaphore_mem>>) {add = true}
      %ge3A_230 = arith.constant 1 : i32
      %ge3A_231 = arith.cmpi sge, %add3A_186, %ge3A_230 : i32
      %convert_element_type3A_232 = arith.extui %ge3A_231 : i1 to i32
      %cond3A_233 = arith.constant 0 : i32
      %cond3A_234 = arith.cmpi ne, %convert_element_type3A_232, %cond3A_233 : i32
      scf.if %cond3A_234 {
        %sub3A_428 = arith.constant 1 : i32
        %sub3A_429 = arith.subi %add3A_186, %sub3A_428 : i32
        %mul3A_430 = arith.constant 40 : i32
        %mul3A_431 = arith.muli %sub3A_429, %mul3A_430 : i32
        %dma_wait3A_432 = arith.constant 0 : i32
        %dma_wait3A_433 = arith.constant 0 : i32
        %dma_wait3A_434 = arith.constant 0 : i32
        %dma_wait3A_435 = arith.constant 0 : i32
        %dma_wait3A_436 = tpu.memref_slice %arg12[%dma_wait3A_432, %dma_wait3A_434, %dma_wait3A_435] : memref<5x40x128xf32, #tpu.memory_space<vmem>> -> memref<1x40x128xf32, #tpu.memory_space<vmem>>
        %dma_wait3A_437 = tpu.memref_squeeze %dma_wait3A_436 : memref<1x40x128xf32, #tpu.memory_space<vmem>> -> memref<40x128xf32, #tpu.memory_space<vmem>>
        %dma_wait3A_438 = tpu.memref_slice %arg11[%mul3A_431] : memref<10000xi32, #tpu.memory_space<vmem>> -> memref<40xi32, #tpu.memory_space<vmem>>
        %dma_wait3A_439 = arith.constant 0 : i32
        %dma_wait3A_440 = arith.constant 0 : i32
        %dma_wait3A_441 = tpu.memref_slice %arg8[%dma_wait3A_439, %dma_wait3A_440] : memref<10000x128xf32, #tpu.memory_space<vmem_shared>> -> memref<10000x128xf32, #tpu.memory_space<vmem_shared>>
        %dma_wait3A_442 = tpu.memref_slice %arg16[%dma_wait3A_433] : memref<5x!tpu.dma_semaphore, #tpu.memory_space<semaphore_mem>> -> memref<1x!tpu.dma_semaphore, #tpu.memory_space<semaphore_mem>>
        %dma_wait3A_443 = tpu.memref_squeeze %dma_wait3A_442 : memref<1x!tpu.dma_semaphore, #tpu.memory_space<semaphore_mem>> -> memref<!tpu.dma_semaphore, #tpu.memory_space<semaphore_mem>>
        tpu.wait_indirect_dma semaphore(%dma_wait3A_443 : memref<!tpu.dma_semaphore, #tpu.memory_space<semaphore_mem>>) src(%dma_wait3A_437 : memref<40x128xf32, #tpu.memory_space<vmem>>) dst(%dma_wait3A_441 : memref<10000x128xf32, #tpu.memory_space<vmem_shared>>)
      } else {
      }
      %add3A_235 = arith.constant 5 : i32
      %add3A_236 = arith.addi %add3A_186, %add3A_235 : i32
      %sub3A_237 = arith.constant 1 : i32
      %sub3A_238 = arith.subi %add3A_236, %sub3A_237 : i32
      %lt3A_239 = arith.constant 250 : i32
      %lt3A_240 = arith.cmpi slt, %sub3A_238, %lt3A_239 : i32
      %convert_element_type3A_241 = arith.extui %lt3A_240 : i1 to i32
      %cond3A_242 = arith.constant 0 : i32
      %cond3A_243 = arith.cmpi ne, %convert_element_type3A_241, %cond3A_242 : i32
      scf.if %cond3A_243 {
        %add3A_428 = arith.constant 5 : i32
        %add3A_429 = arith.addi %add3A_186, %add3A_428 : i32
        %sub3A_430 = arith.constant 1 : i32
        %sub3A_431 = arith.subi %add3A_429, %sub3A_430 : i32
        %mul3A_432 = arith.constant 40 : i32
        %mul3A_433 = arith.muli %sub3A_431, %mul3A_432 : i32
        %dma_start3A_434 = arith.constant 0 : i32
        %dma_start3A_435 = arith.constant 0 : i32
        %dma_start3A_436 = arith.constant 0 : i32
        %dma_start3A_437 = arith.constant 0 : i32
        %dma_start3A_438 = tpu.memref_slice %arg12[%dma_start3A_434, %dma_start3A_436, %dma_start3A_437] : memref<5x40x128xf32, #tpu.memory_space<vmem>> -> memref<1x40x128xf32, #tpu.memory_space<vmem>>
        %dma_start3A_439 = tpu.memref_squeeze %dma_start3A_438 : memref<1x40x128xf32, #tpu.memory_space<vmem>> -> memref<40x128xf32, #tpu.memory_space<vmem>>
        %dma_start3A_440 = tpu.memref_slice %arg10[%mul3A_433] : memref<10000xi32, #tpu.memory_space<vmem>> -> memref<40xi32, #tpu.memory_space<vmem>>
        %dma_start3A_441 = arith.constant 0 : i32
        %dma_start3A_442 = arith.constant 0 : i32
        %dma_start3A_443 = tpu.memref_slice %arg2[%dma_start3A_441, %dma_start3A_442] : memref<10000x128xf32, #tpu.memory_space<hbm>> -> memref<10000x128xf32, #tpu.memory_space<hbm>>
        %dma_start3A_444 = tpu.memref_slice %arg15[%dma_start3A_435] : memref<5x!tpu.dma_semaphore, #tpu.memory_space<semaphore_mem>> -> memref<1x!tpu.dma_semaphore, #tpu.memory_space<semaphore_mem>>
        %dma_start3A_445 = tpu.memref_squeeze %dma_start3A_444 : memref<1x!tpu.dma_semaphore, #tpu.memory_space<semaphore_mem>> -> memref<!tpu.dma_semaphore, #tpu.memory_space<semaphore_mem>>
        tpu.enqueue_indirect_dma source(%dma_start3A_443 : memref<10000x128xf32, #tpu.memory_space<hbm>>) target(%dma_start3A_439 : memref<40x128xf32, #tpu.memory_space<vmem>>) offsets(%dma_start3A_440 : memref<40xi32, #tpu.memory_space<vmem>>) semaphore(%dma_start3A_445 : memref<!tpu.dma_semaphore, #tpu.memory_space<semaphore_mem>>)
      } else {
      }
      %mul3A_244 = arith.constant 5 : i32
      %mul3A_245 = arith.muli %scan3A_122, %mul3A_244 : i32
      %add3A_246 = arith.constant 2 : i32
      %add3A_247 = arith.addi %mul3A_245, %add3A_246 : i32
      %mul3A_248 = arith.constant 40 : i32
      %mul3A_249 = arith.muli %add3A_247, %mul3A_248 : i32
      %dma_wait3A_250 = arith.constant 2 : i32
      %dma_wait3A_251 = arith.constant 2 : i32
      %dma_wait3A_252 = arith.constant 0 : i32
      %dma_wait3A_253 = arith.constant 0 : i32
      %dma_wait3A_254 = tpu.memref_slice %arg12[%dma_wait3A_250, %dma_wait3A_252, %dma_wait3A_253] : memref<5x40x128xf32, #tpu.memory_space<vmem>> -> memref<1x40x128xf32, #tpu.memory_space<vmem>>
      %dma_wait3A_255 = tpu.memref_squeeze %dma_wait3A_254 : memref<1x40x128xf32, #tpu.memory_space<vmem>> -> memref<40x128xf32, #tpu.memory_space<vmem>>
      %dma_wait3A_256 = tpu.memref_slice %arg10[%mul3A_249] : memref<10000xi32, #tpu.memory_space<vmem>> -> memref<40xi32, #tpu.memory_space<vmem>>
      %dma_wait3A_257 = arith.constant 0 : i32
      %dma_wait3A_258 = arith.constant 0 : i32
      %dma_wait3A_259 = tpu.memref_slice %arg2[%dma_wait3A_257, %dma_wait3A_258] : memref<10000x128xf32, #tpu.memory_space<hbm>> -> memref<10000x128xf32, #tpu.memory_space<hbm>>
      %dma_wait3A_260 = tpu.memref_slice %arg15[%dma_wait3A_251] : memref<5x!tpu.dma_semaphore, #tpu.memory_space<semaphore_mem>> -> memref<1x!tpu.dma_semaphore, #tpu.memory_space<semaphore_mem>>
      %dma_wait3A_261 = tpu.memref_squeeze %dma_wait3A_260 : memref<1x!tpu.dma_semaphore, #tpu.memory_space<semaphore_mem>> -> memref<!tpu.dma_semaphore, #tpu.memory_space<semaphore_mem>>
      tpu.wait_indirect_dma semaphore(%dma_wait3A_261 : memref<!tpu.dma_semaphore, #tpu.memory_space<semaphore_mem>>) src(%dma_wait3A_259 : memref<10000x128xf32, #tpu.memory_space<hbm>>) dst(%dma_wait3A_255 : memref<40x128xf32, #tpu.memory_space<vmem>>)
      %mul3A_262 = arith.constant 40 : i32
      %mul3A_263 = arith.muli %add3A_247, %mul3A_262 : i32
      %dma_start3A_264 = arith.constant 2 : i32
      %dma_start3A_265 = arith.constant 2 : i32
      %dma_start3A_266 = arith.constant 0 : i32
      %dma_start3A_267 = arith.constant 0 : i32
      %dma_start3A_268 = tpu.memref_slice %arg12[%dma_start3A_264, %dma_start3A_266, %dma_start3A_267] : memref<5x40x128xf32, #tpu.memory_space<vmem>> -> memref<1x40x128xf32, #tpu.memory_space<vmem>>
      %dma_start3A_269 = tpu.memref_squeeze %dma_start3A_268 : memref<1x40x128xf32, #tpu.memory_space<vmem>> -> memref<40x128xf32, #tpu.memory_space<vmem>>
      %dma_start3A_270 = tpu.memref_slice %arg11[%mul3A_263] : memref<10000xi32, #tpu.memory_space<vmem>> -> memref<40xi32, #tpu.memory_space<vmem>>
      %dma_start3A_271 = arith.constant 0 : i32
      %dma_start3A_272 = arith.constant 0 : i32
      %dma_start3A_273 = tpu.memref_slice %arg8[%dma_start3A_271, %dma_start3A_272] : memref<10000x128xf32, #tpu.memory_space<vmem_shared>> -> memref<10000x128xf32, #tpu.memory_space<vmem_shared>>
      %dma_start3A_274 = tpu.memref_slice %arg16[%dma_start3A_265] : memref<5x!tpu.dma_semaphore, #tpu.memory_space<semaphore_mem>> -> memref<1x!tpu.dma_semaphore, #tpu.memory_space<semaphore_mem>>
      %dma_start3A_275 = tpu.memref_squeeze %dma_start3A_274 : memref<1x!tpu.dma_semaphore, #tpu.memory_space<semaphore_mem>> -> memref<!tpu.dma_semaphore, #tpu.memory_space<semaphore_mem>>
      tpu.enqueue_indirect_dma source(%dma_start3A_269 : memref<40x128xf32, #tpu.memory_space<vmem>>) target(%dma_start3A_273 : memref<10000x128xf32, #tpu.memory_space<vmem_shared>>) offsets(%dma_start3A_270 : memref<40xi32, #tpu.memory_space<vmem>>) semaphore(%dma_start3A_275 : memref<!tpu.dma_semaphore, #tpu.memory_space<semaphore_mem>>) {add = true}
      %ge3A_276 = arith.constant 1 : i32
      %ge3A_277 = arith.cmpi sge, %add3A_247, %ge3A_276 : i32
      %convert_element_type3A_278 = arith.extui %ge3A_277 : i1 to i32
      %cond3A_279 = arith.constant 0 : i32
      %cond3A_280 = arith.cmpi ne, %convert_element_type3A_278, %cond3A_279 : i32
      scf.if %cond3A_280 {
        %mul3A_428 = arith.constant 40 : i32
        %mul3A_429 = arith.muli %add3A_247, %mul3A_428 : i32
        %dma_wait3A_430 = arith.constant 1 : i32
        %dma_wait3A_431 = arith.constant 0 : i32
        %dma_wait3A_432 = tpu.memref_slice %arg13[%dma_wait3A_431] : memref<48xf32, #tpu.memory_space<vmem>> -> memref<40xf32, #tpu.memory_space<vmem>>
        %dma_wait3A_433 = tpu.memref_slice %arg11[%mul3A_429] : memref<10000xi32, #tpu.memory_space<vmem>> -> memref<40xi32, #tpu.memory_space<vmem>>
        %dma_wait3A_434 = arith.constant 0 : i32
        %dma_wait3A_435 = tpu.memref_slice %arg9[%dma_wait3A_434] : memref<10000xf32, #tpu.memory_space<vmem_shared>> -> memref<10000xf32, #tpu.memory_space<vmem_shared>>
        %dma_wait3A_436 = tpu.memref_slice %arg17[%dma_wait3A_430] : memref<5x!tpu.dma_semaphore, #tpu.memory_space<semaphore_mem>> -> memref<1x!tpu.dma_semaphore, #tpu.memory_space<semaphore_mem>>
        %dma_wait3A_437 = tpu.memref_squeeze %dma_wait3A_436 : memref<1x!tpu.dma_semaphore, #tpu.memory_space<semaphore_mem>> -> memref<!tpu.dma_semaphore, #tpu.memory_space<semaphore_mem>>
        tpu.wait_indirect_dma semaphore(%dma_wait3A_437 : memref<!tpu.dma_semaphore, #tpu.memory_space<semaphore_mem>>) src(%dma_wait3A_432 : memref<40xf32, #tpu.memory_space<vmem>>) dst(%dma_wait3A_435 : memref<10000xf32, #tpu.memory_space<vmem_shared>>)
      } else {
      }
      %mul3A_281 = arith.constant 40 : i32
      %mul3A_282 = arith.muli %add3A_247, %mul3A_281 : i32
      %dma_start3A_283 = arith.constant 2 : i32
      %dma_start3A_284 = arith.constant 0 : i32
      %dma_start3A_285 = tpu.memref_slice %arg13[%dma_start3A_284] : memref<48xf32, #tpu.memory_space<vmem>> -> memref<40xf32, #tpu.memory_space<vmem>>
      %dma_start3A_286 = tpu.memref_slice %arg11[%mul3A_282] : memref<10000xi32, #tpu.memory_space<vmem>> -> memref<40xi32, #tpu.memory_space<vmem>>
      %dma_start3A_287 = arith.constant 0 : i32
      %dma_start3A_288 = tpu.memref_slice %arg9[%dma_start3A_287] : memref<10000xf32, #tpu.memory_space<vmem_shared>> -> memref<10000xf32, #tpu.memory_space<vmem_shared>>
      %dma_start3A_289 = tpu.memref_slice %arg17[%dma_start3A_283] : memref<5x!tpu.dma_semaphore, #tpu.memory_space<semaphore_mem>> -> memref<1x!tpu.dma_semaphore, #tpu.memory_space<semaphore_mem>>
      %dma_start3A_290 = tpu.memref_squeeze %dma_start3A_289 : memref<1x!tpu.dma_semaphore, #tpu.memory_space<semaphore_mem>> -> memref<!tpu.dma_semaphore, #tpu.memory_space<semaphore_mem>>
      tpu.enqueue_indirect_dma source(%dma_start3A_285 : memref<40xf32, #tpu.memory_space<vmem>>) target(%dma_start3A_288 : memref<10000xf32, #tpu.memory_space<vmem_shared>>) offsets(%dma_start3A_286 : memref<40xi32, #tpu.memory_space<vmem>>) semaphore(%dma_start3A_290 : memref<!tpu.dma_semaphore, #tpu.memory_space<semaphore_mem>>) {add = true}
      %ge3A_291 = arith.constant 1 : i32
      %ge3A_292 = arith.cmpi sge, %add3A_247, %ge3A_291 : i32
      %convert_element_type3A_293 = arith.extui %ge3A_292 : i1 to i32
      %cond3A_294 = arith.constant 0 : i32
      %cond3A_295 = arith.cmpi ne, %convert_element_type3A_293, %cond3A_294 : i32
      scf.if %cond3A_295 {
        %sub3A_428 = arith.constant 1 : i32
        %sub3A_429 = arith.subi %add3A_247, %sub3A_428 : i32
        %mul3A_430 = arith.constant 40 : i32
        %mul3A_431 = arith.muli %sub3A_429, %mul3A_430 : i32
        %dma_wait3A_432 = arith.constant 1 : i32
        %dma_wait3A_433 = arith.constant 1 : i32
        %dma_wait3A_434 = arith.constant 0 : i32
        %dma_wait3A_435 = arith.constant 0 : i32
        %dma_wait3A_436 = tpu.memref_slice %arg12[%dma_wait3A_432, %dma_wait3A_434, %dma_wait3A_435] : memref<5x40x128xf32, #tpu.memory_space<vmem>> -> memref<1x40x128xf32, #tpu.memory_space<vmem>>
        %dma_wait3A_437 = tpu.memref_squeeze %dma_wait3A_436 : memref<1x40x128xf32, #tpu.memory_space<vmem>> -> memref<40x128xf32, #tpu.memory_space<vmem>>
        %dma_wait3A_438 = tpu.memref_slice %arg11[%mul3A_431] : memref<10000xi32, #tpu.memory_space<vmem>> -> memref<40xi32, #tpu.memory_space<vmem>>
        %dma_wait3A_439 = arith.constant 0 : i32
        %dma_wait3A_440 = arith.constant 0 : i32
        %dma_wait3A_441 = tpu.memref_slice %arg8[%dma_wait3A_439, %dma_wait3A_440] : memref<10000x128xf32, #tpu.memory_space<vmem_shared>> -> memref<10000x128xf32, #tpu.memory_space<vmem_shared>>
        %dma_wait3A_442 = tpu.memref_slice %arg16[%dma_wait3A_433] : memref<5x!tpu.dma_semaphore, #tpu.memory_space<semaphore_mem>> -> memref<1x!tpu.dma_semaphore, #tpu.memory_space<semaphore_mem>>
        %dma_wait3A_443 = tpu.memref_squeeze %dma_wait3A_442 : memref<1x!tpu.dma_semaphore, #tpu.memory_space<semaphore_mem>> -> memref<!tpu.dma_semaphore, #tpu.memory_space<semaphore_mem>>
        tpu.wait_indirect_dma semaphore(%dma_wait3A_443 : memref<!tpu.dma_semaphore, #tpu.memory_space<semaphore_mem>>) src(%dma_wait3A_437 : memref<40x128xf32, #tpu.memory_space<vmem>>) dst(%dma_wait3A_441 : memref<10000x128xf32, #tpu.memory_space<vmem_shared>>)
      } else {
      }
      %add3A_296 = arith.constant 5 : i32
      %add3A_297 = arith.addi %add3A_247, %add3A_296 : i32
      %sub3A_298 = arith.constant 1 : i32
      %sub3A_299 = arith.subi %add3A_297, %sub3A_298 : i32
      %lt3A_300 = arith.constant 250 : i32
      %lt3A_301 = arith.cmpi slt, %sub3A_299, %lt3A_300 : i32
      %convert_element_type3A_302 = arith.extui %lt3A_301 : i1 to i32
      %cond3A_303 = arith.constant 0 : i32
      %cond3A_304 = arith.cmpi ne, %convert_element_type3A_302, %cond3A_303 : i32
      scf.if %cond3A_304 {
        %add3A_428 = arith.constant 5 : i32
        %add3A_429 = arith.addi %add3A_247, %add3A_428 : i32
        %sub3A_430 = arith.constant 1 : i32
        %sub3A_431 = arith.subi %add3A_429, %sub3A_430 : i32
        %mul3A_432 = arith.constant 40 : i32
        %mul3A_433 = arith.muli %sub3A_431, %mul3A_432 : i32
        %dma_start3A_434 = arith.constant 1 : i32
        %dma_start3A_435 = arith.constant 1 : i32
        %dma_start3A_436 = arith.constant 0 : i32
        %dma_start3A_437 = arith.constant 0 : i32
        %dma_start3A_438 = tpu.memref_slice %arg12[%dma_start3A_434, %dma_start3A_436, %dma_start3A_437] : memref<5x40x128xf32, #tpu.memory_space<vmem>> -> memref<1x40x128xf32, #tpu.memory_space<vmem>>
        %dma_start3A_439 = tpu.memref_squeeze %dma_start3A_438 : memref<1x40x128xf32, #tpu.memory_space<vmem>> -> memref<40x128xf32, #tpu.memory_space<vmem>>
        %dma_start3A_440 = tpu.memref_slice %arg10[%mul3A_433] : memref<10000xi32, #tpu.memory_space<vmem>> -> memref<40xi32, #tpu.memory_space<vmem>>
        %dma_start3A_441 = arith.constant 0 : i32
        %dma_start3A_442 = arith.constant 0 : i32
        %dma_start3A_443 = tpu.memref_slice %arg2[%dma_start3A_441, %dma_start3A_442] : memref<10000x128xf32, #tpu.memory_space<hbm>> -> memref<10000x128xf32, #tpu.memory_space<hbm>>
        %dma_start3A_444 = tpu.memref_slice %arg15[%dma_start3A_435] : memref<5x!tpu.dma_semaphore, #tpu.memory_space<semaphore_mem>> -> memref<1x!tpu.dma_semaphore, #tpu.memory_space<semaphore_mem>>
        %dma_start3A_445 = tpu.memref_squeeze %dma_start3A_444 : memref<1x!tpu.dma_semaphore, #tpu.memory_space<semaphore_mem>> -> memref<!tpu.dma_semaphore, #tpu.memory_space<semaphore_mem>>
        tpu.enqueue_indirect_dma source(%dma_start3A_443 : memref<10000x128xf32, #tpu.memory_space<hbm>>) target(%dma_start3A_439 : memref<40x128xf32, #tpu.memory_space<vmem>>) offsets(%dma_start3A_440 : memref<40xi32, #tpu.memory_space<vmem>>) semaphore(%dma_start3A_445 : memref<!tpu.dma_semaphore, #tpu.memory_space<semaphore_mem>>)
      } else {
      }
      %mul3A_305 = arith.constant 5 : i32
      %mul3A_306 = arith.muli %scan3A_122, %mul3A_305 : i32
      %add3A_307 = arith.constant 3 : i32
      %add3A_308 = arith.addi %mul3A_306, %add3A_307 : i32
      %mul3A_309 = arith.constant 40 : i32
      %mul3A_310 = arith.muli %add3A_308, %mul3A_309 : i32
      %dma_wait3A_311 = arith.constant 3 : i32
      %dma_wait3A_312 = arith.constant 3 : i32
      %dma_wait3A_313 = arith.constant 0 : i32
      %dma_wait3A_314 = arith.constant 0 : i32
      %dma_wait3A_315 = tpu.memref_slice %arg12[%dma_wait3A_311, %dma_wait3A_313, %dma_wait3A_314] : memref<5x40x128xf32, #tpu.memory_space<vmem>> -> memref<1x40x128xf32, #tpu.memory_space<vmem>>
      %dma_wait3A_316 = tpu.memref_squeeze %dma_wait3A_315 : memref<1x40x128xf32, #tpu.memory_space<vmem>> -> memref<40x128xf32, #tpu.memory_space<vmem>>
      %dma_wait3A_317 = tpu.memref_slice %arg10[%mul3A_310] : memref<10000xi32, #tpu.memory_space<vmem>> -> memref<40xi32, #tpu.memory_space<vmem>>
      %dma_wait3A_318 = arith.constant 0 : i32
      %dma_wait3A_319 = arith.constant 0 : i32
      %dma_wait3A_320 = tpu.memref_slice %arg2[%dma_wait3A_318, %dma_wait3A_319] : memref<10000x128xf32, #tpu.memory_space<hbm>> -> memref<10000x128xf32, #tpu.memory_space<hbm>>
      %dma_wait3A_321 = tpu.memref_slice %arg15[%dma_wait3A_312] : memref<5x!tpu.dma_semaphore, #tpu.memory_space<semaphore_mem>> -> memref<1x!tpu.dma_semaphore, #tpu.memory_space<semaphore_mem>>
      %dma_wait3A_322 = tpu.memref_squeeze %dma_wait3A_321 : memref<1x!tpu.dma_semaphore, #tpu.memory_space<semaphore_mem>> -> memref<!tpu.dma_semaphore, #tpu.memory_space<semaphore_mem>>
      tpu.wait_indirect_dma semaphore(%dma_wait3A_322 : memref<!tpu.dma_semaphore, #tpu.memory_space<semaphore_mem>>) src(%dma_wait3A_320 : memref<10000x128xf32, #tpu.memory_space<hbm>>) dst(%dma_wait3A_316 : memref<40x128xf32, #tpu.memory_space<vmem>>)
      %mul3A_323 = arith.constant 40 : i32
      %mul3A_324 = arith.muli %add3A_308, %mul3A_323 : i32
      %dma_start3A_325 = arith.constant 3 : i32
      %dma_start3A_326 = arith.constant 3 : i32
      %dma_start3A_327 = arith.constant 0 : i32
      %dma_start3A_328 = arith.constant 0 : i32
      %dma_start3A_329 = tpu.memref_slice %arg12[%dma_start3A_325, %dma_start3A_327, %dma_start3A_328] : memref<5x40x128xf32, #tpu.memory_space<vmem>> -> memref<1x40x128xf32, #tpu.memory_space<vmem>>
      %dma_start3A_330 = tpu.memref_squeeze %dma_start3A_329 : memref<1x40x128xf32, #tpu.memory_space<vmem>> -> memref<40x128xf32, #tpu.memory_space<vmem>>
      %dma_start3A_331 = tpu.memref_slice %arg11[%mul3A_324] : memref<10000xi32, #tpu.memory_space<vmem>> -> memref<40xi32, #tpu.memory_space<vmem>>
      %dma_start3A_332 = arith.constant 0 : i32
      %dma_start3A_333 = arith.constant 0 : i32
      %dma_start3A_334 = tpu.memref_slice %arg8[%dma_start3A_332, %dma_start3A_333] : memref<10000x128xf32, #tpu.memory_space<vmem_shared>> -> memref<10000x128xf32, #tpu.memory_space<vmem_shared>>
      %dma_start3A_335 = tpu.memref_slice %arg16[%dma_start3A_326] : memref<5x!tpu.dma_semaphore, #tpu.memory_space<semaphore_mem>> -> memref<1x!tpu.dma_semaphore, #tpu.memory_space<semaphore_mem>>
      %dma_start3A_336 = tpu.memref_squeeze %dma_start3A_335 : memref<1x!tpu.dma_semaphore, #tpu.memory_space<semaphore_mem>> -> memref<!tpu.dma_semaphore, #tpu.memory_space<semaphore_mem>>
      tpu.enqueue_indirect_dma source(%dma_start3A_330 : memref<40x128xf32, #tpu.memory_space<vmem>>) target(%dma_start3A_334 : memref<10000x128xf32, #tpu.memory_space<vmem_shared>>) offsets(%dma_start3A_331 : memref<40xi32, #tpu.memory_space<vmem>>) semaphore(%dma_start3A_336 : memref<!tpu.dma_semaphore, #tpu.memory_space<semaphore_mem>>) {add = true}
      %ge3A_337 = arith.constant 1 : i32
      %ge3A_338 = arith.cmpi sge, %add3A_308, %ge3A_337 : i32
      %convert_element_type3A_339 = arith.extui %ge3A_338 : i1 to i32
      %cond3A_340 = arith.constant 0 : i32
      %cond3A_341 = arith.cmpi ne, %convert_element_type3A_339, %cond3A_340 : i32
      scf.if %cond3A_341 {
        %mul3A_428 = arith.constant 40 : i32
        %mul3A_429 = arith.muli %add3A_308, %mul3A_428 : i32
        %dma_wait3A_430 = arith.constant 2 : i32
        %dma_wait3A_431 = arith.constant 0 : i32
        %dma_wait3A_432 = tpu.memref_slice %arg13[%dma_wait3A_431] : memref<48xf32, #tpu.memory_space<vmem>> -> memref<40xf32, #tpu.memory_space<vmem>>
        %dma_wait3A_433 = tpu.memref_slice %arg11[%mul3A_429] : memref<10000xi32, #tpu.memory_space<vmem>> -> memref<40xi32, #tpu.memory_space<vmem>>
        %dma_wait3A_434 = arith.constant 0 : i32
        %dma_wait3A_435 = tpu.memref_slice %arg9[%dma_wait3A_434] : memref<10000xf32, #tpu.memory_space<vmem_shared>> -> memref<10000xf32, #tpu.memory_space<vmem_shared>>
        %dma_wait3A_436 = tpu.memref_slice %arg17[%dma_wait3A_430] : memref<5x!tpu.dma_semaphore, #tpu.memory_space<semaphore_mem>> -> memref<1x!tpu.dma_semaphore, #tpu.memory_space<semaphore_mem>>
        %dma_wait3A_437 = tpu.memref_squeeze %dma_wait3A_436 : memref<1x!tpu.dma_semaphore, #tpu.memory_space<semaphore_mem>> -> memref<!tpu.dma_semaphore, #tpu.memory_space<semaphore_mem>>
        tpu.wait_indirect_dma semaphore(%dma_wait3A_437 : memref<!tpu.dma_semaphore, #tpu.memory_space<semaphore_mem>>) src(%dma_wait3A_432 : memref<40xf32, #tpu.memory_space<vmem>>) dst(%dma_wait3A_435 : memref<10000xf32, #tpu.memory_space<vmem_shared>>)
      } else {
      }
      %mul3A_342 = arith.constant 40 : i32
      %mul3A_343 = arith.muli %add3A_308, %mul3A_342 : i32
      %dma_start3A_344 = arith.constant 3 : i32
      %dma_start3A_345 = arith.constant 0 : i32
      %dma_start3A_346 = tpu.memref_slice %arg13[%dma_start3A_345] : memref<48xf32, #tpu.memory_space<vmem>> -> memref<40xf32, #tpu.memory_space<vmem>>
      %dma_start3A_347 = tpu.memref_slice %arg11[%mul3A_343] : memref<10000xi32, #tpu.memory_space<vmem>> -> memref<40xi32, #tpu.memory_space<vmem>>
      %dma_start3A_348 = arith.constant 0 : i32
      %dma_start3A_349 = tpu.memref_slice %arg9[%dma_start3A_348] : memref<10000xf32, #tpu.memory_space<vmem_shared>> -> memref<10000xf32, #tpu.memory_space<vmem_shared>>
      %dma_start3A_350 = tpu.memref_slice %arg17[%dma_start3A_344] : memref<5x!tpu.dma_semaphore, #tpu.memory_space<semaphore_mem>> -> memref<1x!tpu.dma_semaphore, #tpu.memory_space<semaphore_mem>>
      %dma_start3A_351 = tpu.memref_squeeze %dma_start3A_350 : memref<1x!tpu.dma_semaphore, #tpu.memory_space<semaphore_mem>> -> memref<!tpu.dma_semaphore, #tpu.memory_space<semaphore_mem>>
      tpu.enqueue_indirect_dma source(%dma_start3A_346 : memref<40xf32, #tpu.memory_space<vmem>>) target(%dma_start3A_349 : memref<10000xf32, #tpu.memory_space<vmem_shared>>) offsets(%dma_start3A_347 : memref<40xi32, #tpu.memory_space<vmem>>) semaphore(%dma_start3A_351 : memref<!tpu.dma_semaphore, #tpu.memory_space<semaphore_mem>>) {add = true}
      %ge3A_352 = arith.constant 1 : i32
      %ge3A_353 = arith.cmpi sge, %add3A_308, %ge3A_352 : i32
      %convert_element_type3A_354 = arith.extui %ge3A_353 : i1 to i32
      %cond3A_355 = arith.constant 0 : i32
      %cond3A_356 = arith.cmpi ne, %convert_element_type3A_354, %cond3A_355 : i32
      scf.if %cond3A_356 {
        %sub3A_428 = arith.constant 1 : i32
        %sub3A_429 = arith.subi %add3A_308, %sub3A_428 : i32
        %mul3A_430 = arith.constant 40 : i32
        %mul3A_431 = arith.muli %sub3A_429, %mul3A_430 : i32
        %dma_wait3A_432 = arith.constant 2 : i32
        %dma_wait3A_433 = arith.constant 2 : i32
        %dma_wait3A_434 = arith.constant 0 : i32
        %dma_wait3A_435 = arith.constant 0 : i32
        %dma_wait3A_436 = tpu.memref_slice %arg12[%dma_wait3A_432, %dma_wait3A_434, %dma_wait3A_435] : memref<5x40x128xf32, #tpu.memory_space<vmem>> -> memref<1x40x128xf32, #tpu.memory_space<vmem>>
        %dma_wait3A_437 = tpu.memref_squeeze %dma_wait3A_436 : memref<1x40x128xf32, #tpu.memory_space<vmem>> -> memref<40x128xf32, #tpu.memory_space<vmem>>
        %dma_wait3A_438 = tpu.memref_slice %arg11[%mul3A_431] : memref<10000xi32, #tpu.memory_space<vmem>> -> memref<40xi32, #tpu.memory_space<vmem>>
        %dma_wait3A_439 = arith.constant 0 : i32
        %dma_wait3A_440 = arith.constant 0 : i32
        %dma_wait3A_441 = tpu.memref_slice %arg8[%dma_wait3A_439, %dma_wait3A_440] : memref<10000x128xf32, #tpu.memory_space<vmem_shared>> -> memref<10000x128xf32, #tpu.memory_space<vmem_shared>>
        %dma_wait3A_442 = tpu.memref_slice %arg16[%dma_wait3A_433] : memref<5x!tpu.dma_semaphore, #tpu.memory_space<semaphore_mem>> -> memref<1x!tpu.dma_semaphore, #tpu.memory_space<semaphore_mem>>
        %dma_wait3A_443 = tpu.memref_squeeze %dma_wait3A_442 : memref<1x!tpu.dma_semaphore, #tpu.memory_space<semaphore_mem>> -> memref<!tpu.dma_semaphore, #tpu.memory_space<semaphore_mem>>
        tpu.wait_indirect_dma semaphore(%dma_wait3A_443 : memref<!tpu.dma_semaphore, #tpu.memory_space<semaphore_mem>>) src(%dma_wait3A_437 : memref<40x128xf32, #tpu.memory_space<vmem>>) dst(%dma_wait3A_441 : memref<10000x128xf32, #tpu.memory_space<vmem_shared>>)
      } else {
      }
      %add3A_357 = arith.constant 5 : i32
      %add3A_358 = arith.addi %add3A_308, %add3A_357 : i32
      %sub3A_359 = arith.constant 1 : i32
      %sub3A_360 = arith.subi %add3A_358, %sub3A_359 : i32
      %lt3A_361 = arith.constant 250 : i32
      %lt3A_362 = arith.cmpi slt, %sub3A_360, %lt3A_361 : i32
      %convert_element_type3A_363 = arith.extui %lt3A_362 : i1 to i32
      %cond3A_364 = arith.constant 0 : i32
      %cond3A_365 = arith.cmpi ne, %convert_element_type3A_363, %cond3A_364 : i32
      scf.if %cond3A_365 {
        %add3A_428 = arith.constant 5 : i32
        %add3A_429 = arith.addi %add3A_308, %add3A_428 : i32
        %sub3A_430 = arith.constant 1 : i32
        %sub3A_431 = arith.subi %add3A_429, %sub3A_430 : i32
        %mul3A_432 = arith.constant 40 : i32
        %mul3A_433 = arith.muli %sub3A_431, %mul3A_432 : i32
        %dma_start3A_434 = arith.constant 2 : i32
        %dma_start3A_435 = arith.constant 2 : i32
        %dma_start3A_436 = arith.constant 0 : i32
        %dma_start3A_437 = arith.constant 0 : i32
        %dma_start3A_438 = tpu.memref_slice %arg12[%dma_start3A_434, %dma_start3A_436, %dma_start3A_437] : memref<5x40x128xf32, #tpu.memory_space<vmem>> -> memref<1x40x128xf32, #tpu.memory_space<vmem>>
        %dma_start3A_439 = tpu.memref_squeeze %dma_start3A_438 : memref<1x40x128xf32, #tpu.memory_space<vmem>> -> memref<40x128xf32, #tpu.memory_space<vmem>>
        %dma_start3A_440 = tpu.memref_slice %arg10[%mul3A_433] : memref<10000xi32, #tpu.memory_space<vmem>> -> memref<40xi32, #tpu.memory_space<vmem>>
        %dma_start3A_441 = arith.constant 0 : i32
        %dma_start3A_442 = arith.constant 0 : i32
        %dma_start3A_443 = tpu.memref_slice %arg2[%dma_start3A_441, %dma_start3A_442] : memref<10000x128xf32, #tpu.memory_space<hbm>> -> memref<10000x128xf32, #tpu.memory_space<hbm>>
        %dma_start3A_444 = tpu.memref_slice %arg15[%dma_start3A_435] : memref<5x!tpu.dma_semaphore, #tpu.memory_space<semaphore_mem>> -> memref<1x!tpu.dma_semaphore, #tpu.memory_space<semaphore_mem>>
        %dma_start3A_445 = tpu.memref_squeeze %dma_start3A_444 : memref<1x!tpu.dma_semaphore, #tpu.memory_space<semaphore_mem>> -> memref<!tpu.dma_semaphore, #tpu.memory_space<semaphore_mem>>
        tpu.enqueue_indirect_dma source(%dma_start3A_443 : memref<10000x128xf32, #tpu.memory_space<hbm>>) target(%dma_start3A_439 : memref<40x128xf32, #tpu.memory_space<vmem>>) offsets(%dma_start3A_440 : memref<40xi32, #tpu.memory_space<vmem>>) semaphore(%dma_start3A_445 : memref<!tpu.dma_semaphore, #tpu.memory_space<semaphore_mem>>)
      } else {
      }
      %mul3A_366 = arith.constant 5 : i32
      %mul3A_367 = arith.muli %scan3A_122, %mul3A_366 : i32
      %add3A_368 = arith.constant 4 : i32
      %add3A_369 = arith.addi %mul3A_367, %add3A_368 : i32
      %mul3A_370 = arith.constant 40 : i32
      %mul3A_371 = arith.muli %add3A_369, %mul3A_370 : i32
      %dma_wait3A_372 = arith.constant 4 : i32
      %dma_wait3A_373 = arith.constant 4 : i32
      %dma_wait3A_374 = arith.constant 0 : i32
      %dma_wait3A_375 = arith.constant 0 : i32
      %dma_wait3A_376 = tpu.memref_slice %arg12[%dma_wait3A_372, %dma_wait3A_374, %dma_wait3A_375] : memref<5x40x128xf32, #tpu.memory_space<vmem>> -> memref<1x40x128xf32, #tpu.memory_space<vmem>>
      %dma_wait3A_377 = tpu.memref_squeeze %dma_wait3A_376 : memref<1x40x128xf32, #tpu.memory_space<vmem>> -> memref<40x128xf32, #tpu.memory_space<vmem>>
      %dma_wait3A_378 = tpu.memref_slice %arg10[%mul3A_371] : memref<10000xi32, #tpu.memory_space<vmem>> -> memref<40xi32, #tpu.memory_space<vmem>>
      %dma_wait3A_379 = arith.constant 0 : i32
      %dma_wait3A_380 = arith.constant 0 : i32
      %dma_wait3A_381 = tpu.memref_slice %arg2[%dma_wait3A_379, %dma_wait3A_380] : memref<10000x128xf32, #tpu.memory_space<hbm>> -> memref<10000x128xf32, #tpu.memory_space<hbm>>
      %dma_wait3A_382 = tpu.memref_slice %arg15[%dma_wait3A_373] : memref<5x!tpu.dma_semaphore, #tpu.memory_space<semaphore_mem>> -> memref<1x!tpu.dma_semaphore, #tpu.memory_space<semaphore_mem>>
      %dma_wait3A_383 = tpu.memref_squeeze %dma_wait3A_382 : memref<1x!tpu.dma_semaphore, #tpu.memory_space<semaphore_mem>> -> memref<!tpu.dma_semaphore, #tpu.memory_space<semaphore_mem>>
      tpu.wait_indirect_dma semaphore(%dma_wait3A_383 : memref<!tpu.dma_semaphore, #tpu.memory_space<semaphore_mem>>) src(%dma_wait3A_381 : memref<10000x128xf32, #tpu.memory_space<hbm>>) dst(%dma_wait3A_377 : memref<40x128xf32, #tpu.memory_space<vmem>>)
      %mul3A_384 = arith.constant 40 : i32
      %mul3A_385 = arith.muli %add3A_369, %mul3A_384 : i32
      %dma_start3A_386 = arith.constant 4 : i32
      %dma_start3A_387 = arith.constant 4 : i32
      %dma_start3A_388 = arith.constant 0 : i32
      %dma_start3A_389 = arith.constant 0 : i32
      %dma_start3A_390 = tpu.memref_slice %arg12[%dma_start3A_386, %dma_start3A_388, %dma_start3A_389] : memref<5x40x128xf32, #tpu.memory_space<vmem>> -> memref<1x40x128xf32, #tpu.memory_space<vmem>>
      %dma_start3A_391 = tpu.memref_squeeze %dma_start3A_390 : memref<1x40x128xf32, #tpu.memory_space<vmem>> -> memref<40x128xf32, #tpu.memory_space<vmem>>
      %dma_start3A_392 = tpu.memref_slice %arg11[%mul3A_385] : memref<10000xi32, #tpu.memory_space<vmem>> -> memref<40xi32, #tpu.memory_space<vmem>>
      %dma_start3A_393 = arith.constant 0 : i32
      %dma_start3A_394 = arith.constant 0 : i32
      %dma_start3A_395 = tpu.memref_slice %arg8[%dma_start3A_393, %dma_start3A_394] : memref<10000x128xf32, #tpu.memory_space<vmem_shared>> -> memref<10000x128xf32, #tpu.memory_space<vmem_shared>>
      %dma_start3A_396 = tpu.memref_slice %arg16[%dma_start3A_387] : memref<5x!tpu.dma_semaphore, #tpu.memory_space<semaphore_mem>> -> memref<1x!tpu.dma_semaphore, #tpu.memory_space<semaphore_mem>>
      %dma_start3A_397 = tpu.memref_squeeze %dma_start3A_396 : memref<1x!tpu.dma_semaphore, #tpu.memory_space<semaphore_mem>> -> memref<!tpu.dma_semaphore, #tpu.memory_space<semaphore_mem>>
      tpu.enqueue_indirect_dma source(%dma_start3A_391 : memref<40x128xf32, #tpu.memory_space<vmem>>) target(%dma_start3A_395 : memref<10000x128xf32, #tpu.memory_space<vmem_shared>>) offsets(%dma_start3A_392 : memref<40xi32, #tpu.memory_space<vmem>>) semaphore(%dma_start3A_397 : memref<!tpu.dma_semaphore, #tpu.memory_space<semaphore_mem>>) {add = true}
      %ge3A_398 = arith.constant 1 : i32
      %ge3A_399 = arith.cmpi sge, %add3A_369, %ge3A_398 : i32
      %convert_element_type3A_400 = arith.extui %ge3A_399 : i1 to i32
      %cond3A_401 = arith.constant 0 : i32
      %cond3A_402 = arith.cmpi ne, %convert_element_type3A_400, %cond3A_401 : i32
      scf.if %cond3A_402 {
        %mul3A_428 = arith.constant 40 : i32
        %mul3A_429 = arith.muli %add3A_369, %mul3A_428 : i32
        %dma_wait3A_430 = arith.constant 3 : i32
        %dma_wait3A_431 = arith.constant 0 : i32
        %dma_wait3A_432 = tpu.memref_slice %arg13[%dma_wait3A_431] : memref<48xf32, #tpu.memory_space<vmem>> -> memref<40xf32, #tpu.memory_space<vmem>>
        %dma_wait3A_433 = tpu.memref_slice %arg11[%mul3A_429] : memref<10000xi32, #tpu.memory_space<vmem>> -> memref<40xi32, #tpu.memory_space<vmem>>
        %dma_wait3A_434 = arith.constant 0 : i32
        %dma_wait3A_435 = tpu.memref_slice %arg9[%dma_wait3A_434] : memref<10000xf32, #tpu.memory_space<vmem_shared>> -> memref<10000xf32, #tpu.memory_space<vmem_shared>>
        %dma_wait3A_436 = tpu.memref_slice %arg17[%dma_wait3A_430] : memref<5x!tpu.dma_semaphore, #tpu.memory_space<semaphore_mem>> -> memref<1x!tpu.dma_semaphore, #tpu.memory_space<semaphore_mem>>
        %dma_wait3A_437 = tpu.memref_squeeze %dma_wait3A_436 : memref<1x!tpu.dma_semaphore, #tpu.memory_space<semaphore_mem>> -> memref<!tpu.dma_semaphore, #tpu.memory_space<semaphore_mem>>
        tpu.wait_indirect_dma semaphore(%dma_wait3A_437 : memref<!tpu.dma_semaphore, #tpu.memory_space<semaphore_mem>>) src(%dma_wait3A_432 : memref<40xf32, #tpu.memory_space<vmem>>) dst(%dma_wait3A_435 : memref<10000xf32, #tpu.memory_space<vmem_shared>>)
      } else {
      }
      %mul3A_403 = arith.constant 40 : i32
      %mul3A_404 = arith.muli %add3A_369, %mul3A_403 : i32
      %dma_start3A_405 = arith.constant 4 : i32
      %dma_start3A_406 = arith.constant 0 : i32
      %dma_start3A_407 = tpu.memref_slice %arg13[%dma_start3A_406] : memref<48xf32, #tpu.memory_space<vmem>> -> memref<40xf32, #tpu.memory_space<vmem>>
      %dma_start3A_408 = tpu.memref_slice %arg11[%mul3A_404] : memref<10000xi32, #tpu.memory_space<vmem>> -> memref<40xi32, #tpu.memory_space<vmem>>
      %dma_start3A_409 = arith.constant 0 : i32
      %dma_start3A_410 = tpu.memref_slice %arg9[%dma_start3A_409] : memref<10000xf32, #tpu.memory_space<vmem_shared>> -> memref<10000xf32, #tpu.memory_space<vmem_shared>>
      %dma_start3A_411 = tpu.memref_slice %arg17[%dma_start3A_405] : memref<5x!tpu.dma_semaphore, #tpu.memory_space<semaphore_mem>> -> memref<1x!tpu.dma_semaphore, #tpu.memory_space<semaphore_mem>>
      %dma_start3A_412 = tpu.memref_squeeze %dma_start3A_411 : memref<1x!tpu.dma_semaphore, #tpu.memory_space<semaphore_mem>> -> memref<!tpu.dma_semaphore, #tpu.memory_space<semaphore_mem>>
      tpu.enqueue_indirect_dma source(%dma_start3A_407 : memref<40xf32, #tpu.memory_space<vmem>>) target(%dma_start3A_410 : memref<10000xf32, #tpu.memory_space<vmem_shared>>) offsets(%dma_start3A_408 : memref<40xi32, #tpu.memory_space<vmem>>) semaphore(%dma_start3A_412 : memref<!tpu.dma_semaphore, #tpu.memory_space<semaphore_mem>>) {add = true}
      %ge3A_413 = arith.constant 1 : i32
      %ge3A_414 = arith.cmpi sge, %add3A_369, %ge3A_413 : i32
      %convert_element_type3A_415 = arith.extui %ge3A_414 : i1 to i32
      %cond3A_416 = arith.constant 0 : i32
      %cond3A_417 = arith.cmpi ne, %convert_element_type3A_415, %cond3A_416 : i32
      scf.if %cond3A_417 {
        %sub3A_428 = arith.constant 1 : i32
        %sub3A_429 = arith.subi %add3A_369, %sub3A_428 : i32
        %mul3A_430 = arith.constant 40 : i32
        %mul3A_431 = arith.muli %sub3A_429, %mul3A_430 : i32
        %dma_wait3A_432 = arith.constant 3 : i32
        %dma_wait3A_433 = arith.constant 3 : i32
        %dma_wait3A_434 = arith.constant 0 : i32
        %dma_wait3A_435 = arith.constant 0 : i32
        %dma_wait3A_436 = tpu.memref_slice %arg12[%dma_wait3A_432, %dma_wait3A_434, %dma_wait3A_435] : memref<5x40x128xf32, #tpu.memory_space<vmem>> -> memref<1x40x128xf32, #tpu.memory_space<vmem>>
        %dma_wait3A_437 = tpu.memref_squeeze %dma_wait3A_436 : memref<1x40x128xf32, #tpu.memory_space<vmem>> -> memref<40x128xf32, #tpu.memory_space<vmem>>
        %dma_wait3A_438 = tpu.memref_slice %arg11[%mul3A_431] : memref<10000xi32, #tpu.memory_space<vmem>> -> memref<40xi32, #tpu.memory_space<vmem>>
        %dma_wait3A_439 = arith.constant 0 : i32
        %dma_wait3A_440 = arith.constant 0 : i32
        %dma_wait3A_441 = tpu.memref_slice %arg8[%dma_wait3A_439, %dma_wait3A_440] : memref<10000x128xf32, #tpu.memory_space<vmem_shared>> -> memref<10000x128xf32, #tpu.memory_space<vmem_shared>>
        %dma_wait3A_442 = tpu.memref_slice %arg16[%dma_wait3A_433] : memref<5x!tpu.dma_semaphore, #tpu.memory_space<semaphore_mem>> -> memref<1x!tpu.dma_semaphore, #tpu.memory_space<semaphore_mem>>
        %dma_wait3A_443 = tpu.memref_squeeze %dma_wait3A_442 : memref<1x!tpu.dma_semaphore, #tpu.memory_space<semaphore_mem>> -> memref<!tpu.dma_semaphore, #tpu.memory_space<semaphore_mem>>
        tpu.wait_indirect_dma semaphore(%dma_wait3A_443 : memref<!tpu.dma_semaphore, #tpu.memory_space<semaphore_mem>>) src(%dma_wait3A_437 : memref<40x128xf32, #tpu.memory_space<vmem>>) dst(%dma_wait3A_441 : memref<10000x128xf32, #tpu.memory_space<vmem_shared>>)
      } else {
      }
      %add3A_418 = arith.constant 5 : i32
      %add3A_419 = arith.addi %add3A_369, %add3A_418 : i32
      %sub3A_420 = arith.constant 1 : i32
      %sub3A_421 = arith.subi %add3A_419, %sub3A_420 : i32
      %lt3A_422 = arith.constant 250 : i32
      %lt3A_423 = arith.cmpi slt, %sub3A_421, %lt3A_422 : i32
      %convert_element_type3A_424 = arith.extui %lt3A_423 : i1 to i32
      %cond3A_425 = arith.constant 0 : i32
      %cond3A_426 = arith.cmpi ne, %convert_element_type3A_424, %cond3A_425 : i32
      scf.if %cond3A_426 {
        %add3A_428 = arith.constant 5 : i32
        %add3A_429 = arith.addi %add3A_369, %add3A_428 : i32
        %sub3A_430 = arith.constant 1 : i32
        %sub3A_431 = arith.subi %add3A_429, %sub3A_430 : i32
        %mul3A_432 = arith.constant 40 : i32
        %mul3A_433 = arith.muli %sub3A_431, %mul3A_432 : i32
        %dma_start3A_434 = arith.constant 3 : i32
        %dma_start3A_435 = arith.constant 3 : i32
        %dma_start3A_436 = arith.constant 0 : i32
        %dma_start3A_437 = arith.constant 0 : i32
        %dma_start3A_438 = tpu.memref_slice %arg12[%dma_start3A_434, %dma_start3A_436, %dma_start3A_437] : memref<5x40x128xf32, #tpu.memory_space<vmem>> -> memref<1x40x128xf32, #tpu.memory_space<vmem>>
        %dma_start3A_439 = tpu.memref_squeeze %dma_start3A_438 : memref<1x40x128xf32, #tpu.memory_space<vmem>> -> memref<40x128xf32, #tpu.memory_space<vmem>>
        %dma_start3A_440 = tpu.memref_slice %arg10[%mul3A_433] : memref<10000xi32, #tpu.memory_space<vmem>> -> memref<40xi32, #tpu.memory_space<vmem>>
        %dma_start3A_441 = arith.constant 0 : i32
        %dma_start3A_442 = arith.constant 0 : i32
        %dma_start3A_443 = tpu.memref_slice %arg2[%dma_start3A_441, %dma_start3A_442] : memref<10000x128xf32, #tpu.memory_space<hbm>> -> memref<10000x128xf32, #tpu.memory_space<hbm>>
        %dma_start3A_444 = tpu.memref_slice %arg15[%dma_start3A_435] : memref<5x!tpu.dma_semaphore, #tpu.memory_space<semaphore_mem>> -> memref<1x!tpu.dma_semaphore, #tpu.memory_space<semaphore_mem>>
        %dma_start3A_445 = tpu.memref_squeeze %dma_start3A_444 : memref<1x!tpu.dma_semaphore, #tpu.memory_space<semaphore_mem>> -> memref<!tpu.dma_semaphore, #tpu.memory_space<semaphore_mem>>
        tpu.enqueue_indirect_dma source(%dma_start3A_443 : memref<10000x128xf32, #tpu.memory_space<hbm>>) target(%dma_start3A_439 : memref<40x128xf32, #tpu.memory_space<vmem>>) offsets(%dma_start3A_440 : memref<40xi32, #tpu.memory_space<vmem>>) semaphore(%dma_start3A_445 : memref<!tpu.dma_semaphore, #tpu.memory_space<semaphore_mem>>)
      } else {
      }
      %scan3A_427 = arith.constant 0 : i32
      scf.yield %scan3A_427 : i32
    }
    %scan3A_84 = arith.constant 50 : i32
    %dma_wait3A = arith.constant 4 : i32
    %dma_wait3A_85 = arith.constant 4 : i32
    %dma_wait3A_86 = arith.constant 0 : i32
    %dma_wait3A_87 = arith.constant 0 : i32
    %dma_wait3A_88 = tpu.memref_slice %arg12[%dma_wait3A, %dma_wait3A_86, %dma_wait3A_87] : memref<5x40x128xf32, #tpu.memory_space<vmem>> -> memref<1x40x128xf32, #tpu.memory_space<vmem>>
    %dma_wait3A_89 = tpu.memref_squeeze %dma_wait3A_88 : memref<1x40x128xf32, #tpu.memory_space<vmem>> -> memref<40x128xf32, #tpu.memory_space<vmem>>
    %dma_wait3A_90 = arith.constant 9960 : i32
    %dma_wait3A_91 = tpu.memref_slice %arg11[%dma_wait3A_90] : memref<10000xi32, #tpu.memory_space<vmem>> -> memref<40xi32, #tpu.memory_space<vmem>>
    %dma_wait3A_92 = arith.constant 0 : i32
    %dma_wait3A_93 = arith.constant 0 : i32
    %dma_wait3A_94 = tpu.memref_slice %arg8[%dma_wait3A_92, %dma_wait3A_93] : memref<10000x128xf32, #tpu.memory_space<vmem_shared>> -> memref<10000x128xf32, #tpu.memory_space<vmem_shared>>
    %dma_wait3A_95 = tpu.memref_slice %arg16[%dma_wait3A_85] : memref<5x!tpu.dma_semaphore, #tpu.memory_space<semaphore_mem>> -> memref<1x!tpu.dma_semaphore, #tpu.memory_space<semaphore_mem>>
    %dma_wait3A_96 = tpu.memref_squeeze %dma_wait3A_95 : memref<1x!tpu.dma_semaphore, #tpu.memory_space<semaphore_mem>> -> memref<!tpu.dma_semaphore, #tpu.memory_space<semaphore_mem>>
    tpu.wait_indirect_dma semaphore(%dma_wait3A_96 : memref<!tpu.dma_semaphore, #tpu.memory_space<semaphore_mem>>) src(%dma_wait3A_89 : memref<40x128xf32, #tpu.memory_space<vmem>>) dst(%dma_wait3A_94 : memref<10000x128xf32, #tpu.memory_space<vmem_shared>>)
    %dma_wait3A_97 = arith.constant 4 : i32
    %dma_wait3A_98 = arith.constant 0 : i32
    %dma_wait3A_99 = tpu.memref_slice %arg13[%dma_wait3A_98] : memref<48xf32, #tpu.memory_space<vmem>> -> memref<40xf32, #tpu.memory_space<vmem>>
    %dma_wait3A_100 = arith.constant 0 : i32
    %dma_wait3A_101 = tpu.memref_slice %arg11[%dma_wait3A_100] : memref<10000xi32, #tpu.memory_space<vmem>> -> memref<40xi32, #tpu.memory_space<vmem>>
    %dma_wait3A_102 = arith.constant 0 : i32
    %dma_wait3A_103 = tpu.memref_slice %arg9[%dma_wait3A_102] : memref<10000xf32, #tpu.memory_space<vmem_shared>> -> memref<10000xf32, #tpu.memory_space<vmem_shared>>
    %dma_wait3A_104 = tpu.memref_slice %arg17[%dma_wait3A_97] : memref<5x!tpu.dma_semaphore, #tpu.memory_space<semaphore_mem>> -> memref<1x!tpu.dma_semaphore, #tpu.memory_space<semaphore_mem>>
    %dma_wait3A_105 = tpu.memref_squeeze %dma_wait3A_104 : memref<1x!tpu.dma_semaphore, #tpu.memory_space<semaphore_mem>> -> memref<!tpu.dma_semaphore, #tpu.memory_space<semaphore_mem>>
    tpu.wait_indirect_dma semaphore(%dma_wait3A_105 : memref<!tpu.dma_semaphore, #tpu.memory_space<semaphore_mem>>) src(%dma_wait3A_99 : memref<40xf32, #tpu.memory_space<vmem>>) dst(%dma_wait3A_103 : memref<10000xf32, #tpu.memory_space<vmem_shared>>)
    %barrier3A_106 = arith.constant 0 : index
    tpu.barrier barrier_id(%barrier3A_106)
    %lt3A_107 = arith.constant 15 : i32
    %lt3A_108 = arith.cmpi slt, %arg1, %lt3A_107 : i32
    %convert_element_type3A_109 = arith.extui %lt3A_108 : i1 to i32
    %cond3A_110 = arith.constant 0 : i32
    %cond3A_111 = arith.cmpi ne, %convert_element_type3A_109, %cond3A_110 : i32
    scf.if %cond3A_111 {
      %mul3A_122 = arith.constant 624 : i32
      %mul3A_123 = arith.muli %arg1, %mul3A_122 : i32
      %mul3A_124 = arith.constant 624 : i32
      %mul3A_125 = arith.muli %arg1, %mul3A_124 : i32
      "tpu.region"() ({
        %run_scoped3A = tpu.sem_alloc : memref<!tpu.dma_semaphore, #tpu.memory_space<semaphore_mem>>
        %dma_start3A_126 = arith.constant 0 : i32
        %dma_start3A_127 = tpu.memref_slice %arg6[%arg0, %mul3A_125, %dma_start3A_126] : memref<2x10000x128xf32, #tpu.memory_space<hbm>> -> memref<1x624x128xf32, #tpu.memory_space<hbm>>
        %dma_start3A_128 = tpu.memref_squeeze %dma_start3A_127 : memref<1x624x128xf32, #tpu.memory_space<hbm>> -> memref<624x128xf32, #tpu.memory_space<hbm>>
        %dma_start3A_129 = arith.constant 0 : i32
        %dma_start3A_130 = tpu.memref_slice %arg8[%mul3A_123, %dma_start3A_129] : memref<10000x128xf32, #tpu.memory_space<vmem_shared>> -> memref<624x128xf32, #tpu.memory_space<vmem_shared>>
        tpu.enqueue_dma source(%dma_start3A_130 : memref<624x128xf32, #tpu.memory_space<vmem_shared>>) target(%dma_start3A_128 : memref<624x128xf32, #tpu.memory_space<hbm>>) target_semaphore(%run_scoped3A : memref<!tpu.dma_semaphore, #tpu.memory_space<semaphore_mem>>)
        %dma_wait3A_131 = arith.constant 0 : i32
        %dma_wait3A_132 = tpu.memref_slice %arg6[%arg0, %mul3A_125, %dma_wait3A_131] : memref<2x10000x128xf32, #tpu.memory_space<hbm>> -> memref<1x624x128xf32, #tpu.memory_space<hbm>>
        %dma_wait3A_133 = tpu.memref_squeeze %dma_wait3A_132 : memref<1x624x128xf32, #tpu.memory_space<hbm>> -> memref<624x128xf32, #tpu.memory_space<hbm>>
        %dma_wait3A_134 = arith.constant 0 : i32
        %dma_wait3A_135 = tpu.memref_slice %arg8[%mul3A_123, %dma_wait3A_134] : memref<10000x128xf32, #tpu.memory_space<vmem_shared>> -> memref<624x128xf32, #tpu.memory_space<vmem_shared>>
        tpu.wait_dma2 semaphore(%run_scoped3A : memref<!tpu.dma_semaphore, #tpu.memory_space<semaphore_mem>>) src(%dma_wait3A_135 : memref<624x128xf32, #tpu.memory_space<vmem_shared>>) dst(%dma_wait3A_133 : memref<624x128xf32, #tpu.memory_space<hbm>>)
        tpu.yield
      }) : () -> ()
    } else {
    }
    %eq3A_112 = arith.constant 15 : i32
    %eq3A_113 = arith.cmpi eq, %arg1, %eq3A_112 : i32
    %convert_element_type3A_114 = arith.extui %eq3A_113 : i1 to i32
    %cond3A_115 = arith.constant 0 : i32
    %cond3A_116 = arith.cmpi ne, %convert_element_type3A_114, %cond3A_115 : i32
    scf.if %cond3A_116 {
      "tpu.region"() ({
        %run_scoped3A = tpu.sem_alloc : memref<!tpu.dma_semaphore, #tpu.memory_space<semaphore_mem>>
        %dma_start3A_122 = arith.constant 9360 : i32
        %dma_start3A_123 = arith.constant 0 : i32
        %dma_start3A_124 = tpu.memref_slice %arg6[%arg0, %dma_start3A_122, %dma_start3A_123] : memref<2x10000x128xf32, #tpu.memory_space<hbm>> -> memref<1x640x128xf32, #tpu.memory_space<hbm>>
        %dma_start3A_125 = tpu.memref_squeeze %dma_start3A_124 : memref<1x640x128xf32, #tpu.memory_space<hbm>> -> memref<640x128xf32, #tpu.memory_space<hbm>>
        %dma_start3A_126 = arith.constant 9360 : i32
        %dma_start3A_127 = arith.constant 0 : i32
        %dma_start3A_128 = tpu.memref_slice %arg8[%dma_start3A_126, %dma_start3A_127] : memref<10000x128xf32, #tpu.memory_space<vmem_shared>> -> memref<640x128xf32, #tpu.memory_space<vmem_shared>>
        tpu.enqueue_dma source(%dma_start3A_128 : memref<640x128xf32, #tpu.memory_space<vmem_shared>>) target(%dma_start3A_125 : memref<640x128xf32, #tpu.memory_space<hbm>>) target_semaphore(%run_scoped3A : memref<!tpu.dma_semaphore, #tpu.memory_space<semaphore_mem>>)
        %dma_wait3A_129 = arith.constant 9360 : i32
        %dma_wait3A_130 = arith.constant 0 : i32
        %dma_wait3A_131 = tpu.memref_slice %arg6[%arg0, %dma_wait3A_129, %dma_wait3A_130] : memref<2x10000x128xf32, #tpu.memory_space<hbm>> -> memref<1x640x128xf32, #tpu.memory_space<hbm>>
        %dma_wait3A_132 = tpu.memref_squeeze %dma_wait3A_131 : memref<1x640x128xf32, #tpu.memory_space<hbm>> -> memref<640x128xf32, #tpu.memory_space<hbm>>
        %dma_wait3A_133 = arith.constant 9360 : i32
        %dma_wait3A_134 = arith.constant 0 : i32
        %dma_wait3A_135 = tpu.memref_slice %arg8[%dma_wait3A_133, %dma_wait3A_134] : memref<10000x128xf32, #tpu.memory_space<vmem_shared>> -> memref<640x128xf32, #tpu.memory_space<vmem_shared>>
        tpu.wait_dma2 semaphore(%run_scoped3A : memref<!tpu.dma_semaphore, #tpu.memory_space<semaphore_mem>>) src(%dma_wait3A_135 : memref<640x128xf32, #tpu.memory_space<vmem_shared>>) dst(%dma_wait3A_132 : memref<640x128xf32, #tpu.memory_space<hbm>>)
        tpu.yield
      }) : () -> ()
    } else {
    }
    %eq3A_117 = arith.constant 0 : i32
    %eq3A_118 = arith.cmpi eq, %arg1, %eq3A_117 : i32
    %convert_element_type3A_119 = arith.extui %eq3A_118 : i1 to i32
    %cond3A_120 = arith.constant 0 : i32
    %cond3A_121 = arith.cmpi ne, %convert_element_type3A_119, %cond3A_120 : i32
    scf.if %cond3A_121 {
      %scan3A_122 = arith.constant 0 : i32
      %scan3A_123 = arith.constant 0 : i32
      %scan3A_124 = arith.constant 5 : i32
      %scan3A_125 = arith.addi %scan3A_123, %scan3A_124 : i32
      %scan3A_126 = arith.constant 1 : i32
      %scan3A_127 = scf.for %scan3A_129 = %scan3A_123 to %scan3A_125 step %scan3A_126 iter_args(%scan3A_130 = %scan3A_122) -> (i32)  : i32 {
        %mul3A_131 = arith.constant 2000 : i32
        %mul3A_132 = arith.muli %scan3A_129, %mul3A_131 : i32
        "tpu.region"() ({
          %run_scoped3A = tpu.sem_alloc : memref<!tpu.dma_semaphore, #tpu.memory_space<semaphore_mem>>
          %dma_start3A_139 = tpu.memref_slice %arg9[%mul3A_132] : memref<10000xf32, #tpu.memory_space<vmem_shared>> -> memref<2000xf32, #tpu.memory_space<vmem_shared>>
          %dma_start3A_140 = tpu.memref_slice %arg9[%mul3A_132] : memref<10000xf32, #tpu.memory_space<vmem_shared>> -> memref<2000xf32, #tpu.memory_space<vmem_shared>>
          tpu.enqueue_dma source(%dma_start3A_140 : memref<2000xf32, #tpu.memory_space<vmem_shared>>) target(%arg14 : memref<2000xf32, #tpu.memory_space<vmem>>) target_semaphore(%run_scoped3A : memref<!tpu.dma_semaphore, #tpu.memory_space<semaphore_mem>>)
          %dma_wait3A_141 = tpu.memref_slice %arg9[%mul3A_132] : memref<10000xf32, #tpu.memory_space<vmem_shared>> -> memref<2000xf32, #tpu.memory_space<vmem_shared>>
          %dma_wait3A_142 = tpu.memref_slice %arg9[%mul3A_132] : memref<10000xf32, #tpu.memory_space<vmem_shared>> -> memref<2000xf32, #tpu.memory_space<vmem_shared>>
          tpu.wait_dma2 semaphore(%run_scoped3A : memref<!tpu.dma_semaphore, #tpu.memory_space<semaphore_mem>>) src(%dma_wait3A_142 : memref<2000xf32, #tpu.memory_space<vmem_shared>>) dst(%arg14 : memref<2000xf32, #tpu.memory_space<vmem>>)
          tpu.yield
        }) : () -> ()
        %mul3A_133 = arith.constant 10000 : i32
        %mul3A_134 = arith.muli %arg0, %mul3A_133 : i32
        %mul3A_135 = arith.constant 2000 : i32
        %mul3A_136 = arith.muli %scan3A_129, %mul3A_135 : i32
        %add3A_137 = arith.addi %mul3A_134, %mul3A_136 : i32
        "tpu.region"() ({
          %run_scoped3A = tpu.sem_alloc : memref<!tpu.dma_semaphore, #tpu.memory_space<semaphore_mem>>
          %dma_start3A_139 = tpu.memref_slice %arg7[%add3A_137] : memref<20000xf32, #tpu.memory_space<hbm>> -> memref<2000xf32, #tpu.memory_space<hbm>>
          %dma_start3A_140 = tpu.memref_slice %arg7[%add3A_137] : memref<20000xf32, #tpu.memory_space<hbm>> -> memref<2000xf32, #tpu.memory_space<hbm>>
          tpu.enqueue_dma source(%arg14 : memref<2000xf32, #tpu.memory_space<vmem>>) target(%dma_start3A_140 : memref<2000xf32, #tpu.memory_space<hbm>>) target_semaphore(%run_scoped3A : memref<!tpu.dma_semaphore, #tpu.memory_space<semaphore_mem>>)
          %dma_wait3A_141 = tpu.memref_slice %arg7[%add3A_137] : memref<20000xf32, #tpu.memory_space<hbm>> -> memref<2000xf32, #tpu.memory_space<hbm>>
          %dma_wait3A_142 = tpu.memref_slice %arg7[%add3A_137] : memref<20000xf32, #tpu.memory_space<hbm>> -> memref<2000xf32, #tpu.memory_space<hbm>>
          tpu.wait_dma2 semaphore(%run_scoped3A : memref<!tpu.dma_semaphore, #tpu.memory_space<semaphore_mem>>) src(%arg14 : memref<2000xf32, #tpu.memory_space<vmem>>) dst(%dma_wait3A_142 : memref<2000xf32, #tpu.memory_space<hbm>>)
          tpu.yield
        }) : () -> ()
        %scan3A_138 = arith.constant 0 : i32
        scf.yield %scan3A_138 : i32
      }
      %scan3A_128 = arith.constant 5 : i32
    } else {
    }
    return
  }
}

module attributes {stable_mosaic.version = 14 : i64} {
  func.func @_dense1_body(%arg0: i32, %arg1: memref<2x1000x128xf32, #tpu.memory_space<vmem>>, %arg2: memref<2x1000x1xf32, #tpu.memory_space<vmem>>, %arg3: memref<1000x128xf32, #tpu.memory_space<vmem>>, %arg4: memref<128x128xf32, #tpu.memory_space<vmem>>, %arg5: memref<128x128xf32, #tpu.memory_space<vmem>>, %arg6: memref<1x128xf32, #tpu.memory_space<vmem>>, %arg7: memref<1000x128xf32, #tpu.memory_space<vmem>>) attributes {dimension_semantics = [#tpu.dimension_semantics<arbitrary>], iteration_bounds = array<i64: 10>, scalar_prefetch = 0 : i64, scratch_operands = 0 : i64, tpu.core_type = #tpu.core_type<tc>, window_params = [{transform_indices = @transform_0, window_bounds = array<i64: 2, 1000, 128>}, {transform_indices = @transform_1, window_bounds = array<i64: 2, 1000, 1>}, {transform_indices = @transform_2, window_bounds = array<i64: 1000, 128>}, {pipeline_mode = #tpu.pipeline_mode<synchronous>, transform_indices = @transform_3, window_bounds = array<i64: 128, 128>}, {pipeline_mode = #tpu.pipeline_mode<synchronous>, transform_indices = @transform_4, window_bounds = array<i64: 128, 128>}, {pipeline_mode = #tpu.pipeline_mode<synchronous>, transform_indices = @transform_5, window_bounds = array<i64: 1, 128>}, {transform_indices = @transform_6, window_bounds = array<i64: 1000, 128>}]} {
    %get3A = arith.constant 0 : index
    %get3A_0 = arith.constant 0 : index
    %get3A_1 = arith.constant 0 : index
    %get3A_2 = vector.load %arg2[%get3A, %get3A_0, %get3A_1] : memref<2x1000x1xf32, #tpu.memory_space<vmem>>, vector<1x1000x1xf32>
    %get3A_3 = vector.shape_cast %get3A_2 : vector<1x1000x1xf32> to vector<1000x1xf32>
    %get3A_4 = arith.constant 1 : index
    %get3A_5 = arith.constant 0 : index
    %get3A_6 = arith.constant 0 : index
    %get3A_7 = vector.load %arg2[%get3A_4, %get3A_5, %get3A_6] : memref<2x1000x1xf32, #tpu.memory_space<vmem>>, vector<1x1000x1xf32>
    %get3A_8 = vector.shape_cast %get3A_7 : vector<1x1000x1xf32> to vector<1000x1xf32>
    %add3A = arith.addf %get3A_3, %get3A_8 : vector<1000x1xf32>
    %max3A = arith.constant 1.000000e+00 : f32
    %max3A_9 = vector.broadcast %max3A : f32 to vector<1000x1xf32>
    %max3A_10 = arith.maximumf %add3A, %max3A_9 : vector<1000x1xf32>
    %div3A = arith.constant 1.000000e+00 : f32
    %div3A_11 = vector.broadcast %div3A : f32 to vector<1000x1xf32>
    %div3A_12 = arith.divf %div3A_11, %max3A_10 : vector<1000x1xf32>
    %get3A_13 = arith.constant 0 : index
    %get3A_14 = arith.constant 0 : index
    %get3A_15 = arith.constant 0 : index
    %get3A_16 = vector.load %arg1[%get3A_13, %get3A_14, %get3A_15] : memref<2x1000x128xf32, #tpu.memory_space<vmem>>, vector<1x1000x128xf32>
    %get3A_17 = vector.shape_cast %get3A_16 : vector<1x1000x128xf32> to vector<1000x128xf32>
    %get3A_18 = arith.constant 1 : index
    %get3A_19 = arith.constant 0 : index
    %get3A_20 = arith.constant 0 : index
    %get3A_21 = vector.load %arg1[%get3A_18, %get3A_19, %get3A_20] : memref<2x1000x128xf32, #tpu.memory_space<vmem>>, vector<1x1000x128xf32>
    %get3A_22 = vector.shape_cast %get3A_21 : vector<1x1000x128xf32> to vector<1000x128xf32>
    %add3A_23 = arith.addf %get3A_17, %get3A_22 : vector<1000x128xf32>
    %mul3A = vector.broadcast %div3A_12 : vector<1000x1xf32> to vector<1000x128xf32>
    %mul3A_24 = arith.mulf %add3A_23, %mul3A : vector<1000x128xf32>
    %get3A_25 = arith.constant 0 : index
    %get3A_26 = arith.constant 0 : index
    %get3A_27 = vector.load %arg4[%get3A_25, %get3A_26] : memref<128x128xf32, #tpu.memory_space<vmem>>, vector<128x128xf32>
    %dot_general3A = arith.constant dense<0.000000e+00> : vector<1000x128xf32>
    %dot_general3A_28 = tpu.matmul %mul3A_24, %get3A_27, %dot_general3A {dimension_numbers = #tpu.dot_dimension_numbers<[1], [0], [0], [1], [0, 0, 1, 1], [], []>, transpose_lhs_hint = false} : vector<1000x128xf32>, vector<128x128xf32>, vector<1000x128xf32> -> vector<1000x128xf32>
    %get3A_29 = arith.constant 0 : index
    %get3A_30 = arith.constant 0 : index
    %get3A_31 = vector.load %arg3[%get3A_29, %get3A_30] : memref<1000x128xf32, #tpu.memory_space<vmem>>, vector<1000x128xf32>
    %get3A_32 = arith.constant 0 : index
    %get3A_33 = arith.constant 0 : index
    %get3A_34 = vector.load %arg5[%get3A_32, %get3A_33] : memref<128x128xf32, #tpu.memory_space<vmem>>, vector<128x128xf32>
    %dot_general3A_35 = arith.constant dense<0.000000e+00> : vector<1000x128xf32>
    %dot_general3A_36 = tpu.matmul %get3A_31, %get3A_34, %dot_general3A_35 {dimension_numbers = #tpu.dot_dimension_numbers<[1], [0], [0], [1], [0, 0, 1, 1], [], []>, transpose_lhs_hint = false} : vector<1000x128xf32>, vector<128x128xf32>, vector<1000x128xf32> -> vector<1000x128xf32>
    %add3A_37 = arith.addf %dot_general3A_28, %dot_general3A_36 : vector<1000x128xf32>
    %get3A_38 = arith.constant 0 : index
    %get3A_39 = arith.constant 0 : index
    %get3A_40 = vector.load %arg6[%get3A_38, %get3A_39] : memref<1x128xf32, #tpu.memory_space<vmem>>, vector<1x128xf32>
    %add3A_41 = vector.broadcast %get3A_40 : vector<1x128xf32> to vector<1000x128xf32>
    %add3A_42 = arith.addf %add3A_37, %add3A_41 : vector<1000x128xf32>
    %max3A_43 = arith.constant 0.000000e+00 : f32
    %max3A_44 = vector.broadcast %max3A_43 : f32 to vector<1000x128xf32>
    %max3A_45 = arith.maximumf %add3A_42, %max3A_44 : vector<1000x128xf32>
    %swap3A = arith.constant 0 : index
    %swap3A_46 = arith.constant 0 : index
    %swap3A_47 = vector.load %arg7[%swap3A, %swap3A_46] : memref<1000x128xf32, #tpu.memory_space<vmem>>, vector<1000x128xf32>
    tpu.vector_store %arg7[%swap3A, %swap3A_46], %max3A_45 {strides = array<i32>} : memref<1000x128xf32, #tpu.memory_space<vmem>>, vector<1000x128xf32>,
    return
  }
  func.func @transform_0(%arg0: i32) -> (i32, i32, i32) {
    %c0_i32 = arith.constant 0 : i32
    %c0_i32_0 = arith.constant 0 : i32
    %c0_i32_1 = arith.constant 0 : i32
    return %c0_i32, %arg0, %c0_i32_0 : i32, i32, i32
  }
  func.func @transform_1(%arg0: i32) -> (i32, i32, i32) {
    %c0_i32 = arith.constant 0 : i32
    %c0_i32_0 = arith.constant 0 : i32
    %c0_i32_1 = arith.constant 0 : i32
    return %c0_i32, %arg0, %c0_i32_0 : i32, i32, i32
  }
  func.func @transform_2(%arg0: i32) -> (i32, i32) {
    %c0_i32 = arith.constant 0 : i32
    %c0_i32_0 = arith.constant 0 : i32
    return %arg0, %c0_i32 : i32, i32
  }
  func.func @transform_3(%arg0: i32) -> (i32, i32) {
    %c0_i32 = arith.constant 0 : i32
    %c0_i32_0 = arith.constant 0 : i32
    %c0_i32_1 = arith.constant 0 : i32
    return %c0_i32, %c0_i32_0 : i32, i32
  }
  func.func @transform_4(%arg0: i32) -> (i32, i32) {
    %c0_i32 = arith.constant 0 : i32
    %c0_i32_0 = arith.constant 0 : i32
    %c0_i32_1 = arith.constant 0 : i32
    return %c0_i32, %c0_i32_0 : i32, i32
  }
  func.func @transform_5(%arg0: i32) -> (i32, i32) {
    %c0_i32 = arith.constant 0 : i32
    %c0_i32_0 = arith.constant 0 : i32
    %c0_i32_1 = arith.constant 0 : i32
    return %c0_i32, %c0_i32_0 : i32, i32
  }
  func.func @transform_6(%arg0: i32) -> (i32, i32) {
    %c0_i32 = arith.constant 0 : i32
    %c0_i32_0 = arith.constant 0 : i32
    return %arg0, %c0_i32 : i32, i32
  }
}

module attributes {stable_mosaic.version = 14 : i64} {
  func.func @_dense2_body(%arg0: i32, %arg1: memref<2x1000x128xf32, #tpu.memory_space<vmem>>, %arg2: memref<2x1000x1xf32, #tpu.memory_space<vmem>>, %arg3: memref<1000x128xf32, #tpu.memory_space<vmem>>, %arg4: memref<1x1x1000xi32, #tpu.memory_space<vmem>>, %arg5: memref<128x128xf32, #tpu.memory_space<vmem>>, %arg6: memref<128x128xf32, #tpu.memory_space<vmem>>, %arg7: memref<1x128xf32, #tpu.memory_space<vmem>>, %arg8: memref<128x16xf32, #tpu.memory_space<vmem>>, %arg9: memref<1x16xf32, #tpu.memory_space<vmem>>, %arg10: memref<64x16xf32, #tpu.memory_space<vmem>>, %arg11: memref<64x128xf32, #tpu.memory_space<vmem>>, %arg12: memref<64x1xf32, #tpu.memory_space<vmem>>) attributes {dimension_semantics = [#tpu.dimension_semantics<arbitrary>], iteration_bounds = array<i64: 10>, scalar_prefetch = 0 : i64, scratch_operands = 2 : i64, tpu.core_type = #tpu.core_type<tc>, window_params = [{transform_indices = @transform_0, window_bounds = array<i64: 2, 1000, 128>}, {transform_indices = @transform_1, window_bounds = array<i64: 2, 1000, 1>}, {transform_indices = @transform_2, window_bounds = array<i64: 1000, 128>}, {transform_indices = @transform_3, window_bounds = array<i64: 1, 1, 1000>}, {pipeline_mode = #tpu.pipeline_mode<synchronous>, transform_indices = @transform_4, window_bounds = array<i64: 128, 128>}, {pipeline_mode = #tpu.pipeline_mode<synchronous>, transform_indices = @transform_5, window_bounds = array<i64: 128, 128>}, {pipeline_mode = #tpu.pipeline_mode<synchronous>, transform_indices = @transform_6, window_bounds = array<i64: 1, 128>}, {pipeline_mode = #tpu.pipeline_mode<synchronous>, transform_indices = @transform_7, window_bounds = array<i64: 128, 16>}, {pipeline_mode = #tpu.pipeline_mode<synchronous>, transform_indices = @transform_8, window_bounds = array<i64: 1, 16>}, {pipeline_mode = #tpu.pipeline_mode<synchronous>, transform_indices = @transform_9, window_bounds = array<i64: 64, 16>}]} {
    %get3A = arith.constant 0 : index
    %get3A_0 = arith.constant 0 : index
    %get3A_1 = arith.constant 0 : index
    %get3A_2 = vector.load %arg2[%get3A, %get3A_0, %get3A_1] : memref<2x1000x1xf32, #tpu.memory_space<vmem>>, vector<1x1000x1xf32>
    %get3A_3 = vector.shape_cast %get3A_2 : vector<1x1000x1xf32> to vector<1000x1xf32>
    %get3A_4 = arith.constant 1 : index
    %get3A_5 = arith.constant 0 : index
    %get3A_6 = arith.constant 0 : index
    %get3A_7 = vector.load %arg2[%get3A_4, %get3A_5, %get3A_6] : memref<2x1000x1xf32, #tpu.memory_space<vmem>>, vector<1x1000x1xf32>
    %get3A_8 = vector.shape_cast %get3A_7 : vector<1x1000x1xf32> to vector<1000x1xf32>
    %add3A = arith.addf %get3A_3, %get3A_8 : vector<1000x1xf32>
    %max3A = arith.constant 1.000000e+00 : f32
    %max3A_9 = vector.broadcast %max3A : f32 to vector<1000x1xf32>
    %max3A_10 = arith.maximumf %add3A, %max3A_9 : vector<1000x1xf32>
    %div3A = arith.constant 1.000000e+00 : f32
    %div3A_11 = vector.broadcast %div3A : f32 to vector<1000x1xf32>
    %div3A_12 = arith.divf %div3A_11, %max3A_10 : vector<1000x1xf32>
    %get3A_13 = arith.constant 0 : index
    %get3A_14 = arith.constant 0 : index
    %get3A_15 = arith.constant 0 : index
    %get3A_16 = vector.load %arg1[%get3A_13, %get3A_14, %get3A_15] : memref<2x1000x128xf32, #tpu.memory_space<vmem>>, vector<1x1000x128xf32>
    %get3A_17 = vector.shape_cast %get3A_16 : vector<1x1000x128xf32> to vector<1000x128xf32>
    %get3A_18 = arith.constant 1 : index
    %get3A_19 = arith.constant 0 : index
    %get3A_20 = arith.constant 0 : index
    %get3A_21 = vector.load %arg1[%get3A_18, %get3A_19, %get3A_20] : memref<2x1000x128xf32, #tpu.memory_space<vmem>>, vector<1x1000x128xf32>
    %get3A_22 = vector.shape_cast %get3A_21 : vector<1x1000x128xf32> to vector<1000x128xf32>
    %add3A_23 = arith.addf %get3A_17, %get3A_22 : vector<1000x128xf32>
    %mul3A = vector.broadcast %div3A_12 : vector<1000x1xf32> to vector<1000x128xf32>
    %mul3A_24 = arith.mulf %add3A_23, %mul3A : vector<1000x128xf32>
    %get3A_25 = arith.constant 0 : index
    %get3A_26 = arith.constant 0 : index
    %get3A_27 = vector.load %arg5[%get3A_25, %get3A_26] : memref<128x128xf32, #tpu.memory_space<vmem>>, vector<128x128xf32>
    %dot_general3A = arith.constant dense<0.000000e+00> : vector<1000x128xf32>
    %dot_general3A_28 = tpu.matmul %mul3A_24, %get3A_27, %dot_general3A {dimension_numbers = #tpu.dot_dimension_numbers<[1], [0], [0], [1], [0, 0, 1, 1], [], []>, transpose_lhs_hint = false} : vector<1000x128xf32>, vector<128x128xf32>, vector<1000x128xf32> -> vector<1000x128xf32>
    %get3A_29 = arith.constant 0 : index
    %get3A_30 = arith.constant 0 : index
    %get3A_31 = vector.load %arg3[%get3A_29, %get3A_30] : memref<1000x128xf32, #tpu.memory_space<vmem>>, vector<1000x128xf32>
    %get3A_32 = arith.constant 0 : index
    %get3A_33 = arith.constant 0 : index
    %get3A_34 = vector.load %arg6[%get3A_32, %get3A_33] : memref<128x128xf32, #tpu.memory_space<vmem>>, vector<128x128xf32>
    %dot_general3A_35 = arith.constant dense<0.000000e+00> : vector<1000x128xf32>
    %dot_general3A_36 = tpu.matmul %get3A_31, %get3A_34, %dot_general3A_35 {dimension_numbers = #tpu.dot_dimension_numbers<[1], [0], [0], [1], [0, 0, 1, 1], [], []>, transpose_lhs_hint = false} : vector<1000x128xf32>, vector<128x128xf32>, vector<1000x128xf32> -> vector<1000x128xf32>
    %add3A_37 = arith.addf %dot_general3A_28, %dot_general3A_36 : vector<1000x128xf32>
    %get3A_38 = arith.constant 0 : index
    %get3A_39 = arith.constant 0 : index
    %get3A_40 = vector.load %arg7[%get3A_38, %get3A_39] : memref<1x128xf32, #tpu.memory_space<vmem>>, vector<1x128xf32>
    %add3A_41 = vector.broadcast %get3A_40 : vector<1x128xf32> to vector<1000x128xf32>
    %add3A_42 = arith.addf %add3A_37, %add3A_41 : vector<1000x128xf32>
    %max3A_43 = arith.constant 0.000000e+00 : f32
    %max3A_44 = vector.broadcast %max3A_43 : f32 to vector<1000x128xf32>
    %max3A_45 = arith.maximumf %add3A_42, %max3A_44 : vector<1000x128xf32>
    %get3A_46 = arith.constant 0 : index
    %get3A_47 = arith.constant 0 : index
    %get3A_48 = arith.constant 0 : index
    %get3A_49 = vector.load %arg4[%get3A_46, %get3A_47, %get3A_48] : memref<1x1x1000xi32, #tpu.memory_space<vmem>>, vector<1x1x1000xi32>
    %get3A_50 = vector.shape_cast %get3A_49 : vector<1x1x1000xi32> to vector<1x1000xi32>
    %iota3A = tpu.iota {dimensions = array<i32: 0>} : vector<64x1000xi32>
    %broadcast_in_dim3A = vector.shape_cast %get3A_50 : vector<1x1000xi32> to vector<1x1000xi32>
    %broadcast_in_dim3A_51 = vector.broadcast %broadcast_in_dim3A : vector<1x1000xi32> to vector<64x1000xi32>
    %eq3A = arith.cmpi eq, %iota3A, %broadcast_in_dim3A_51 : vector<64x1000xi32>
    %jit3A = arith.constant 1.000000e+00 : f32
    %jit3A_52 = arith.constant 0.000000e+00 : f32
    %broadcast_in_dim3A_53 = vector.broadcast %jit3A : f32 to vector<64x1000xf32>
    %broadcast_in_dim3A_54 = vector.broadcast %jit3A_52 : f32 to vector<64x1000xf32>
    %select_n3A = arith.select %eq3A, %broadcast_in_dim3A_53, %broadcast_in_dim3A_54 : vector<64x1000xi1>, vector<64x1000xf32>
    %eq3A_55 = arith.constant 0 : i32
    %eq3A_56 = arith.cmpi eq, %arg0, %eq3A_55 : i32
    %convert_element_type3A = arith.extui %eq3A_56 : i1 to i32
    %cond3A = arith.constant 0 : i32
    %cond3A_57 = arith.cmpi ne, %convert_element_type3A, %cond3A : i32
    scf.if %cond3A_57 {
      %broadcast_in_dim3A_80 = arith.constant 0.000000e+00 : f32
      %broadcast_in_dim3A_81 = vector.broadcast %broadcast_in_dim3A_80 : f32 to vector<64x128xf32>
      %swap3A_82 = arith.constant 0 : index
      %swap3A_83 = arith.constant 0 : index
      %swap3A_84 = vector.load %arg11[%swap3A_82, %swap3A_83] : memref<64x128xf32, #tpu.memory_space<vmem>>, vector<64x128xf32>
      tpu.vector_store %arg11[%swap3A_82, %swap3A_83], %broadcast_in_dim3A_81 {strides = array<i32>} : memref<64x128xf32, #tpu.memory_space<vmem>>, vector<64x128xf32>,
      %broadcast_in_dim3A_85 = arith.constant 0.000000e+00 : f32
      %broadcast_in_dim3A_86 = vector.broadcast %broadcast_in_dim3A_85 : f32 to vector<64x1xf32>
      %swap3A_87 = arith.constant 0 : index
      %swap3A_88 = arith.constant 0 : index
      %swap3A_89 = vector.load %arg12[%swap3A_87, %swap3A_88] : memref<64x1xf32, #tpu.memory_space<vmem>>, vector<64x1xf32>
      tpu.vector_store %arg12[%swap3A_87, %swap3A_88], %broadcast_in_dim3A_86 {strides = array<i32>} : memref<64x1xf32, #tpu.memory_space<vmem>>, vector<64x1xf32>,
    } else {
    }
    %get3A_58 = arith.constant 0 : index
    %get3A_59 = arith.constant 0 : index
    %get3A_60 = vector.load %arg11[%get3A_58, %get3A_59] : memref<64x128xf32, #tpu.memory_space<vmem>>, vector<64x128xf32>
    %dot_general3A_61 = arith.constant dense<0.000000e+00> : vector<64x128xf32>
    %dot_general3A_62 = tpu.matmul %select_n3A, %max3A_45, %dot_general3A_61 {dimension_numbers = #tpu.dot_dimension_numbers<[1], [0], [0], [1], [0, 0, 1, 1], [], []>, transpose_lhs_hint = false} : vector<64x1000xf32>, vector<1000x128xf32>, vector<64x128xf32> -> vector<64x128xf32>
    %add3A_63 = arith.addf %get3A_60, %dot_general3A_62 : vector<64x128xf32>
    %swap3A = arith.constant 0 : index
    %swap3A_64 = arith.constant 0 : index
    %swap3A_65 = vector.load %arg11[%swap3A, %swap3A_64] : memref<64x128xf32, #tpu.memory_space<vmem>>, vector<64x128xf32>
    tpu.vector_store %arg11[%swap3A, %swap3A_64], %add3A_63 {strides = array<i32>} : memref<64x128xf32, #tpu.memory_space<vmem>>, vector<64x128xf32>,
    %get3A_66 = arith.constant 0 : index
    %get3A_67 = arith.constant 0 : index
    %get3A_68 = vector.load %arg12[%get3A_66, %get3A_67] : memref<64x1xf32, #tpu.memory_space<vmem>>, vector<64x1xf32>
    %reduce_sum3A = arith.constant dense<0.000000e+00> : vector<64xf32>
    %reduce_sum3A_69 = vector.multi_reduction <add>, %select_n3A, %reduce_sum3A [1] : vector<64x1000xf32> to vector<64xf32>
    %broadcast_in_dim3A_70 = vector.shape_cast %reduce_sum3A_69 : vector<64xf32> to vector<64x1xf32>
    %add3A_71 = arith.addf %get3A_68, %broadcast_in_dim3A_70 : vector<64x1xf32>
    %swap3A_72 = arith.constant 0 : index
    %swap3A_73 = arith.constant 0 : index
    %swap3A_74 = vector.load %arg12[%swap3A_72, %swap3A_73] : memref<64x1xf32, #tpu.memory_space<vmem>>, vector<64x1xf32>
    tpu.vector_store %arg12[%swap3A_72, %swap3A_73], %add3A_71 {strides = array<i32>} : memref<64x1xf32, #tpu.memory_space<vmem>>, vector<64x1xf32>,
    %eq3A_75 = arith.constant 9 : i32
    %eq3A_76 = arith.cmpi eq, %arg0, %eq3A_75 : i32
    %convert_element_type3A_77 = arith.extui %eq3A_76 : i1 to i32
    %cond3A_78 = arith.constant 0 : i32
    %cond3A_79 = arith.cmpi ne, %convert_element_type3A_77, %cond3A_78 : i32
    scf.if %cond3A_79 {
      %get3A_80 = arith.constant 0 : index
      %get3A_81 = arith.constant 0 : index
      %get3A_82 = vector.load %arg11[%get3A_80, %get3A_81] : memref<64x128xf32, #tpu.memory_space<vmem>>, vector<64x128xf32>
      %get3A_83 = arith.constant 0 : index
      %get3A_84 = arith.constant 0 : index
      %get3A_85 = vector.load %arg12[%get3A_83, %get3A_84] : memref<64x1xf32, #tpu.memory_space<vmem>>, vector<64x1xf32>
      %max3A_86 = arith.constant 1.000000e+00 : f32
      %max3A_87 = vector.broadcast %max3A_86 : f32 to vector<64x1xf32>
      %max3A_88 = arith.maximumf %get3A_85, %max3A_87 : vector<64x1xf32>
      %div3A_89 = vector.broadcast %max3A_88 : vector<64x1xf32> to vector<64x128xf32>
      %div3A_90 = arith.divf %get3A_82, %div3A_89 : vector<64x128xf32>
      %get3A_91 = arith.constant 0 : index
      %get3A_92 = arith.constant 0 : index
      %get3A_93 = vector.load %arg8[%get3A_91, %get3A_92] : memref<128x16xf32, #tpu.memory_space<vmem>>, vector<128x16xf32>
      %dot_general3A_94 = arith.constant dense<0.000000e+00> : vector<64x16xf32>
      %dot_general3A_95 = tpu.matmul %div3A_90, %get3A_93, %dot_general3A_94 {dimension_numbers = #tpu.dot_dimension_numbers<[1], [0], [0], [1], [0, 0, 1, 1], [], []>, transpose_lhs_hint = false} : vector<64x128xf32>, vector<128x16xf32>, vector<64x16xf32> -> vector<64x16xf32>
      %get3A_96 = arith.constant 0 : index
      %get3A_97 = arith.constant 0 : index
      %get3A_98 = vector.load %arg9[%get3A_96, %get3A_97] : memref<1x16xf32, #tpu.memory_space<vmem>>, vector<1x16xf32>
      %add3A_99 = vector.broadcast %get3A_98 : vector<1x16xf32> to vector<64x16xf32>
      %add3A_100 = arith.addf %dot_general3A_95, %add3A_99 : vector<64x16xf32>
      %reduce_max3A = arith.constant dense<0xFF800000> : vector<64xf32>
      %reduce_max3A_101 = vector.multi_reduction <maximumf>, %add3A_100, %reduce_max3A [1] : vector<64x16xf32> to vector<64xf32>
      %broadcast_in_dim3A_102 = vector.shape_cast %reduce_max3A_101 : vector<64xf32> to vector<64x1xf32>
      %sub3A = vector.broadcast %broadcast_in_dim3A_102 : vector<64x1xf32> to vector<64x16xf32>
      %sub3A_103 = arith.subf %add3A_100, %sub3A : vector<64x16xf32>
      %exp3A = math.exp %sub3A_103 : vector<64x16xf32>
      %reduce_sum3A_104 = arith.constant dense<0.000000e+00> : vector<64xf32>
      %reduce_sum3A_105 = vector.multi_reduction <add>, %exp3A, %reduce_sum3A_104 [1] : vector<64x16xf32> to vector<64xf32>
      %broadcast_in_dim3A_106 = vector.shape_cast %reduce_sum3A_105 : vector<64xf32> to vector<64x1xf32>
      %div3A_107 = vector.broadcast %broadcast_in_dim3A_106 : vector<64x1xf32> to vector<64x16xf32>
      %div3A_108 = arith.divf %exp3A, %div3A_107 : vector<64x16xf32>
      %swap3A_109 = arith.constant 0 : index
      %swap3A_110 = arith.constant 0 : index
      %swap3A_111 = vector.load %arg10[%swap3A_109, %swap3A_110] : memref<64x16xf32, #tpu.memory_space<vmem>>, vector<64x16xf32>
      tpu.vector_store %arg10[%swap3A_109, %swap3A_110], %div3A_108 {strides = array<i32>} : memref<64x16xf32, #tpu.memory_space<vmem>>, vector<64x16xf32>,
    } else {
    }
    return
  }
  func.func @transform_0(%arg0: i32) -> (i32, i32, i32) {
    %c0_i32 = arith.constant 0 : i32
    %c0_i32_0 = arith.constant 0 : i32
    %c0_i32_1 = arith.constant 0 : i32
    return %c0_i32, %arg0, %c0_i32_0 : i32, i32, i32
  }
  func.func @transform_1(%arg0: i32) -> (i32, i32, i32) {
    %c0_i32 = arith.constant 0 : i32
    %c0_i32_0 = arith.constant 0 : i32
    %c0_i32_1 = arith.constant 0 : i32
    return %c0_i32, %arg0, %c0_i32_0 : i32, i32, i32
  }
  func.func @transform_2(%arg0: i32) -> (i32, i32) {
    %c0_i32 = arith.constant 0 : i32
    %c0_i32_0 = arith.constant 0 : i32
    return %arg0, %c0_i32 : i32, i32
  }
  func.func @transform_3(%arg0: i32) -> (i32, i32, i32) {
    %c0_i32 = arith.constant 0 : i32
    %c0_i32_0 = arith.constant 0 : i32
    %c0_i32_1 = arith.constant 0 : i32
    return %arg0, %c0_i32, %c0_i32_0 : i32, i32, i32
  }
  func.func @transform_4(%arg0: i32) -> (i32, i32) {
    %c0_i32 = arith.constant 0 : i32
    %c0_i32_0 = arith.constant 0 : i32
    %c0_i32_1 = arith.constant 0 : i32
    return %c0_i32, %c0_i32_0 : i32, i32
  }
  func.func @transform_5(%arg0: i32) -> (i32, i32) {
    %c0_i32 = arith.constant 0 : i32
    %c0_i32_0 = arith.constant 0 : i32
    %c0_i32_1 = arith.constant 0 : i32
    return %c0_i32, %c0_i32_0 : i32, i32
  }
  func.func @transform_6(%arg0: i32) -> (i32, i32) {
    %c0_i32 = arith.constant 0 : i32
    %c0_i32_0 = arith.constant 0 : i32
    %c0_i32_1 = arith.constant 0 : i32
    return %c0_i32, %c0_i32_0 : i32, i32
  }
  func.func @transform_7(%arg0: i32) -> (i32, i32) {
    %c0_i32 = arith.constant 0 : i32
    %c0_i32_0 = arith.constant 0 : i32
    %c0_i32_1 = arith.constant 0 : i32
    return %c0_i32, %c0_i32_0 : i32, i32
  }
  func.func @transform_8(%arg0: i32) -> (i32, i32) {
    %c0_i32 = arith.constant 0 : i32
    %c0_i32_0 = arith.constant 0 : i32
    %c0_i32_1 = arith.constant 0 : i32
    return %c0_i32, %c0_i32_0 : i32, i32
  }
  func.func @transform_9(%arg0: i32) -> (i32, i32) {
    %c0_i32 = arith.constant 0 : i32
    %c0_i32_0 = arith.constant 0 : i32
    %c0_i32_1 = arith.constant 0 : i32
    return %c0_i32, %c0_i32_0 : i32, i32
  }
}

</mosaic_0001>

<sc_bundles>
// kernel: kernel.6.cloned.1.call-start
scs
__scs_entry_jumppad:
0x0: {  	(pc) =	sbr.rel $0x88, $3  }
0x1: {  	(tag) =	ssettag $0x0;
	lr =	simm.s32 $0x1  }
0x2: {  	[smem:$0x3F96] =	sst lr;
	_ =	strace $0xD0000000  }
0x3: {  	_ = 	snop  }
0x4: {  	_ = 	snop  }
0x5: {  	_ = 	snop  }
0x6: {  	_ = 	snop  }
0x7: {  	_ = 	snop  }
__scs_overlays_trampoline_lowered:
0x8: {  	[smem:$0x3FA5] =	sst s0  }
0x9: {  	[smem:$0x3FA6] =	sst s1  }
0xa: {  	[smem:$0x3FA7] =	sst s2  }
0xb: {  	[smem:$0x3FA8] =	sst s3  }
0xc: {  	[smem:$0x3FA9] =	sst s4  }
0xd: {  	[smem:$0x3FAA] =	sst s5  }
0xe: {  	[smem:$0x3FAB] =	sst s6  }
0xf: {  	[smem:$0x3FAC] =	sst s7  }
0x10: {  	[smem:$0x3FAD] =	sst s8  }
0x11: {  	[smem:$0x3FAE] =	sst s9;
	s0 =	simm.s32 @!p0 $0x0  }
0x12: {  	s1 =	sld [smem:$0x3F94];
	s0 =	simm.s32 @p0 $0x1  }
0x13: {  	[smem:$0x3FAF] =	sst s0;
	s0 =	simm.s32 @!p1 $0x0  }
0x14: {  	s2 =	sld [smem:$0x3F93];
	s0 =	simm.s32 @p1 $0x1  }
0x15: {  	[smem:$0x3FB0] =	sst s0;
	s0 =	simm.s32 @!p2 $0x0  }
0x16: {  	s3 =	sld [smem:$0x3FDB];
	s0 =	simm.s32 @p2 $0x1  }
0x17: {  	s4 =	simm.s32 $0x1BF5;
	[smem:$0x3FB2] =	sst s0  }
0x18: {  	s0 =	sld [smem:$0x3F95];
	_ =	swait.ge [sflag:s4], $0x0  }
0x19: {  	s7 =	sld [smem:$0x3F96]  }
0x1a: {  	s8 =	sadd.s32 $0xFFFFE003, lr  }
0x1b: {  	s9 =	sadd.s32 $0xFFFFFEF7, lr;
	s5 =	simm.s32 $0xFFFFFFFF;
	p2 =	slt.u32 s8, $0xFFFFF086  }
0x1c: {  	p1 =	slt.u32 s9, $0xF7A;
	s5 =	simm.s32 @!p2 $0x0  }
0x1d: {  	s5 =	simm.s32 @p1 $0x1;
	p0 =	seq.s32 s7, s2  }
0x1e: {  	s7 =	smul.u32 @!p0 $0xF7A, s2;
	p2 =	seq.s32 @!p0 s5, $0x0  }
0x1f: {  	s9 =	smul.u32 $0xF7A, s1;
	s8 =	simm.s32 @!p0 $0x1BF5;
	p2 =	por !p2, p0  }
0x20: {  	[sflag:s8] =	ssyncset.s32 @!p0 $0xFFFFF086;
	s6 =	sadd.s32 @!p0 s3, s7;
	s7 =	simm.s32 @!p0 $0x108  }
0x21: {  	s3 =	sadd.s32 s3, s9;
	s6 =	sadd.s32 @!p0 $0x88, s6;
	s7 =	simm.s32 @p2 $0x1082  }
0x22: {  	[simem:s7], [sflag:s8] =	dma.local @!p0 [hbm:s6], $0xF7A  }
0x23: {  	s9 =	sor.u32 $0xD0000000, s2;
	s6 =	simm.s32 $0x108;
	_ =	swait.ge @!p0 [sflag:s8], $0x0  }
0x24: {  	s3 =	sadd.s32 $0x88, s3;
	s6 =	simm.s32 @!p1 $0x1082;
	[sflag:s4] =	ssyncset.s32 $0xFFFFF086  }
0x25: {  	[simem:s6], [sflag:s4] =	dma.local [hbm:s3], $0xF7A  }
0x26: {  	[smem:$0x3F96] =	sst s1;
	(tag) =	ssettag s2;
	_ =	strace s9  }
0x27: {  	s1 =	sld [smem:$0x3FA6]  }
0x28: {  	s2 =	sld [smem:$0x3FA7]  }
0x29: {  	s4 =	sld [smem:$0x3FA9]  }
0x2a: {  	p0 =	seq.s32 s5, $0x0;
	s5 =	sld [smem:$0x3FAA]  }
0x2b: {  	s6 =	sld [smem:$0x3FAB]  }
0x2c: {  	s7 =	sld [smem:$0x3FAC]  }
0x2d: {  	s3 =	simm.s32 $0x108;
	s8 =	sld [smem:$0x3FAD]  }
0x2e: {  	s3 =	simm.s32 @!p0 $0x1082;
	s9 =	sld [smem:$0x3FAE]  }
0x2f: {  	lr =	sadd.s32 s0, s3;
	s0 =	sld [smem:$0x3FA5]  }
0x30: {  	s3 =	sld [smem:$0x3FA8]  }
0x31: {  	[smem:$0x3FB1] =	sst s10  }
0x32: {  	s10 =	sld [smem:$0x3FAF];
	_ =	sdelay $0x3  }
0x33: {  	p0 =	seq.s32 s10, $0x1;
	s10 =	sld [smem:$0x3FB1];
	_ =	sdelay $0x3  }
0x34: {  	[smem:$0x3FB1] =	sst s10  }
0x35: {  	s10 =	sld [smem:$0x3FB0];
	_ =	sdelay $0x3  }
0x36: {  	p1 =	seq.s32 s10, $0x1;
	s10 =	sld [smem:$0x3FB1];
	_ =	sdelay $0x3  }
0x37: {  	[smem:$0x3FB1] =	sst s10  }
0x38: {  	s10 =	sld [smem:$0x3FB2]  }
0x39: {  	_ = 	snop;
	(pc) =	sbr.ind lr, $3  }
0x3a: {  	_ = 	snop  }
0x3b: {  	_ = 	snop  }
0x3c: {  	p2 =	seq.s32 s10, $0x1;
	s10 =	sld [smem:$0x3FB1]  }
0x3d: {  	_ =	shalt  }
0x3e: {  	_ =	shalt  }
0x3f: {  	_ =	shalt  }
0x40: {  	_ =	shalt  }
0x41: {  	_ =	shalt  }
0x42: {  	_ =	shalt  }
0x43: {  	_ =	shalt  }
0x44: {  	_ =	shalt  }
0x45: {  	_ =	shalt  }
0x46: {  	_ =	shalt  }
0x47: {  	_ =	shalt  }
0x48: {  	_ =	shalt  }
0x49: {  	_ =	shalt  }
0x4a: {  	_ =	shalt  }
0x4b: {  	_ =	shalt  }
0x4c: {  	_ =	shalt  }
0x4d: {  	_ =	shalt  }
0x4e: {  	_ =	shalt  }
0x4f: {  	_ =	shalt  }
0x50: {  	_ =	shalt  }
0x51: {  	_ =	shalt  }
0x52: {  	_ =	shalt  }
0x53: {  	_ =	shalt  }
0x54: {  	_ =	shalt  }
0x55: {  	_ =	shalt  }
0x56: {  	_ =	shalt  }
0x57: {  	_ =	shalt  }
0x58: {  	_ =	shalt  }
0x59: {  	_ =	shalt  }
0x5a: {  	_ =	shalt  }
0x5b: {  	_ =	shalt  }
0x5c: {  	_ =	shalt  }
0x5d: {  	_ =	shalt  }
0x5e: {  	_ =	shalt  }
0x5f: {  	_ =	shalt  }
0x60: {  	_ =	shalt  }
0x61: {  	_ =	shalt  }
0x62: {  	_ =	shalt  }
0x63: {  	_ =	shalt  }
0x64: {  	_ =	shalt  }
0x65: {  	_ =	shalt  }
0x66: {  	_ =	shalt  }
0x67: {  	_ =	shalt  }
0x68: {  	_ =	shalt  }
0x69: {  	_ =	shalt  }
0x6a: {  	_ =	shalt  }
0x6b: {  	_ =	shalt  }
0x6c: {  	_ =	shalt  }
0x6d: {  	_ =	shalt  }
0x6e: {  	_ =	shalt  }
0x6f: {  	_ =	shalt  }
0x70: {  	_ =	shalt  }
0x71: {  	_ =	shalt  }
0x72: {  	_ =	shalt  }
0x73: {  	_ =	shalt  }
0x74: {  	_ =	shalt  }
0x75: {  	_ =	shalt  }
0x76: {  	_ =	shalt  }
0x77: {  	_ =	shalt  }
0x78: {  	_ =	shalt  }
0x79: {  	_ =	shalt  }
0x7a: {  	_ =	shalt  }
0x7b: {  	_ =	shalt  }
0x7c: {  	_ =	shalt  }
0x7d: {  	_ =	shalt  }
0x7e: {  	_ =	shalt  }
0x7f: {  	_ =	shalt  }
0x80: {  	_ =	shalt  }
0x81: {  	_ =	shalt  }
0x82: {  	_ =	shalt  }
0x83: {  	_ =	shalt  }
0x84: {  	_ =	shalt  }
0x85: {  	_ =	shalt  }
0x86: {  	_ =	shalt  }
0x87: {  	_ =	shalt  }
.Lfunc_end0:
.L_simem_size_0:
called_computation_lowered:
.L_overlay_start_0:
0x88: {  	s2 =	sld [smem:$0x3FD9]  }
0x89: {  	s3 =	sld [smem:$0x3FFE];
	_ =	sdelay $0x1  }
0x8a: {  	s1 =	srdreg.scid  }
0x8b: {  	s0 =	sand.u32 $0x1, s1  }
0x8c: {  	s17 =	sshll.u32 s0, $0xA;
	s2 =	sadd.s32 s3, s2  }
0x8d: {  	s2 =	sadd.s32 s2, s17  }
0x8e: {  	[smem:$0x3FBD] =	sst s2  }
0x8f: {  	_ = 	snop  }
0x90: {  	s2 =	sld [smem:$0x3FC9];
	(tm) =	ssettm $0x1  }
0x91: {  	s18 =	sld [smem:$0x3FFB];
	_ =	sdelay $0x3  }
0x92: {  	_ =	strace s18  }
0x93: {  	s3 =	sld [smem:$0x3FFC];
	_ =	sdelay $0x3  }
0x94: {  	_ =	strace s3  }
0x95: {  	s3 =	sld [smem:$0x3FFD];
	_ =	sdelay $0x3  }
0x96: {  	_ =	strace s3  }
0x97: {  	_ =	strace $0x8FFFFFFF  }
0x98: {  	s19 =	sld [smem:$0x3FDB];
	_ =	sdelay $0x1  }
0x99: {  	s4 =	simm.s32 $_scs_section_size  }
0x9a: {  	s5 =	simm.s32 $_size__tile_overlayer_lowered;
	s6 =	simm.s32 $_tile_overlayer_lowered  }
0x9b: {  	s22 =	simm.s32 $0x1BFF;
	s21 =	sshll.u32 s6, $0x1;
	s3 =	sadd.s32 s4, s19  }
0x9c: {  	s7 =	simm.s32 $0x0;
	s20 =	sshll.u32 s5, $0x1;
	s5 =	sadd.s32 s21, s3  }
0x9d: {  	[timem:s7], [sflag:s22] =	dma.local [hbm:s5], s20  }
0x9e: {  	_ =	swait.ge [sflag:s22], s20  }
0x9f: {  	s4 =	ssub.s32 $0x0, s20;
	[sflag:s22] =	ssyncset.done $0x0  }
0xa0: {  	[sflag:s22] =	ssyncadd.s32 s4;
	_ =	sdelay $0x1  }
0xa1: {  	s23 =	simm.s32 $0x1B8B  }
0xa2: {  	_ =	swait.ge [sflag:s23], $0x1  }
0xa3: {  	[sflag:s23] =	ssyncset.done $0x0  }
0xa4: {  	s25 =	simm.s32 $0x1B8E;
	s24 =	sld [smem:$0x3FFE];
	[sflag:s23] =	ssyncadd.s32 $0xFFFFFFFF  }
0xa5: {  	s26 =	simm.s32 $execute0_lowered;
	[smem:$0x3FD2] =	sst s25  }
0xa6: {  	s5 =	sshll.u32 s26, $0x1;
	_ =	strace $0x80000046;
	[dreg:$0x1] =	wrdreg $0xFFFFFFFF  }
0xa7: {  	s28 =	simm.s32 $_size_execute0_lowered;
	s3 =	sadd.s32 s3, s5;
	[dreg:$0x0] =	wrdreg $0x0  }
0xa8: {  	s5 =	sshll.u32 s28, $0x1;
	[dreg:$0x2] =	wrdreg s3  }
0xa9: {  	[dreg:$0x3] =	wrdreg s5  }
0xaa: {  	[dreg:$0x4] =	wrdreg $0xC0  }
0xab: {  	_ =	task [dreg:s7], $0x5FFFF  }
0xac: {  	[dreg:$0x1] =	wrdreg $0xFFFFFFFF  }
0xad: {  	[dreg:$0x0] =	wrdreg $0x60  }
0xae: {  	[dreg:$0x2] =	wrdreg s2  }
0xaf: {  	[dreg:$0x3] =	wrdreg s24  }
0xb0: {  	[dreg:$0x4] =	wrdreg $0x0  }
0xb1: {  	[dreg:$0x5] =	wrdreg $0x138800  }
0xb2: {  	[dreg:$0x6] =	wrdreg $0x9  }
0xb3: {  	_ =	task.clear_ibuf [dreg:s7], $0x7FFFF;
	_ =	strace $0x90000046  }
0xb4: {  	s29 =	simm.s32 $0x9;
	_ =	strace $0x80000048  }
0xb5: {  	_ =	swait.ge [sflag:s29], $0x1  }
0xb6: {  	[sflag:s29] =	ssyncadd.s32 $0xFFFFFFFF  }
0xb7: {  	_ =	strace $0x90000048  }
0xb8: {  	_ =	sfence  }
0xb9: {  	s30 =	sld [smem:$0x0];
	_ =	sdelay $0x2  }
0xba: {  	s31 =	sshll.u32 s1, $0xD;
	s1 =	sshrl.u32 s1, $0x2  }
0xbb: {  	s3 =	sand.u32 $0x4000, s31;
	s1 =	sadd.s32 s1, s30  }
0xbc: {  	s0 =	sor.u32 s3, s0;
	s1 =	sshll.u32 s1, $0x11  }
0xbd: {  	s0 =	sor.u32 s1, s0  }
0xbe: {  	s0 =	sadd.s32 $0x8F2B, s0  }
0xbf: {  	[sflag:s0] =	ssyncadd.remote.s32 $0x1  }
0xc0: {  	_ =	sfence.sel $0xFFFF  }
0xc1: {  	[dreg:$0x0] =	wrdreg $0xFFFFFFFF;
	(pc) =	sbr.abs _section_cstart, $3  }
0xc2: {  	[dreg:$0x1] =	wrdreg $0xFFFFFFFF  }
0xc3: {  	_ =	task.clear_ibuf [dreg:s7], $0x2FFFF;
	_ =	strace $0x9FFFFFFF  }
0xc4: {  	(tm) =	ssettm $0x7FFFFFFF  }
0xc5: {  	_ =	shalt  }
tec
execute0_lowered:
.L_overlay_start_1:
0x0: {  	(tag) =	ssettag $0x1  }
0x1: {  	s0 =	rddreg [dreg:$0x0]  }
0x2: {  	s3 =	rddreg [dreg:$0x1]  }
0x3: {  	s1 =	rddreg [dreg:$0x2]  }
0x4: {  	s2 =	rddreg [dreg:$0x3];
	s4 =	srdreg.scid  }
0x5: {  	s14 =	stileid.u32;
	s28 =	simm.s32 $0x10;
	s31 =	simm.s32 $0x28  }
0x6: {  	s29 =	simm.s32 $0x1B1F8;
	s30 =	simm.s32 $0x1;
	s20 =	smul.u32 $0x2700, s14  }
0x7: {  	s4 =	sand.u32 $0x1, s4;
	s5 =	sshrl.u32 s14, $0x2;
	s11 =	smul.u32 $0x4E000, s14  }
0x8: {  	s6 =	sshll.u32 s14, $0x8;
	s9 =	sadd.s32 $0x3E200, s3;
	s24 =	smul.u32 $0x13800, s14  }
0x9: {  	s18 =	sadd.s32 $0x7D0, s2;
	s19 =	sadd.s32 $0xFA0, s2;
	p1 =	sne.s32 s14, $0xF  }
0xa: {  	p2 =	seq.s32 s14, $0xF;
	p0 =	sne.s32 s14, $0x0;
	s14 =	simm.s32 $0x3  }
0xb: {  	s7 =	smul.u32 $0x13C00, s5;
	s8 =	sshll.u32 s4, $0x7;
	s6 =	sand.u32 $0x300, s6  }
0xc: {  	s5 =	simm.s32 $0x0;
	s21 =	smul.u32 $0x2710, s4;
	s10 =	ssub.s32 $0x2, s4  }
0xd: {  	s4 =	smul.u32 $0x138800, s4;
	s6 =	sor.u32 s8, s6;
	[smem:$0x7FF] =	sst s5  }
0xe: {  	s22 =	sshrl.u32 s10, $0x1;
	s23 =	sshrl.u32 s11, $0x2;
	s11 =	sadd.s32 $0x124800, s1  }
0xf: {  	s6 =	sor.u32 s7, s6;
	_ =	strace $0x80000047;
	s7 =	sadd.s32 s20, s3  }
0x10: {  	s8 =	sshrl.u32 s21, $0x3;
	s13 =	ssub.s32 s10, s22;
	[dreg:$0x9] =	wrdreg s11  }
0x11: {  	s26 =	sadd.s32 s23, s1;
	s10 =	sadd.s32 s24, s4;
	[dreg:$0xe] =	wrdreg s18  }
0x12: {  	s4 =	sshrl.u32 s4, $0x3;
	[dreg:$0xf] =	wrdreg s19;
	s20 =	sadd.s32 $0x1770, s2  }
0x13: {  	s21 =	sadd.s32 $0x1F40, s2;
	s11 =	simm.s32 $0x1C5F8;
	[dreg:$0x7] =	wrdreg s26  }
0x14: {  	s19 =	simm.s32 $0xC;
	s6 =	sshrl.u32 s6, $0x3;
	[dreg:$0x10] =	wrdreg s20  }
0x15: {  	s12 =	sadd.s32 s8, s3;
	s8 =	sadd.s32 $0x16600, s7;
	[dreg:$0x11] =	wrdreg s21  }
0x16: {  	s4 =	sadd.s32 s9, s4;
	s17 =	smax.u32 s13, $0x1;
	[dreg:$0x8] =	wrdreg s8  }
0x17: {  	s6 =	sadd.s32 s6, s3;
	s3 =	sadd.s32 $0x3AF00, s3;
	[dreg:$0xd] =	wrdreg s17  }
0x18: {  	s7 =	simm.s32 $0xB;
	s16 =	sadd.s32 $0x24900, s4;
	[dreg:$0xa] =	wrdreg s3  }
0x19: {  	s13 =	simm.s32 $0x6;
	s22 =	sadd.s32 $0x3D800, s12;
	[dreg:$0xc] =	wrdreg s16  }
0x1a: {  	s20 =	simm.s32 $0x7;
	s23 =	sadd.s32 $0x3D8FA, s12;
	[dreg:$0x12] =	wrdreg s22  }
0x1b: {  	s21 =	simm.s32 $0xD;
	s24 =	sadd.s32 $0x3D9F4, s12;
	[dreg:$0x13] =	wrdreg s23  }
0x1c: {  	s26 =	sadd.s32 $0x3DBE8, s12;
	s4 =	simm.s32 $0x189F8;
	[dreg:$0x14] =	wrdreg s24  }
0x1d: {  	s25 =	sadd.s32 $0x2A00, s6;
	s6 =	sadd.s32 $0xC800, s6;
	[dreg:$0x16] =	wrdreg s26  }
0x1e: {  	s16 =	simm.s32 $0x13AF8;
	s3 =	simm.s32 $0x1D9F8;
	s24 =	simm.s32 $0x4  }
.Ltmp0:
0x1f: {  	s22 =	simm.s32 $0x5;
	[dreg:$0x5] =	wrdreg s25;
	(pc) =	sbr.rel .LBB2_1-.Ltmp0, $4  }
0x20: {  	s23 =	simm.s32 $0xE;
	s26 =	simm.s32 $0x9;
	[dreg:$0x6] =	wrdreg s6  }
0x21: {  	s6 =	sshrl.u32 s10, $0x3;
	s25 =	sadd.s32 $0x3DAEE, s12;
	s12 =	simm.s32 $0x1EDF8  }
0x22: {  	s15 =	sadd.s32 s9, s6;
	[dreg:$0x15] =	wrdreg s25;
	s9 =	simm.s32 $0x19DF8  }
0x23: {  	v0 =	vimm.f32 $1.000000000e+00;
	v1 =	vimm.f32 $0.0e+00;
	s6 =	simm.s32 $0x2;
	s25 =	simm.s32 $0x8;
	[dreg:$0xb] =	wrdreg s15  }
.LBB2_10:
0x24: {  	s8 =	simm.s32 $0xA  }
0x25: {  	_ =	swait.ge [sflag:s8], $0x1400  }
0x26: {  	[sflag:s8] =	ssyncset.done $0x0  }
0x27: {  	s17 =	simm.s32 $0xF;
	[sflag:s8] =	ssyncadd.s32 $0xFFFFEC00  }
0x28: {  	_ =	swait.ge [sflag:s17], $0x28  }
0x29: {  	[sflag:s17] =	ssyncset.done $0x0  }
0x2a: {  	[sflag:s17] =	ssyncadd.s32 $0xFFFFFFD8  }
0x2b: {  	[bflag:$0x0] =	sbarrier.arrive $0xFFFF  }
0x2c: {  	s8 =	rddreg [dreg:$0x9]  }
0x2d: {  	s10 =	simm.s32 @p2 $0x1FD0;
	s15 =	rddreg [dreg:$0xc];
	s8 =	sshrl.u32 @p2 s8, $0x3  }
0x2e: {  	[hbm:s15], [sflag:s10] =	dma.local @p2 [spmem:s8], $0x2800  }
0x2f: {  	s8 =	simm.s32 @p2 $0x10  }
0x30: {  	s10 =	stileid.u32;
	_ =	swait.ge @p2 [sflag:s8], $0x2800  }
0x31: {  	s10 =	sshll.u32 @!p2 s10, $0x6;
	[sflag:s8] =	ssyncset.done @p2 $0x0  }
0x32: {  	[sflag:s8] =	ssyncadd.s32 @p2 $0xFFFFD800;
	s8 =	sor.u32 @!p2 $0x1C10, s10;
	s10 =	rddreg [dreg:$0x7]  }
0x33: {  	s15 =	rddreg [dreg:$0xb];
	s10 =	sshrl.u32 @!p2 s10, $0x3  }
0x34: {  	[hbm:s15], [sflag:s8] =	dma.local @!p2 [spmem:s10], $0x2700  }
0x35: {  	s8 =	simm.s32 @!p2 $0x10  }
0x36: {  	_ =	swait.ge @!p2 [sflag:s8], $0x2700  }
0x37: {  	[sflag:s8] =	ssyncset.done @!p2 $0x0  }
0x38: {  	s10 =	simm.s32 @p3 $0x10;
	[sflag:s8] =	ssyncadd.s32 @!p2 $0xFFFFD900;
	s8 =	simm.s32 @p3 $0x1EE78  }
0x39: {  	[tilespmem:s8], [sflag:$0x10] =	stream.linear.gather @p3 [spmem:s2], $0x7D0, $0x38;
	[tilespmem:$0x1F678] =	vst v63  }
0x3a: {  	_ =	swait.ge @p3 [sflag:s10], $0x7D0  }
0x3b: {  	[sflag:s10] =	ssyncset.done @p3 $0x0  }
0x3c: {  	s15 =	simm.s32 @p3 $0x0;
	s16 =	rddreg [dreg:$0x12];
	[sflag:s10] =	ssyncadd.s32 @p3 $0xFFFFF830  }
0x3d: {  	[hbm4b:s16+s15] =	stream.linear.scatter @p3 [tilespmem:s8], [sflag:$0x10], $0x7D0, $0x38;
	[tilespmem:$0x1F678] =	vst v63  }
0x3e: {  	_ =	swait.ge @p3 [sflag:s10], $0x7D0  }
0x3f: {  	[sflag:s10] =	ssyncset.done @p3 $0x0  }
0x40: {  	s16 =	rddreg [dreg:$0xe];
	[sflag:s10] =	ssyncadd.s32 @p3 $0xFFFFF830  }
0x41: {  	[tilespmem:s8], [sflag:$0x10] =	stream.linear.gather @p3 [spmem:s16], $0x7D0, $0x38;
	[tilespmem:$0x1F678] =	vst v63  }
0x42: {  	_ =	swait.ge @p3 [sflag:s10], $0x7D0  }
0x43: {  	[sflag:s10] =	ssyncset.done @p3 $0x0  }
0x44: {  	s16 =	rddreg [dreg:$0x13];
	[sflag:s10] =	ssyncadd.s32 @p3 $0xFFFFF830  }
0x45: {  	[hbm4b:s16+s15] =	stream.linear.scatter @p3 [tilespmem:s8], [sflag:$0x10], $0x7D0, $0x38;
	[tilespmem:$0x1F678] =	vst v63  }
0x46: {  	_ =	swait.ge @p3 [sflag:s10], $0x7D0  }
0x47: {  	[sflag:s10] =	ssyncset.done @p3 $0x0  }
0x48: {  	s16 =	rddreg [dreg:$0xf];
	[sflag:s10] =	ssyncadd.s32 @p3 $0xFFFFF830  }
0x49: {  	[tilespmem:s8], [sflag:$0x10] =	stream.linear.gather @p3 [spmem:s16], $0x7D0, $0x38;
	[tilespmem:$0x1F678] =	vst v63  }
0x4a: {  	_ =	swait.ge @p3 [sflag:s10], $0x7D0  }
0x4b: {  	[sflag:s10] =	ssyncset.done @p3 $0x0  }
0x4c: {  	s16 =	rddreg [dreg:$0x14];
	[sflag:s10] =	ssyncadd.s32 @p3 $0xFFFFF830  }
0x4d: {  	[hbm4b:s16+s15] =	stream.linear.scatter @p3 [tilespmem:s8], [sflag:$0x10], $0x7D0, $0x38;
	[tilespmem:$0x1F678] =	vst v63  }
0x4e: {  	_ =	swait.ge @p3 [sflag:s10], $0x7D0  }
0x4f: {  	[sflag:s10] =	ssyncset.done @p3 $0x0  }
0x50: {  	s16 =	rddreg [dreg:$0x10];
	[sflag:s10] =	ssyncadd.s32 @p3 $0xFFFFF830  }
0x51: {  	[tilespmem:s8], [sflag:$0x10] =	stream.linear.gather @p3 [spmem:s16], $0x7D0, $0x38;
	[tilespmem:$0x1F678] =	vst v63  }
0x52: {  	_ =	swait.ge @p3 [sflag:s10], $0x7D0  }
0x53: {  	[sflag:s10] =	ssyncset.done @p3 $0x0  }
0x54: {  	s16 =	rddreg [dreg:$0x15];
	[sflag:s10] =	ssyncadd.s32 @p3 $0xFFFFF830  }
0x55: {  	[hbm4b:s16+s15] =	stream.linear.scatter @p3 [tilespmem:s8], [sflag:$0x10], $0x7D0, $0x38;
	[tilespmem:$0x1F678] =	vst v63  }
0x56: {  	_ =	swait.ge @p3 [sflag:s10], $0x7D0  }
0x57: {  	[sflag:s10] =	ssyncset.done @p3 $0x0  }
0x58: {  	s16 =	rddreg [dreg:$0x11];
	[sflag:s10] =	ssyncadd.s32 @p3 $0xFFFFF830  }
0x59: {  	[tilespmem:s8], [sflag:$0x10] =	stream.linear.gather @p3 [spmem:s16], $0x7D0, $0x38;
	[tilespmem:$0x1F678] =	vst v63  }
0x5a: {  	_ =	swait.ge @p3 [sflag:s10], $0x7D0  }
0x5b: {  	[sflag:s10] =	ssyncset.done @p3 $0x0  }
0x5c: {  	s16 =	rddreg [dreg:$0x16];
	[sflag:s10] =	ssyncadd.s32 @p3 $0xFFFFF830  }
0x5d: {  	[hbm4b:s16+s15] =	stream.linear.scatter @p3 [tilespmem:s8], [sflag:$0x10], $0x7D0, $0x38;
	[tilespmem:$0x1F678] =	vst v63  }
0x5e: {  	_ =	swait.ge @p3 [sflag:s10], $0x7D0  }
0x5f: {  	s5 =	sadd.s32 $0x1, s5;
	s18 =	rddreg [dreg:$0xd]  }
0x60: {  	p4 =	sne.s32 s5, s18  }
.Ltmp1:
0x61: {  	_ = 	snop;
	(pc) =	sbr.rel @!p4 .LBB2_11-.Ltmp1, $3  }
0x62: {  	_ =	sdelay $0x1  }
0x63: {  	[sflag:s10] =	ssyncset.done @p3 $0x0  }
0x64: {  	s16 =	simm.s32 $0x13AF8;
	[sflag:s10] =	ssyncadd.s32 @p3 $0xFFFFF830  }
.LBB2_1:
0x65: {  	s8 =	rddreg [dreg:$0x5];
	s10 =	simm.s32 $0x80;
	s15 =	simm.s32 $0x400  }
0x66: {  	[tilespmem:s16], [sflag:$0x10] =	stream.strided.gather [hbm4b:s8+s10], $0x2780, s15, s10, $0x38;
	[tilespmem:$0x1F678] =	vst v63  }
0x67: {  	_ =	swait.ge [sflag:s28], $0x2780  }
0x68: {  	[sflag:s28] =	ssyncset.done $0x0  }
0x69: {  	s17 =	simm.s32 $0x16278;
	s18 =	rddreg [dreg:$0x6];
	[sflag:s28] =	ssyncadd.s32 $0xFFFFD880  }
0x6a: {  	[tilespmem:s17], [sflag:$0x10] =	stream.strided.gather [hbm4b:s18+s10], $0x2780, s15, s10, $0x38;
	[tilespmem:$0x1F678] =	vst v63  }
0x6b: {  	_ =	swait.ge [sflag:s28], $0x2780  }
.Ltmp2:
0x6c: {  	[sflag:s28] =	ssyncset.done $0x0;
	(pc) =	sbr.rel @p1 .LBB2_3-.Ltmp2, $4  }
0x6d: {  	[sflag:s28] =	ssyncadd.s32 $0xFFFFD880  }
0x6e: {  	[tilespmem:$0x1EDF8] =	vst v0  }
0x6f: {  	[tilespmem:$0x1EE08] =	vst v0  }
0x70: {  	[tilespmem:$0x1EE18] =	vst v0  }
0x71: {  	s8 =	rddreg [dreg:$0x9]  }
0x72: {  	s18 =	rddreg [dreg:$0xa]  }
.Ltmp3:
0x73: {  	s10 =	simm.s32 $0x1FD0;
	s17 =	sshrl.u32 s8, $0x3;
	(pc) =	sbr.rel .LBB2_7-.Ltmp3, $4  }
0x74: {  	[spmem:s17], [sflag:s10] =	dma.local [hbm:s18], $0x2800  }
0x75: {  	_ =	swait.ge [sflag:s28], $0x2800  }
0x76: {  	[sflag:s28] =	ssyncset.done $0x0  }
0x77: {  	p3 =	por $0x0, $0x0;
	[sflag:s28] =	ssyncadd.s32 $0xFFFFD800  }
.LBB2_3:
0x78: {  	s8 =	stileid.u32;
	s10 =	rddreg [dreg:$0x7]  }
0x79: {  	s15 =	rddreg [dreg:$0x8];
	s17 =	sshll.u32 s8, $0x6  }
.Ltmp4:
0x7a: {  	s18 =	sshrl.u32 s10, $0x3;
	s17 =	sor.u32 $0x1C10, s17;
	(pc) =	sbr.rel @p0 .LBB2_7-.Ltmp4, $4  }
0x7b: {  	[spmem:s18], [sflag:s17] =	dma.local [hbm:s15], $0x2700  }
0x7c: {  	_ =	swait.ge [sflag:s28], $0x2700  }
0x7d: {  	[sflag:s28] =	ssyncset.done $0x0  }
0x7e: {  	p3 =	por $0x0, $0x0;
	[sflag:s28] =	ssyncadd.s32 $0xFFFFD900  }
0x7f: {  	s17 =	simm.s32 $0x40;
	s18 =	simm.s32 $0x0  }
.LBB2_5:
0x80: {  	p3 =	sne.s32 s17, $0x1F00;
	[tilespmem:s18+$0x1EE78] =	vst v1;
	s18 =	smov.u32 s17;
	s17 =	sadd.s32 $0x40, s17  }
.Ltmp5:
0x81: {  	(pc) =	sbr.rel @p3 .LBB2_5-.Ltmp5, $2  }
0x82: {  	_ =	sdelay $0x2  }
0x83: {  	s18 =	sshra.s32 s18, $0x2  }
0x84: {  	[tilespmem:s18+$0x1EE78] =	vst v1;
	s10 =	simm.s32 $0x1EE78  }
0x85: {  	[spmem:s2] =	stream.linear.scatter [tilespmem:s10], [sflag:$0x10], $0x7D0, $0x38;
	[tilespmem:$0x1F678] =	vst v63  }
0x86: {  	_ =	swait.ge [sflag:s28], $0x7D0  }
0x87: {  	[sflag:s28] =	ssyncset.done $0x0  }
0x88: {  	s8 =	rddreg [dreg:$0xe];
	[sflag:s28] =	ssyncadd.s32 $0xFFFFF830  }
0x89: {  	[spmem:s8] =	stream.linear.scatter [tilespmem:s10], [sflag:$0x10], $0x7D0, $0x38;
	[tilespmem:$0x1F678] =	vst v63  }
0x8a: {  	_ =	swait.ge [sflag:s28], $0x7D0  }
0x8b: {  	[sflag:s28] =	ssyncset.done $0x0  }
0x8c: {  	s15 =	rddreg [dreg:$0xf];
	[sflag:s28] =	ssyncadd.s32 $0xFFFFF830  }
0x8d: {  	[spmem:s15] =	stream.linear.scatter [tilespmem:s10], [sflag:$0x10], $0x7D0, $0x38;
	[tilespmem:$0x1F678] =	vst v63  }
0x8e: {  	_ =	swait.ge [sflag:s28], $0x7D0  }
0x8f: {  	[sflag:s28] =	ssyncset.done $0x0  }
0x90: {  	s17 =	rddreg [dreg:$0x10];
	[sflag:s28] =	ssyncadd.s32 $0xFFFFF830  }
0x91: {  	[spmem:s17] =	stream.linear.scatter [tilespmem:s10], [sflag:$0x10], $0x7D0, $0x38;
	[tilespmem:$0x1F678] =	vst v63  }
0x92: {  	_ =	swait.ge [sflag:s28], $0x7D0  }
0x93: {  	[sflag:s28] =	ssyncset.done $0x0  }
0x94: {  	s18 =	rddreg [dreg:$0x11];
	[sflag:s28] =	ssyncadd.s32 $0xFFFFF830  }
0x95: {  	[spmem:s18] =	stream.linear.scatter [tilespmem:s10], [sflag:$0x10], $0x7D0, $0x38;
	[tilespmem:$0x1F678] =	vst v63  }
0x96: {  	_ =	swait.ge [sflag:s28], $0x7D0  }
0x97: {  	[sflag:s28] =	ssyncset.done $0x0  }
0x98: {  	p3 =	por $0x1, $0x1;
	[sflag:s28] =	ssyncadd.s32 $0xFFFFF830  }
.LBB2_7:
0x99: {  	[bflag:$0x0] =	sbarrier.arrive $0xFFFF  }
0x9a: {  	[tilespmem:s4], [sflag:$0x1] =	stream.indirect.gather [hbm4b:s0+s31], $0x80, s16, s31, $0xb8;
	[tilespmem:$0x1F678] =	vst v63  }
0x9b: {  	s8 =	simm.s32 $0x13B20  }
0x9c: {  	[tilespmem:s9], [sflag:$0x2] =	stream.indirect.gather [hbm4b:s0+s31], $0x80, s8, s31, $0xb8;
	[tilespmem:$0x1F678] =	vst v63  }
0x9d: {  	s17 =	simm.s32 $0x13B48  }
0x9e: {  	[tilespmem:s29], [sflag:$0x3] =	stream.indirect.gather [hbm4b:s0+s31], $0x80, s17, s31, $0xb8;
	[tilespmem:$0x1F678] =	vst v63  }
0x9f: {  	s18 =	simm.s32 $0x13B70;
	s17 =	simm.s32 $0x0  }
0xa0: {  	[tilespmem:s11], [sflag:$0x4] =	stream.indirect.gather [hbm4b:s0+s31], $0x80, s18, s31, $0xb8;
	[tilespmem:$0x1F678] =	vst v63  }
.LBB2_8:
0xa1: {  	_ =	swait.ge [sflag:s30], $0x1400  }
0xa2: {  	s18 =	sshra.s32 s17, $0x2;
	[sflag:s30] =	ssyncset.done $0x0  }
0xa3: {  	p4 =	seq.s32 s17, $0x0;
	s8 =	sadd.s32 $0x16278, s18;
	[sflag:s30] =	ssyncadd.s32 $0xFFFFEC00  }
0xa4: {  	[spmem:s1] =	stream.indirect.scatter.add.f32 [tilespmem:s4], [sflag:$0x6], $0x80, s8, s31, $0xb8;
	[tilespmem:$0x1F678] =	vst v63  }
0xa5: {  	s10 =	simm.s32 @p4 $0x28;
	s15 =	simm.s32 @p4 $0x1EDF8  }
0xa6: {  	[spmem:s2] =	stream.indirect.scatter.add.f32 @p4 [tilespmem:s15], [sflag:$0xB], $0x1, s8, s10, $0xb8;
	[tilespmem:$0x1F678] =	vst v63  }
0xa7: {  	s10 =	simm.s32 @!p4 $0xF  }
0xa8: {  	_ =	swait.ge @!p4 [sflag:s10], $0x28  }
0xa9: {  	[sflag:s10] =	ssyncset.done @!p4 $0x0  }
0xaa: {  	s15 =	simm.s32 @!p4 $0x1EDF8;
	[sflag:s10] =	ssyncadd.s32 @!p4 $0xFFFFFFD8;
	s10 =	simm.s32 @!p4 $0x28  }
0xab: {  	[spmem:s2] =	stream.indirect.scatter.add.f32 @!p4 [tilespmem:s15], [sflag:$0xB], $0x1, s8, s10, $0xb8;
	[tilespmem:$0x1F678] =	vst v63  }
0xac: {  	s8 =	simm.s32 @!p4 $0xA  }
0xad: {  	_ =	swait.ge @!p4 [sflag:s8], $0x1400  }
0xae: {  	[sflag:s8] =	ssyncset.done @!p4 $0x0  }
0xaf: {  	s10 =	sadd.s32 $0x13B98, s18;
	[sflag:s8] =	ssyncadd.s32 @!p4 $0xFFFFEC00  }
0xb0: {  	[tilespmem:s3], [sflag:$0x5] =	stream.indirect.gather [hbm4b:s0+s31], $0x80, s10, s31, $0xb8;
	[tilespmem:$0x1F678] =	vst v63  }
0xb1: {  	_ =	swait.ge [sflag:s6], $0x1400  }
0xb2: {  	[sflag:s6] =	ssyncset.done $0x0  }
0xb3: {  	s15 =	sadd.s32 $0x162A0, s18;
	[sflag:s6] =	ssyncadd.s32 $0xFFFFEC00  }
0xb4: {  	[spmem:s1] =	stream.indirect.scatter.add.f32 [tilespmem:s9], [sflag:$0x7], $0x80, s15, s31, $0xb8;
	[tilespmem:$0x1F678] =	vst v63  }
0xb5: {  	_ =	swait.ge [sflag:s7], $0x28  }
0xb6: {  	[sflag:s7] =	ssyncset.done $0x0  }
0xb7: {  	[sflag:s7] =	ssyncadd.s32 $0xFFFFFFD8  }
0xb8: {  	[spmem:s2] =	stream.indirect.scatter.add.f32 [tilespmem:s12], [sflag:$0xC], $0x1, s15, s31, $0xb8;
	[tilespmem:$0x1F678] =	vst v63  }
0xb9: {  	p4 =	seq.s32 s17, $0x9920;
	_ =	swait.ge [sflag:s13], $0x1400  }
0xba: {  	s8 =	sshra.s32 @!p4 s17, $0x2;
	s16 =	simm.s32 @!p4 $0x189F8;
	[sflag:s13] =	ssyncset.done $0x0  }
0xbb: {  	s10 =	sadd.s32 @!p4 $0x13BC0, s8;
	s15 =	simm.s32 @!p4 $0x28;
	[sflag:s13] =	ssyncadd.s32 $0xFFFFEC00  }
0xbc: {  	[tilespmem:s16], [sflag:$0x1] =	stream.indirect.gather @!p4 [hbm4b:s0+s15], $0x80, s10, s15, $0xb8;
	[tilespmem:$0x1F678] =	vst v63  }
0xbd: {  	_ =	swait.ge [sflag:s14], $0x1400  }
0xbe: {  	[sflag:s14] =	ssyncset.done $0x0  }
0xbf: {  	s16 =	sadd.s32 $0x162C8, s18;
	[sflag:s14] =	ssyncadd.s32 $0xFFFFEC00  }
0xc0: {  	[spmem:s1] =	stream.indirect.scatter.add.f32 [tilespmem:s29], [sflag:$0x8], $0x80, s16, s31, $0xb8;
	[tilespmem:$0x1F678] =	vst v63  }
0xc1: {  	_ =	swait.ge [sflag:s19], $0x28  }
0xc2: {  	[sflag:s19] =	ssyncset.done $0x0  }
0xc3: {  	[sflag:s19] =	ssyncadd.s32 $0xFFFFFFD8  }
0xc4: {  	[spmem:s2] =	stream.indirect.scatter.add.f32 [tilespmem:s12], [sflag:$0xD], $0x1, s16, s31, $0xb8;
	[tilespmem:$0x1F678] =	vst v63  }
0xc5: {  	_ =	swait.ge [sflag:s20], $0x1400  }
0xc6: {  	[sflag:s20] =	ssyncset.done $0x0  }
0xc7: {  	s10 =	sadd.s32 @!p4 $0x13BE8, s8;
	s16 =	simm.s32 @!p4 $0x19DF8;
	[sflag:s20] =	ssyncadd.s32 $0xFFFFEC00  }
0xc8: {  	[tilespmem:s16], [sflag:$0x2] =	stream.indirect.gather @!p4 [hbm4b:s0+s15], $0x80, s10, s15, $0xb8;
	[tilespmem:$0x1F678] =	vst v63  }
0xc9: {  	_ =	swait.ge [sflag:s24], $0x1400  }
0xca: {  	[sflag:s24] =	ssyncset.done $0x0  }
0xcb: {  	s16 =	sadd.s32 $0x162F0, s18;
	[sflag:s24] =	ssyncadd.s32 $0xFFFFEC00  }
0xcc: {  	[spmem:s1] =	stream.indirect.scatter.add.f32 [tilespmem:s11], [sflag:$0x9], $0x80, s16, s31, $0xb8;
	[tilespmem:$0x1F678] =	vst v63  }
0xcd: {  	_ =	swait.ge [sflag:s21], $0x28  }
0xce: {  	[sflag:s21] =	ssyncset.done $0x0  }
0xcf: {  	[sflag:s21] =	ssyncadd.s32 $0xFFFFFFD8  }
0xd0: {  	[spmem:s2] =	stream.indirect.scatter.add.f32 [tilespmem:s12], [sflag:$0xE], $0x1, s16, s31, $0xb8;
	[tilespmem:$0x1F678] =	vst v63  }
0xd1: {  	_ =	swait.ge [sflag:s25], $0x1400  }
0xd2: {  	[sflag:s25] =	ssyncset.done $0x0  }
0xd3: {  	s8 =	sadd.s32 @!p4 $0x13C10, s8;
	s10 =	simm.s32 @!p4 $0x1B1F8;
	[sflag:s25] =	ssyncadd.s32 $0xFFFFEC00  }
0xd4: {  	[tilespmem:s10], [sflag:$0x3] =	stream.indirect.gather @!p4 [hbm4b:s0+s15], $0x80, s8, s15, $0xb8;
	[tilespmem:$0x1F678] =	vst v63  }
0xd5: {  	_ =	swait.ge [sflag:s22], $0x1400  }
0xd6: {  	[sflag:s22] =	ssyncset.done $0x0  }
0xd7: {  	s16 =	sadd.s32 $0x16318, s18;
	[sflag:s22] =	ssyncadd.s32 $0xFFFFEC00  }
0xd8: {  	[spmem:s1] =	stream.indirect.scatter.add.f32 [tilespmem:s3], [sflag:$0xA], $0x80, s16, s31, $0xb8;
	[tilespmem:$0x1F678] =	vst v63  }
0xd9: {  	_ =	swait.ge [sflag:s23], $0x28  }
0xda: {  	[sflag:s23] =	ssyncset.done $0x0  }
.Ltmp6:
0xdb: {  	[sflag:s23] =	ssyncadd.s32 $0xFFFFFFD8;
	(pc) =	sbr.rel @p4 .LBB2_10-.Ltmp6, $4  }
0xdc: {  	[spmem:s2] =	stream.indirect.scatter.add.f32 [tilespmem:s12], [sflag:$0xF], $0x1, s16, s31, $0xb8;
	[tilespmem:$0x1F678] =	vst v63  }
0xdd: {  	_ =	swait.ge [sflag:s26], $0x1400  }
0xde: {  	[sflag:s26] =	ssyncset.done $0x0  }
0xdf: {  	[sflag:s26] =	ssyncadd.s32 $0xFFFFEC00  }
.Ltmp7:
0xe0: {  	(pc) =	sbr.rel .LBB2_8-.Ltmp7, $3  }
0xe1: {  	_ =	sdelay $0x1  }
0xe2: {  	s8 =	sadd.s32 $0x13C38, s18;
	s17 =	sadd.s32 $0x320, s17  }
0xe3: {  	[tilespmem:s11], [sflag:$0x4] =	stream.indirect.gather [hbm4b:s0+s31], $0x80, s8, s31, $0xb8;
	[tilespmem:$0x1F678] =	vst v63  }
.LBB2_11:
0xe4: {  	_ =	sfence.sel $0x180000  }
0xe5: {  	[bflag:$0x0] =	sbarrier.arrive $0xFFFF  }
0xe6: {  	_ =	strace $0x90000047  }
0xe7: {  	[bflag:$0x2] =	sbarrier.arrive $0xFFFF  }
0xe8: {  	s0 =	rddreg [dreg:$0x4]  }
0xe9: {  	s0 =	sadd.s32 @!p0 $0x100000, s0  }
0xea: {  	[sflag:s0] =	ssyncadd.tile.s32 @!p0 $0x1;
	_ =	shalt  }
.Lfunc_end2:
_tile_overlayer_lowered:
.L_overlay_start_2:
0xeb: {  	(tag) =	ssettag $0x2  }
0xec: {  	s0 =	rddreg [dreg:$0x0];
	s2 =	stileid.u32  }
0xed: {  	s1 =	rddreg [dreg:$0x1];
	p0 =	sne.s32 s2, $0x0  }
0xee: {  	s3 =	rddreg [dreg:$0x2];
	[bflag:$0x3] =	sbarrier.arrive $0xFFFF;
	s2 =	simm.s32 @!p0 $0x1C10  }
0xef: {  	[timem:s3], [sflag:s2] =	dma.local @!p0 [hbm:s0], s1  }
0xf0: {  	s0 =	simm.s32 @!p0 $0x10  }
0xf1: {  	_ =	swait.ge @!p0 [sflag:s0], s1  }
0xf2: {  	s1 =	ssub.s32 @!p0 $0x0, s1;
	[sflag:s0] =	ssyncset.done @!p0 $0x0  }
0xf3: {  	[sflag:s0] =	ssyncadd.s32 @!p0 s1  }
0xf4: {  	[bflag:$0x3] =	sbarrier.arrive $0xFFFF  }
0xf5: {  	_ =	shalt  }

// kernel: kernel.9.cloned.1.call-start
scs
__scs_entry_jumppad:
0x0: {  	(pc) =	sbr.rel $0x88, $3  }
0x1: {  	(tag) =	ssettag $0x0;
	lr =	simm.s32 $0x1  }
0x2: {  	[smem:$0x3F96] =	sst lr;
	_ =	strace $0xD0000000  }
0x3: {  	_ = 	snop  }
0x4: {  	_ = 	snop  }
0x5: {  	_ = 	snop  }
0x6: {  	_ = 	snop  }
0x7: {  	_ = 	snop  }
__scs_overlays_trampoline_lowered:
0x8: {  	[smem:$0x3FA5] =	sst s0  }
0x9: {  	[smem:$0x3FA6] =	sst s1  }
0xa: {  	[smem:$0x3FA7] =	sst s2  }
0xb: {  	[smem:$0x3FA8] =	sst s3  }
0xc: {  	[smem:$0x3FA9] =	sst s4  }
0xd: {  	[smem:$0x3FAA] =	sst s5  }
0xe: {  	[smem:$0x3FAB] =	sst s6  }
0xf: {  	[smem:$0x3FAC] =	sst s7  }
0x10: {  	[smem:$0x3FAD] =	sst s8  }
0x11: {  	[smem:$0x3FAE] =	sst s9;
	s0 =	simm.s32 @!p0 $0x0  }
0x12: {  	s1 =	sld [smem:$0x3F94];
	s0 =	simm.s32 @p0 $0x1  }
0x13: {  	[smem:$0x3FAF] =	sst s0;
	s0 =	simm.s32 @!p1 $0x0  }
0x14: {  	s2 =	sld [smem:$0x3F93];
	s0 =	simm.s32 @p1 $0x1  }
0x15: {  	[smem:$0x3FB0] =	sst s0;
	s0 =	simm.s32 @!p2 $0x0  }
0x16: {  	s3 =	sld [smem:$0x3FDB];
	s0 =	simm.s32 @p2 $0x1  }
0x17: {  	s4 =	simm.s32 $0x1BF5;
	[smem:$0x3FB2] =	sst s0  }
0x18: {  	s0 =	sld [smem:$0x3F95];
	_ =	swait.ge [sflag:s4], $0x0  }
0x19: {  	s7 =	sld [smem:$0x3F96]  }
0x1a: {  	s8 =	sadd.s32 $0xFFFFE003, lr  }
0x1b: {  	s9 =	sadd.s32 $0xFFFFFEF7, lr;
	s5 =	simm.s32 $0xFFFFFFFF;
	p2 =	slt.u32 s8, $0xFFFFF086  }
0x1c: {  	p1 =	slt.u32 s9, $0xF7A;
	s5 =	simm.s32 @!p2 $0x0  }
0x1d: {  	s5 =	simm.s32 @p1 $0x1;
	p0 =	seq.s32 s7, s2  }
0x1e: {  	s7 =	smul.u32 @!p0 $0xF7A, s2;
	p2 =	seq.s32 @!p0 s5, $0x0  }
0x1f: {  	s9 =	smul.u32 $0xF7A, s1;
	s8 =	simm.s32 @!p0 $0x1BF5;
	p2 =	por !p2, p0  }
0x20: {  	[sflag:s8] =	ssyncset.s32 @!p0 $0xFFFFF086;
	s6 =	sadd.s32 @!p0 s3, s7;
	s7 =	simm.s32 @!p0 $0x108  }
0x21: {  	s3 =	sadd.s32 s3, s9;
	s6 =	sadd.s32 @!p0 $0x88, s6;
	s7 =	simm.s32 @p2 $0x1082  }
0x22: {  	[simem:s7], [sflag:s8] =	dma.local @!p0 [hbm:s6], $0xF7A  }
0x23: {  	s9 =	sor.u32 $0xD0000000, s2;
	s6 =	simm.s32 $0x108;
	_ =	swait.ge @!p0 [sflag:s8], $0x0  }
0x24: {  	s3 =	sadd.s32 $0x88, s3;
	s6 =	simm.s32 @!p1 $0x1082;
	[sflag:s4] =	ssyncset.s32 $0xFFFFF086  }
0x25: {  	[simem:s6], [sflag:s4] =	dma.local [hbm:s3], $0xF7A  }
0x26: {  	[smem:$0x3F96] =	sst s1;
	(tag) =	ssettag s2;
	_ =	strace s9  }
0x27: {  	s1 =	sld [smem:$0x3FA6]  }
0x28: {  	s2 =	sld [smem:$0x3FA7]  }
0x29: {  	s4 =	sld [smem:$0x3FA9]  }
0x2a: {  	p0 =	seq.s32 s5, $0x0;
	s5 =	sld [smem:$0x3FAA]  }
0x2b: {  	s6 =	sld [smem:$0x3FAB]  }
0x2c: {  	s7 =	sld [smem:$0x3FAC]  }
0x2d: {  	s3 =	simm.s32 $0x108;
	s8 =	sld [smem:$0x3FAD]  }
0x2e: {  	s3 =	simm.s32 @!p0 $0x1082;
	s9 =	sld [smem:$0x3FAE]  }
0x2f: {  	lr =	sadd.s32 s0, s3;
	s0 =	sld [smem:$0x3FA5]  }
0x30: {  	s3 =	sld [smem:$0x3FA8]  }
0x31: {  	[smem:$0x3FB1] =	sst s10  }
0x32: {  	s10 =	sld [smem:$0x3FAF];
	_ =	sdelay $0x3  }
0x33: {  	p0 =	seq.s32 s10, $0x1;
	s10 =	sld [smem:$0x3FB1];
	_ =	sdelay $0x3  }
0x34: {  	[smem:$0x3FB1] =	sst s10  }
0x35: {  	s10 =	sld [smem:$0x3FB0];
	_ =	sdelay $0x3  }
0x36: {  	p1 =	seq.s32 s10, $0x1;
	s10 =	sld [smem:$0x3FB1];
	_ =	sdelay $0x3  }
0x37: {  	[smem:$0x3FB1] =	sst s10  }
0x38: {  	s10 =	sld [smem:$0x3FB2]  }
0x39: {  	_ = 	snop;
	(pc) =	sbr.ind lr, $3  }
0x3a: {  	_ = 	snop  }
0x3b: {  	_ = 	snop  }
0x3c: {  	p2 =	seq.s32 s10, $0x1;
	s10 =	sld [smem:$0x3FB1]  }
0x3d: {  	_ =	shalt  }
0x3e: {  	_ =	shalt  }
0x3f: {  	_ =	shalt  }
0x40: {  	_ =	shalt  }
0x41: {  	_ =	shalt  }
0x42: {  	_ =	shalt  }
0x43: {  	_ =	shalt  }
0x44: {  	_ =	shalt  }
0x45: {  	_ =	shalt  }
0x46: {  	_ =	shalt  }
0x47: {  	_ =	shalt  }
0x48: {  	_ =	shalt  }
0x49: {  	_ =	shalt  }
0x4a: {  	_ =	shalt  }
0x4b: {  	_ =	shalt  }
0x4c: {  	_ =	shalt  }
0x4d: {  	_ =	shalt  }
0x4e: {  	_ =	shalt  }
0x4f: {  	_ =	shalt  }
0x50: {  	_ =	shalt  }
0x51: {  	_ =	shalt  }
0x52: {  	_ =	shalt  }
0x53: {  	_ =	shalt  }
0x54: {  	_ =	shalt  }
0x55: {  	_ =	shalt  }
0x56: {  	_ =	shalt  }
0x57: {  	_ =	shalt  }
0x58: {  	_ =	shalt  }
0x59: {  	_ =	shalt  }
0x5a: {  	_ =	shalt  }
0x5b: {  	_ =	shalt  }
0x5c: {  	_ =	shalt  }
0x5d: {  	_ =	shalt  }
0x5e: {  	_ =	shalt  }
0x5f: {  	_ =	shalt  }
0x60: {  	_ =	shalt  }
0x61: {  	_ =	shalt  }
0x62: {  	_ =	shalt  }
0x63: {  	_ =	shalt  }
0x64: {  	_ =	shalt  }
0x65: {  	_ =	shalt  }
0x66: {  	_ =	shalt  }
0x67: {  	_ =	shalt  }
0x68: {  	_ =	shalt  }
0x69: {  	_ =	shalt  }
0x6a: {  	_ =	shalt  }
0x6b: {  	_ =	shalt  }
0x6c: {  	_ =	shalt  }
0x6d: {  	_ =	shalt  }
0x6e: {  	_ =	shalt  }
0x6f: {  	_ =	shalt  }
0x70: {  	_ =	shalt  }
0x71: {  	_ =	shalt  }
0x72: {  	_ =	shalt  }
0x73: {  	_ =	shalt  }
0x74: {  	_ =	shalt  }
0x75: {  	_ =	shalt  }
0x76: {  	_ =	shalt  }
0x77: {  	_ =	shalt  }
0x78: {  	_ =	shalt  }
0x79: {  	_ =	shalt  }
0x7a: {  	_ =	shalt  }
0x7b: {  	_ =	shalt  }
0x7c: {  	_ =	shalt  }
0x7d: {  	_ =	shalt  }
0x7e: {  	_ =	shalt  }
0x7f: {  	_ =	shalt  }
0x80: {  	_ =	shalt  }
0x81: {  	_ =	shalt  }
0x82: {  	_ =	shalt  }
0x83: {  	_ =	shalt  }
0x84: {  	_ =	shalt  }
0x85: {  	_ =	shalt  }
0x86: {  	_ =	shalt  }
0x87: {  	_ =	shalt  }
.Lfunc_end0:
.L_simem_size_0:
called_computation.1_lowered:
.L_overlay_start_0:
0x88: {  	s2 =	sld [smem:$0x3FD9]  }
0x89: {  	s3 =	sld [smem:$0x3FFE];
	_ =	sdelay $0x1  }
0x8a: {  	s1 =	srdreg.scid  }
0x8b: {  	s0 =	sand.u32 $0x1, s1  }
0x8c: {  	s16 =	sshll.u32 s0, $0xA;
	s2 =	sadd.s32 s3, s2  }
0x8d: {  	s2 =	sadd.s32 s2, s16  }
0x8e: {  	[smem:$0x3FBD] =	sst s2  }
0x8f: {  	_ = 	snop  }
0x90: {  	(tm) =	ssettm $0x1  }
0x91: {  	s17 =	sld [smem:$0x3FFB];
	_ =	sdelay $0x3  }
0x92: {  	_ =	strace s17  }
0x93: {  	s2 =	sld [smem:$0x3FFC];
	_ =	sdelay $0x3  }
0x94: {  	_ =	strace s2  }
0x95: {  	s2 =	sld [smem:$0x3FFD];
	_ =	sdelay $0x3  }
0x96: {  	_ =	strace s2  }
0x97: {  	_ =	strace $0x8FFFFFFF  }
0x98: {  	s18 =	sld [smem:$0x3FDB];
	_ =	sdelay $0x1  }
0x99: {  	s19 =	simm.s32 $_scs_section_size  }
0x9a: {  	s4 =	simm.s32 $_size__tile_overlayer_lowered;
	s5 =	simm.s32 $_tile_overlayer_lowered  }
0x9b: {  	s22 =	simm.s32 $0x1BFF;
	s21 =	sshll.u32 s5, $0x1;
	s2 =	sadd.s32 s19, s18  }
0x9c: {  	s6 =	simm.s32 $0x0;
	s20 =	sshll.u32 s4, $0x1;
	s4 =	sadd.s32 s21, s2  }
0x9d: {  	[timem:s6], [sflag:s22] =	dma.local [hbm:s4], s20  }
0x9e: {  	_ =	swait.ge [sflag:s22], s20  }
0x9f: {  	s3 =	ssub.s32 $0x0, s20;
	[sflag:s22] =	ssyncset.done $0x0  }
0xa0: {  	[sflag:s22] =	ssyncadd.s32 s3;
	_ =	sdelay $0x1  }
0xa1: {  	s23 =	simm.s32 $0x1B8B  }
0xa2: {  	_ =	swait.ge [sflag:s23], $0x1  }
0xa3: {  	[sflag:s23] =	ssyncset.done $0x0  }
0xa4: {  	s25 =	simm.s32 $0x1B8E;
	s24 =	sld [smem:$0x3FFE];
	[sflag:s23] =	ssyncadd.s32 $0xFFFFFFFF  }
0xa5: {  	s26 =	simm.s32 $execute0_lowered;
	[smem:$0x3FD2] =	sst s25  }
0xa6: {  	s4 =	sshll.u32 s26, $0x1;
	_ =	strace $0x80000049;
	[dreg:$0x1] =	wrdreg $0xFFFFFFFF  }
0xa7: {  	s28 =	simm.s32 $_size_execute0_lowered;
	s2 =	sadd.s32 s2, s4;
	[dreg:$0x0] =	wrdreg $0x0  }
0xa8: {  	s4 =	sshll.u32 s28, $0x1;
	[dreg:$0x2] =	wrdreg s2  }
0xa9: {  	[dreg:$0x3] =	wrdreg s4  }
0xaa: {  	[dreg:$0x4] =	wrdreg $0xC0  }
0xab: {  	_ =	task [dreg:s6], $0x5FFFF  }
0xac: {  	[dreg:$0x1] =	wrdreg $0xFFFFFFFF  }
0xad: {  	[dreg:$0x0] =	wrdreg $0x60  }
0xae: {  	[dreg:$0x2] =	wrdreg s24  }
0xaf: {  	[dreg:$0x3] =	wrdreg $0x0  }
0xb0: {  	[dreg:$0x4] =	wrdreg $0x9  }
0xb1: {  	_ =	task.clear_ibuf [dreg:s6], $0x5FFFF;
	_ =	strace $0x90000049  }
0xb2: {  	s29 =	simm.s32 $0x9;
	_ =	strace $0x8000004B  }
0xb3: {  	_ =	swait.ge [sflag:s29], $0x1  }
0xb4: {  	[sflag:s29] =	ssyncadd.s32 $0xFFFFFFFF  }
0xb5: {  	_ =	strace $0x9000004B  }
0xb6: {  	_ =	sfence  }
0xb7: {  	s30 =	sld [smem:$0x0];
	_ =	sdelay $0x2  }
0xb8: {  	s31 =	sshll.u32 s1, $0xD;
	s1 =	sshrl.u32 s1, $0x2  }
0xb9: {  	s3 =	sand.u32 $0x4000, s31;
	s1 =	sadd.s32 s1, s30  }
0xba: {  	s0 =	sor.u32 s3, s0;
	s1 =	sshll.u32 s1, $0x11  }
0xbb: {  	s0 =	sor.u32 s1, s0  }
0xbc: {  	s0 =	sadd.s32 $0x8F2B, s0  }
0xbd: {  	[sflag:s0] =	ssyncadd.remote.s32 $0x1  }
0xbe: {  	_ =	sfence.sel $0xFFFF  }
0xbf: {  	[dreg:$0x0] =	wrdreg $0xFFFFFFFF;
	(pc) =	sbr.abs _section_cstart, $3  }
0xc0: {  	[dreg:$0x1] =	wrdreg $0xFFFFFFFF  }
0xc1: {  	_ =	task.clear_ibuf [dreg:s6], $0x2FFFF;
	_ =	strace $0x9FFFFFFF  }
0xc2: {  	(tm) =	ssettm $0x7FFFFFFF  }
0xc3: {  	_ =	shalt  }
tec
execute0_lowered:
.L_overlay_start_1:
0x0: {  	(tag) =	ssettag $0x1  }
0x1: {  	s0 =	rddreg [dreg:$0x0]  }
0x2: {  	s1 =	srdreg.scid;
	s11 =	stileid.u32;
	s14 =	simm.s32 $0x13880  }
0x3: {  	s15 =	simm.s32 $0xB;
	s16 =	simm.s32 $0x16000;
	s20 =	simm.s32 $0x28  }
0x4: {  	s21 =	simm.s32 $0x18780;
	s28 =	simm.s32 $0x1C380;
	s29 =	simm.s32 $0x1  }
0x5: {  	s31 =	simm.s32 $0x1D780;
	s30 =	simm.s32 $0x4;
	s6 =	smul.u32 $0x2700, s11  }
0x6: {  	s1 =	sand.u32 $0x1, s1;
	s2 =	sshrl.u32 s11, $0x2;
	s8 =	smul.u32 $0x4E000, s11  }
0x7: {  	s3 =	sshll.u32 s11, $0x8;
	s9 =	sadd.s32 $0xDA600, s0;
	s22 =	smul.u32 $0x13800, s11  }
0x8: {  	p0 =	seq.s32 s11, $0xF;
	s4 =	smul.u32 $0x13C00, s2;
	s5 =	sshll.u32 s1, $0x7  }
0x9: {  	s3 =	sand.u32 $0x300, s3;
	s2 =	rddreg [dreg:$0x1];
	s7 =	ssub.s32 $0x2, s1  }
0xa: {  	s1 =	smul.u32 $0x138800, s1;
	s5 =	sor.u32 s5, s3;
	s3 =	simm.s32 $0x0  }
0xb: {  	s6 =	sadd.s32 s6, s0;
	s10 =	sshrl.u32 s7, $0x1;
	s8 =	sshrl.u32 s8, $0x2  }
0xc: {  	s4 =	sor.u32 s4, s5;
	[smem:$0x7FF] =	sst s3;
	s7 =	ssub.s32 s7, s10  }
0xd: {  	s6 =	sadd.s32 $0x16600, s6;
	s23 =	sadd.s32 s22, s1;
	s1 =	sshrl.u32 s1, $0x3  }
0xe: {  	s22 =	simm.s32 $0x6;
	s5 =	sshrl.u32 s4, $0x3;
	_ =	strace $0x8000004A  }
0xf: {  	s4 =	sadd.s32 $0x3D800, s0;
	[dreg:$0x5] =	wrdreg s6;
	s6 =	sshrl.u32 s23, $0x3  }
0x10: {  	s1 =	sadd.s32 s9, s1;
	s26 =	smax.u32 s7, $0x1;
	s23 =	simm.s32 $0x19B80  }
0x11: {  	s7 =	simm.s32 $0xA;
	s5 =	sadd.s32 s5, s0;
	s0 =	sadd.s32 $0x3AF00, s0  }
0x12: {  	s24 =	sadd.s32 s9, s6;
	s25 =	sadd.s32 $0x24900, s1;
	[dreg:$0x9] =	wrdreg s26  }
0x13: {  	s1 =	simm.s32 $0x2;
	s26 =	simm.s32 $0x3;
	[dreg:$0x6] =	wrdreg s0  }
0x14: {  	s6 =	simm.s32 $0x9;
	s12 =	sadd.s32 $0x2A00, s5;
	[dreg:$0x7] =	wrdreg s24  }
.Ltmp0:
0x15: {  	s5 =	sadd.s32 $0xC800, s5;
	[dreg:$0x8] =	wrdreg s25;
	(pc) =	sbr.rel .LBB2_1-.Ltmp0, $4  }
0x16: {  	s0 =	sshll.u32 @!p0 s11, $0x6;
	s25 =	simm.s32 $0x1AF80;
	[dreg:$0x3] =	wrdreg s12  }
0x17: {  	s24 =	simm.s32 $0x8;
	[dreg:$0x4] =	wrdreg s5;
	s5 =	sadd.s32 s8, s2  }
0x18: {  	s8 =	sadd.s32 $0x124800, s2;
	s18 =	sor.u32 @!p0 $0x1C0B, s0;
	s0 =	simm.s32 $0x7  }
0x19: {  	s17 =	sshrl.u32 @p0 s8, $0x3;
	s19 =	sshrl.u32 @!p0 s5, $0x3;
	s5 =	simm.s32 $0x5  }
.LBB2_4:
0x1a: {  	_ =	swait.ge [sflag:s5], $0x1400  }
0x1b: {  	[sflag:s5] =	ssyncset.done $0x0  }
0x1c: {  	[sflag:s5] =	ssyncadd.s32 $0xFFFFEC00  }
0x1d: {  	[spmem:s2] =	stream.indirect.scatter.add.f32 [tilespmem:s31], [sflag:$0xA], $0x80, s12, s20, $0xb8;
	[tilespmem:$0x1EB80] =	vst v63  }
0x1e: {  	_ =	swait.ge [sflag:s6], $0x1400  }
0x1f: {  	[sflag:s6] =	ssyncset.done $0x0  }
0x20: {  	[sflag:s6] =	ssyncadd.s32 $0xFFFFEC00  }
0x21: {  	_ =	swait.ge [sflag:s7], $0x1400  }
0x22: {  	[sflag:s7] =	ssyncset.done $0x0  }
0x23: {  	[sflag:s7] =	ssyncadd.s32 $0xFFFFEC00  }
0x24: {  	[bflag:$0x0] =	sbarrier.arrive $0xFFFF  }
0x25: {  	s8 =	simm.s32 @p0 $0x1FCB;
	s9 =	rddreg [dreg:$0x8]  }
0x26: {  	[hbm:s9], [sflag:s8] =	dma.local @p0 [spmem:s17], $0x2800  }
0x27: {  	s8 =	simm.s32 @p0 $0xB  }
0x28: {  	_ =	swait.ge @p0 [sflag:s8], $0x2800  }
0x29: {  	[sflag:s8] =	ssyncset.done @p0 $0x0  }
0x2a: {  	[sflag:s8] =	ssyncadd.s32 @p0 $0xFFFFD800;
	s8 =	rddreg [dreg:$0x7]  }
0x2b: {  	[hbm:s8], [sflag:s18] =	dma.local @!p0 [spmem:s19], $0x2700  }
0x2c: {  	s8 =	simm.s32 @!p0 $0xB  }
0x2d: {  	_ =	swait.ge @!p0 [sflag:s8], $0x2700  }
0x2e: {  	s3 =	sadd.s32 $0x1, s3;
	s13 =	rddreg [dreg:$0x9]  }
0x2f: {  	p1 =	sne.s32 s3, s13  }
.Ltmp1:
0x30: {  	_ = 	snop;
	(pc) =	sbr.rel @!p1 .LBB2_5-.Ltmp1, $3  }
0x31: {  	_ =	sdelay $0x1  }
0x32: {  	[sflag:s8] =	ssyncset.done @!p0 $0x0  }
0x33: {  	[sflag:s8] =	ssyncadd.s32 @!p0 $0xFFFFD900  }
.LBB2_1:
0x34: {  	s8 =	rddreg [dreg:$0x3];
	s9 =	simm.s32 $0x80;
	s10 =	simm.s32 $0x400  }
0x35: {  	[tilespmem:s14], [sflag:$0xB] =	stream.strided.gather [hbm4b:s8+s9], $0x2780, s10, s9, $0x38;
	[tilespmem:$0x1EB80] =	vst v63  }
0x36: {  	_ =	swait.ge [sflag:s15], $0x2780  }
0x37: {  	[sflag:s15] =	ssyncset.done $0x0  }
0x38: {  	s11 =	rddreg [dreg:$0x4];
	[sflag:s15] =	ssyncadd.s32 $0xFFFFD880  }
0x39: {  	[tilespmem:s16], [sflag:$0xB] =	stream.strided.gather [hbm4b:s11+s9], $0x2780, s10, s9, $0x38;
	[tilespmem:$0x1EB80] =	vst v63  }
0x3a: {  	_ =	swait.ge [sflag:s15], $0x2780  }
0x3b: {  	[sflag:s15] =	ssyncset.done $0x0  }
0x3c: {  	s8 =	simm.s32 @p0 $0x1FCB;
	s9 =	rddreg [dreg:$0x6];
	[sflag:s15] =	ssyncadd.s32 $0xFFFFD880  }
0x3d: {  	[spmem:s17], [sflag:s8] =	dma.local @p0 [hbm:s9], $0x2800  }
0x3e: {  	s8 =	simm.s32 @p0 $0xB  }
0x3f: {  	_ =	swait.ge @p0 [sflag:s8], $0x2800  }
0x40: {  	[sflag:s8] =	ssyncset.done @p0 $0x0  }
0x41: {  	[sflag:s8] =	ssyncadd.s32 @p0 $0xFFFFD800;
	s8 =	rddreg [dreg:$0x5]  }
0x42: {  	[spmem:s19], [sflag:s18] =	dma.local @!p0 [hbm:s8], $0x2700  }
0x43: {  	s8 =	simm.s32 @!p0 $0xB  }
0x44: {  	_ =	swait.ge @!p0 [sflag:s8], $0x2700  }
0x45: {  	[sflag:s8] =	ssyncset.done @!p0 $0x0  }
0x46: {  	[sflag:s8] =	ssyncadd.s32 @!p0 $0xFFFFD900  }
0x47: {  	[bflag:$0x0] =	sbarrier.arrive $0xFFFF  }
0x48: {  	[tilespmem:s21], [sflag:$0x1] =	stream.indirect.gather [hbm4b:s4+s20], $0x80, s14, s20, $0xb8;
	[tilespmem:$0x1EB80] =	vst v63  }
0x49: {  	s12 =	simm.s32 $0x138A8  }
0x4a: {  	[tilespmem:s23], [sflag:$0x2] =	stream.indirect.gather [hbm4b:s4+s20], $0x80, s12, s20, $0xb8;
	[tilespmem:$0x1EB80] =	vst v63  }
0x4b: {  	s13 =	simm.s32 $0x138D0  }
0x4c: {  	[tilespmem:s25], [sflag:$0x3] =	stream.indirect.gather [hbm4b:s4+s20], $0x80, s13, s20, $0xb8;
	[tilespmem:$0x1EB80] =	vst v63  }
0x4d: {  	s9 =	simm.s32 $0x138F8  }
0x4e: {  	[tilespmem:s28], [sflag:$0x4] =	stream.indirect.gather [hbm4b:s4+s20], $0x80, s9, s20, $0xb8;
	[tilespmem:$0x1EB80] =	vst v63  }
0x4f: {  	_ =	swait.ge [sflag:s29], $0x1400  }
0x50: {  	[sflag:s29] =	ssyncset.done $0x0  }
0x51: {  	[sflag:s29] =	ssyncadd.s32 $0xFFFFEC00  }
0x52: {  	[spmem:s2] =	stream.indirect.scatter.add.f32 [tilespmem:s21], [sflag:$0x6], $0x80, s16, s20, $0xb8;
	[tilespmem:$0x1EB80] =	vst v63  }
0x53: {  	s10 =	simm.s32 $0x13920  }
0x54: {  	[tilespmem:s31], [sflag:$0x5] =	stream.indirect.gather [hbm4b:s4+s20], $0x80, s10, s20, $0xb8;
	[tilespmem:$0x1EB80] =	vst v63  }
0x55: {  	_ =	swait.ge [sflag:s1], $0x1400  }
0x56: {  	[sflag:s1] =	ssyncset.done $0x0  }
0x57: {  	s11 =	simm.s32 $0x16028;
	[sflag:s1] =	ssyncadd.s32 $0xFFFFEC00  }
0x58: {  	[spmem:s2] =	stream.indirect.scatter.add.f32 [tilespmem:s23], [sflag:$0x7], $0x80, s11, s20, $0xb8;
	[tilespmem:$0x1EB80] =	vst v63  }
0x59: {  	_ =	swait.ge [sflag:s22], $0x1400  }
0x5a: {  	[sflag:s22] =	ssyncset.done $0x0  }
0x5b: {  	s12 =	simm.s32 $0x13948;
	[sflag:s22] =	ssyncadd.s32 $0xFFFFEC00  }
0x5c: {  	[tilespmem:s21], [sflag:$0x1] =	stream.indirect.gather [hbm4b:s4+s20], $0x80, s12, s20, $0xb8;
	[tilespmem:$0x1EB80] =	vst v63  }
0x5d: {  	_ =	swait.ge [sflag:s26], $0x1400  }
0x5e: {  	[sflag:s26] =	ssyncset.done $0x0  }
0x5f: {  	s13 =	simm.s32 $0x16050;
	[sflag:s26] =	ssyncadd.s32 $0xFFFFEC00  }
0x60: {  	[spmem:s2] =	stream.indirect.scatter.add.f32 [tilespmem:s25], [sflag:$0x8], $0x80, s13, s20, $0xb8;
	[tilespmem:$0x1EB80] =	vst v63  }
0x61: {  	_ =	swait.ge [sflag:s0], $0x1400  }
0x62: {  	[sflag:s0] =	ssyncset.done $0x0  }
0x63: {  	s9 =	simm.s32 $0x13970;
	[sflag:s0] =	ssyncadd.s32 $0xFFFFEC00  }
0x64: {  	[tilespmem:s23], [sflag:$0x2] =	stream.indirect.gather [hbm4b:s4+s20], $0x80, s9, s20, $0xb8;
	[tilespmem:$0x1EB80] =	vst v63  }
0x65: {  	_ =	swait.ge [sflag:s30], $0x1400  }
0x66: {  	[sflag:s30] =	ssyncset.done $0x0  }
0x67: {  	s10 =	simm.s32 $0x16078;
	[sflag:s30] =	ssyncadd.s32 $0xFFFFEC00  }
0x68: {  	[spmem:s2] =	stream.indirect.scatter.add.f32 [tilespmem:s28], [sflag:$0x9], $0x80, s10, s20, $0xb8;
	[tilespmem:$0x1EB80] =	vst v63  }
0x69: {  	_ =	swait.ge [sflag:s24], $0x1400  }
0x6a: {  	[sflag:s24] =	ssyncset.done $0x0  }
0x6b: {  	s11 =	simm.s32 $0x13998;
	[sflag:s24] =	ssyncadd.s32 $0xFFFFEC00  }
0x6c: {  	[tilespmem:s25], [sflag:$0x3] =	stream.indirect.gather [hbm4b:s4+s20], $0x80, s11, s20, $0xb8;
	[tilespmem:$0x1EB80] =	vst v63  }
0x6d: {  	_ =	swait.ge [sflag:s5], $0x1400  }
0x6e: {  	[sflag:s5] =	ssyncset.done $0x0  }
0x6f: {  	s12 =	simm.s32 $0x160A0;
	[sflag:s5] =	ssyncadd.s32 $0xFFFFEC00  }
0x70: {  	[spmem:s2] =	stream.indirect.scatter.add.f32 [tilespmem:s31], [sflag:$0xA], $0x80, s12, s20, $0xb8;
	[tilespmem:$0x1EB80] =	vst v63  }
0x71: {  	_ =	swait.ge [sflag:s6], $0x1400  }
0x72: {  	[sflag:s6] =	ssyncset.done $0x0  }
0x73: {  	s8 =	simm.s32 $0x0;
	s13 =	simm.s32 $0x139C0;
	[sflag:s6] =	ssyncadd.s32 $0xFFFFEC00  }
0x74: {  	[tilespmem:s28], [sflag:$0x4] =	stream.indirect.gather [hbm4b:s4+s20], $0x80, s13, s20, $0xb8;
	[tilespmem:$0x1EB80] =	vst v63  }
.LBB2_2:
0x75: {  	_ =	swait.ge [sflag:s29], $0x1400  }
0x76: {  	s9 =	sshra.s32 s8, $0x2;
	[sflag:s29] =	ssyncset.done $0x0  }
0x77: {  	s12 =	sadd.s32 $0x160C8, s9;
	[sflag:s29] =	ssyncadd.s32 $0xFFFFEC00  }
0x78: {  	[spmem:s2] =	stream.indirect.scatter.add.f32 [tilespmem:s21], [sflag:$0x6], $0x80, s12, s20, $0xb8;
	[tilespmem:$0x1EB80] =	vst v63  }
0x79: {  	_ =	swait.ge [sflag:s7], $0x1400  }
0x7a: {  	[sflag:s7] =	ssyncset.done $0x0  }
0x7b: {  	s10 =	sadd.s32 $0x139E8, s9;
	[sflag:s7] =	ssyncadd.s32 $0xFFFFEC00  }
0x7c: {  	[tilespmem:s31], [sflag:$0x5] =	stream.indirect.gather [hbm4b:s4+s20], $0x80, s10, s20, $0xb8;
	[tilespmem:$0x1EB80] =	vst v63  }
0x7d: {  	_ =	swait.ge [sflag:s1], $0x1400  }
0x7e: {  	[sflag:s1] =	ssyncset.done $0x0  }
0x7f: {  	s11 =	sadd.s32 $0x160F0, s9;
	[sflag:s1] =	ssyncadd.s32 $0xFFFFEC00  }
0x80: {  	[spmem:s2] =	stream.indirect.scatter.add.f32 [tilespmem:s23], [sflag:$0x7], $0x80, s11, s20, $0xb8;
	[tilespmem:$0x1EB80] =	vst v63  }
0x81: {  	_ =	swait.ge [sflag:s22], $0x1400  }
0x82: {  	p1 =	seq.s32 s8, $0x9600;
	[sflag:s22] =	ssyncset.done $0x0  }
0x83: {  	s12 =	simm.s32 @p1 $0x3;
	[sflag:s22] =	ssyncadd.s32 $0xFFFFEC00  }
0x84: {  	_ =	swait.ge @p1 [sflag:s12], $0x1400  }
0x85: {  	[sflag:s12] =	ssyncset.done @p1 $0x0  }
0x86: {  	[sflag:s12] =	ssyncadd.s32 @p1 $0xFFFFEC00;
	s12 =	sshra.s32 @p1 s8, $0x2  }
0x87: {  	s13 =	simm.s32 @p1 $0x1AF80;
	s10 =	simm.s32 @p1 $0x28;
	s12 =	sadd.s32 @p1 $0x16118, s12  }
0x88: {  	[spmem:s2] =	stream.indirect.scatter.add.f32 @p1 [tilespmem:s13], [sflag:$0x8], $0x80, s12, s10, $0xb8;
	[tilespmem:$0x1EB80] =	vst v63  }
0x89: {  	s10 =	simm.s32 @p1 $0x7  }
0x8a: {  	_ =	swait.ge @p1 [sflag:s10], $0x1400  }
0x8b: {  	[sflag:s10] =	ssyncset.done @p1 $0x0  }
0x8c: {  	[sflag:s10] =	ssyncadd.s32 @p1 $0xFFFFEC00;
	s10 =	sshra.s32 @!p1 s8, $0x2  }
0x8d: {  	s11 =	simm.s32 @!p1 $0x18780;
	s13 =	simm.s32 @!p1 $0x28;
	s12 =	sadd.s32 @!p1 $0x13A10, s10  }
0x8e: {  	[tilespmem:s11], [sflag:$0x1] =	stream.indirect.gather @!p1 [hbm4b:s4+s13], $0x80, s12, s13, $0xb8;
	[tilespmem:$0x1EB80] =	vst v63  }
0x8f: {  	s11 =	simm.s32 @!p1 $0x3  }
0x90: {  	_ =	swait.ge @!p1 [sflag:s11], $0x1400  }
0x91: {  	[sflag:s11] =	ssyncset.done @!p1 $0x0  }
0x92: {  	s12 =	simm.s32 @!p1 $0x1AF80;
	[sflag:s11] =	ssyncadd.s32 @!p1 $0xFFFFEC00;
	s11 =	sadd.s32 @!p1 $0x16118, s10  }
0x93: {  	[spmem:s2] =	stream.indirect.scatter.add.f32 @!p1 [tilespmem:s12], [sflag:$0x8], $0x80, s11, s13, $0xb8;
	[tilespmem:$0x1EB80] =	vst v63  }
0x94: {  	s11 =	simm.s32 @!p1 $0x7  }
0x95: {  	_ =	swait.ge @!p1 [sflag:s11], $0x1400  }
0x96: {  	[sflag:s11] =	ssyncset.done @!p1 $0x0  }
0x97: {  	s10 =	sadd.s32 @!p1 $0x13A38, s10;
	[sflag:s11] =	ssyncadd.s32 @!p1 $0xFFFFEC00;
	s11 =	simm.s32 @!p1 $0x19B80  }
0x98: {  	[tilespmem:s11], [sflag:$0x2] =	stream.indirect.gather @!p1 [hbm4b:s4+s13], $0x80, s10, s13, $0xb8;
	[tilespmem:$0x1EB80] =	vst v63  }
0x99: {  	_ =	swait.ge [sflag:s30], $0x1400  }
0x9a: {  	[sflag:s30] =	ssyncset.done $0x0  }
.Ltmp2:
0x9b: {  	s13 =	sadd.s32 $0x16140, s9;
	[sflag:s30] =	ssyncadd.s32 $0xFFFFEC00;
	(pc) =	sbr.rel @p1 .LBB2_4-.Ltmp2, $4  }
0x9c: {  	[spmem:s2] =	stream.indirect.scatter.add.f32 [tilespmem:s28], [sflag:$0x9], $0x80, s13, s20, $0xb8;
	[tilespmem:$0x1EB80] =	vst v63  }
0x9d: {  	_ =	swait.ge [sflag:s24], $0x1400  }
0x9e: {  	[sflag:s24] =	ssyncset.done $0x0  }
0x9f: {  	s12 =	sadd.s32 $0x16168, s9;
	[sflag:s24] =	ssyncadd.s32 $0xFFFFEC00  }
0xa0: {  	s10 =	sadd.s32 $0x13A60, s9  }
0xa1: {  	[tilespmem:s25], [sflag:$0x3] =	stream.indirect.gather [hbm4b:s4+s20], $0x80, s10, s20, $0xb8;
	[tilespmem:$0x1EB80] =	vst v63  }
0xa2: {  	_ =	swait.ge [sflag:s5], $0x1400  }
0xa3: {  	[sflag:s5] =	ssyncset.done $0x0  }
0xa4: {  	[sflag:s5] =	ssyncadd.s32 $0xFFFFEC00  }
0xa5: {  	[spmem:s2] =	stream.indirect.scatter.add.f32 [tilespmem:s31], [sflag:$0xA], $0x80, s12, s20, $0xb8;
	[tilespmem:$0x1EB80] =	vst v63  }
.Ltmp3:
0xa6: {  	_ = 	snop;
	(pc) =	sbr.rel .LBB2_2-.Ltmp3, $4  }
0xa7: {  	_ =	swait.ge [sflag:s6], $0x1400  }
0xa8: {  	[sflag:s6] =	ssyncset.done $0x0  }
0xa9: {  	s13 =	sadd.s32 $0x13A88, s9;
	s8 =	sadd.s32 $0x320, s8;
	[sflag:s6] =	ssyncadd.s32 $0xFFFFEC00  }
0xaa: {  	[tilespmem:s28], [sflag:$0x4] =	stream.indirect.gather [hbm4b:s4+s20], $0x80, s13, s20, $0xb8;
	[tilespmem:$0x1EB80] =	vst v63  }
.LBB2_5:
0xab: {  	_ =	sfence.sel $0x180000  }
0xac: {  	[bflag:$0x0] =	sbarrier.arrive $0xFFFF  }
0xad: {  	_ =	strace $0x9000004A  }
0xae: {  	s0 =	stileid.u32;
	[bflag:$0x2] =	sbarrier.arrive $0xFFFF  }
0xaf: {  	p0 =	sne.s32 s0, $0x0;
	s0 =	rddreg [dreg:$0x2]  }
0xb0: {  	s0 =	sadd.s32 @!p0 $0x100000, s0  }
0xb1: {  	[sflag:s0] =	ssyncadd.tile.s32 @!p0 $0x1;
	_ =	shalt  }
.Lfunc_end2:
_tile_overlayer_lowered:
.L_overlay_start_2:
0xb2: {  	(tag) =	ssettag $0x2  }
0xb3: {  	s0 =	rddreg [dreg:$0x0];
	s2 =	stileid.u32  }
0xb4: {  	s1 =	rddreg [dreg:$0x1];
	p0 =	sne.s32 s2, $0x0  }
0xb5: {  	s3 =	rddreg [dreg:$0x2];
	[bflag:$0x3] =	sbarrier.arrive $0xFFFF;
	s2 =	simm.s32 @!p0 $0x1C0B  }
0xb6: {  	[timem:s3], [sflag:s2] =	dma.local @!p0 [hbm:s0], s1  }
0xb7: {  	s0 =	simm.s32 @!p0 $0xB  }
0xb8: {  	_ =	swait.ge @!p0 [sflag:s0], s1  }
0xb9: {  	s1 =	ssub.s32 @!p0 $0x0, s1;
	[sflag:s0] =	ssyncset.done @!p0 $0x0  }
0xba: {  	[sflag:s0] =	ssyncadd.s32 @!p0 s1  }
0xbb: {  	[bflag:$0x3] =	sbarrier.arrive $0xFFFF  }
0xbc: {  	_ =	shalt  }

</sc_bundles>
